<compile_context>
chip_gen: v7x
topology: tpu7x:2x2x1
jax: 0.10.2.dev20260603
libtpu: 0.0.44.dev20260713+nightly
codegen_flags: <defaults>
</compile_context>

<pallas_src>
import functools

import jax
import jax.numpy as jnp
from jax import lax
from jax.experimental import pallas as pl
from jax.experimental.pallas import tpu as pltpu
from jax.experimental.pallas import tpu_sc as plsc

N = 10000
NP = 10240
E = 160000
G = 64
C = 16
H = 512
LANE = 128
NTILES = 16
EPT = E // NTILES
EPTP = 10000
B = 80
NB = EPTP // B
NBP = 128
KH = NB // 2
RPT = NP // NTILES
ECT = E // 32
ECTP = 5120
NBC = ECTP // B
NBT = 1000


def _sc_mesh():
    return plsc.VectorSubcoreMesh(core_axis_name="c", subcore_axis_name="s")


def _make_sc_agg(nchunk, with_cnt=False):
    cpc = nchunk // 2

    def body(x3, srcr, dst2p, dstc, ones_h, zrows, out,
             src_v, dst_v, dstc_v, rows_v, acc_s, sem):
        cid = lax.axis_index("c")
        sid = lax.axis_index("s")
        pltpu.sync_copy(srcr.at[pl.ds(sid * EPTP, EPTP)], src_v)
        pltpu.sync_copy(dst2p.at[pl.ds(sid * NBP, NBP)], dst_v)
        r0 = sid * RPT

        def run_chunk(ci):
            table = x3.at[ci]
            pltpu.sync_copy(zrows, acc_s.at[pl.ds(r0, RPT)])
            plsc.subcore_barrier()

            def step(b, carry):
                off = pl.multiple_of(b * B, B)
                pltpu.async_copy(
                    table.at[src_v.at[pl.ds(off, B)]], rows_v, sem
                ).wait()
                pltpu.sync_copy(rows_v, acc_s.at[dst_v.at[b]], add=True)
                return carry

            lax.fori_loop(0, NB, step, 0)
            plsc.subcore_barrier()
            pltpu.sync_copy(acc_s.at[pl.ds(r0, RPT)],
                            out.at[ci].at[pl.ds(r0, RPT)])
            plsc.subcore_barrier()

        @pl.when(cid == 0)
        def _():
            for ci in range(cpc):
                run_chunk(ci)

        @pl.when(cid == 1)
        def _():
            for ci in range(cpc, nchunk):
                run_chunk(ci)

        if with_cnt:
            w = cid * NTILES + sid
            pltpu.sync_copy(ones_h, rows_v)
            pltpu.sync_copy(dstc.at[pl.ds(w * NBC, NBC)], dstc_v)
            pltpu.sync_copy(zrows, acc_s.at[pl.ds(r0, RPT)])
            plsc.subcore_barrier()

            def cstep(b, carry):
                pltpu.sync_copy(rows_v, acc_s.at[dstc_v.at[b]], add=True)
                return carry

            lax.fori_loop(0, NBC, cstep, 0)
            plsc.subcore_barrier()
            pltpu.sync_copy(acc_s.at[pl.ds(r0, RPT)],
                            out.at[nchunk + cid].at[pl.ds(r0, RPT)])

    nout = nchunk + 2 if with_cnt else nchunk
    return pl.kernel(
        body,
        out_type=jax.ShapeDtypeStruct((nout, NP, LANE), jnp.float32),
        mesh=_sc_mesh(),
        scratch_types=[
            pltpu.VMEM((EPTP,), jnp.int32),
            pltpu.VMEM((NBP, B), jnp.int32),
            pltpu.VMEM((NBC, B), jnp.int32),
            pltpu.VMEM((B, LANE), jnp.float32),
            pltpu.VMEM_SHARED((NP, LANE), jnp.float32),
            pltpu.SemaphoreType.DMA,
        ],
    )


def _make_tc_layer(nc_in, relu):

    def body(agg_ref, x_ref, cnt_ref, w_ref, b_ref, o_ref):
        cnt = cnt_ref[0, :, 0:1] + cnt_ref[1, :, 0:1]
        inv = 1.0 / jnp.maximum(cnt, 1.0)
        parts = [agg_ref[ci] * inv for ci in range(nc_in)]
        parts += [x_ref[ci] for ci in range(nc_in)]
        cat = jnp.concatenate(parts, axis=1)
        acc = jnp.dot(cat, w_ref[...], preferred_element_type=jnp.float32)
        acc = acc + b_ref[...]
        if relu:
            acc = jnp.maximum(acc, 0.0)
        for co in range(H // LANE):
            o_ref[co] = acc[:, co * LANE:(co + 1) * LANE]

    return pl.pallas_call(
        body,
        grid=(N // NBT,),
        in_specs=[
            pl.BlockSpec((nc_in, NBT, LANE), lambda i: (0, i, 0)),
            pl.BlockSpec((nc_in, NBT, LANE), lambda i: (0, i, 0)),
            pl.BlockSpec((2, NBT, LANE), lambda i: (1, i, 0)),
            pl.BlockSpec((2 * nc_in * LANE, H), lambda i: (0, 0)),
            pl.BlockSpec((1, H), lambda i: (0, 0)),
        ],
        out_specs=pl.BlockSpec((H // LANE, NBT, LANE), lambda i: (0, i, 0)),
        out_shape=jax.ShapeDtypeStruct((H // LANE, N, LANE), jnp.float32),
    )


def _make_tc_last():

    def body(agg_ref, x_ref, cnt_ref, w_ref, b_ref, bat_ref,
             w1_ref, c1_ref, w2_ref, c2_ref, w3_ref, c3_ref,
             o_ref, accp, accc):
        i = pl.program_id(0)

        @pl.when(i == 0)
        def _():
            accp[...] = jnp.zeros_like(accp)
            accc[...] = jnp.zeros_like(accc)

        cnt = cnt_ref[0, :, 0:1] + cnt_ref[1, :, 0:1]
        inv = 1.0 / jnp.maximum(cnt, 1.0)
        parts = [agg_ref[ci] * inv for ci in range(4)]
        parts += [x_ref[ci] for ci in range(4)]
        cat = jnp.concatenate(parts, axis=1)
        h = jnp.dot(cat, w_ref[...], preferred_element_type=jnp.float32)
        h = h + b_ref[...]

        bids = bat_ref[0, 0, :]
        P = (bids[None, :] ==
             lax.broadcasted_iota(jnp.int32, (G, NBT), 0)).astype(jnp.float32)
        accp[...] += jnp.dot(P, h, preferred_element_type=jnp.float32)
        accc[...] += jnp.sum(P, axis=1, keepdims=True)

        @pl.when(i == pl.num_programs(0) - 1)
        def _():
            invg = 1.0 / jnp.maximum(accc[:, 0:1], 1.0)
            pooled = accp[...] * invg
            z = jnp.dot(pooled, w1_ref[...], preferred_element_type=jnp.float32)
            z = jnp.maximum(z + c1_ref[...], 0.0)
            z = jnp.dot(z, w2_ref[...], preferred_element_type=jnp.float32)
            z = jnp.maximum(z + c2_ref[...], 0.0)
            z = jnp.dot(z, w3_ref[...], preferred_element_type=jnp.float32)
            o_ref[...] = z + c3_ref[...]

    return pl.pallas_call(
        body,
        grid=(N // NBT,),
        in_specs=[
            pl.BlockSpec((4, NBT, LANE), lambda i: (0, i, 0)),
            pl.BlockSpec((4, NBT, LANE), lambda i: (0, i, 0)),
            pl.BlockSpec((2, NBT, LANE), lambda i: (1, i, 0)),
            pl.BlockSpec((8 * LANE, H), lambda i: (0, 0)),
            pl.BlockSpec((1, H), lambda i: (0, 0)),
            pl.BlockSpec((1, 1, NBT), lambda i: (i, 0, 0)),
            pl.BlockSpec((H, H), lambda i: (0, 0)),
            pl.BlockSpec((1, H), lambda i: (0, 0)),
            pl.BlockSpec((H, H), lambda i: (0, 0)),
            pl.BlockSpec((1, H), lambda i: (0, 0)),
            pl.BlockSpec((H, C), lambda i: (0, 0)),
            pl.BlockSpec((1, C), lambda i: (0, 0)),
        ],
        out_specs=pl.BlockSpec((G, C), lambda i: (0, 0)),
        out_shape=jax.ShapeDtypeStruct((G, C), jnp.float32),
        scratch_shapes=[
            pltpu.VMEM((G, H), jnp.float32),
            pltpu.VMEM((G, LANE), jnp.float32),
        ],
    )


def _make_tc_final():

    def body(h_ref, bat_ref, w1_ref, c1_ref, w2_ref, c2_ref, w3_ref, c3_ref,
             o_ref, accp, accc):
        i = pl.program_id(0)

        @pl.when(i == 0)
        def _():
            accp[...] = jnp.zeros_like(accp)
            accc[...] = jnp.zeros_like(accc)

        bids = bat_ref[0, 0, :]
        P = (bids[None, :] ==
             lax.broadcasted_iota(jnp.int32, (G, NBT), 0)).astype(jnp.float32)
        hcat = jnp.concatenate([h_ref[ci] for ci in range(H // LANE)], axis=1)
        accp[...] += jnp.dot(P, hcat, preferred_element_type=jnp.float32)
        accc[...] += jnp.sum(P, axis=1, keepdims=True)

        @pl.when(i == pl.num_programs(0) - 1)
        def _():
            invg = 1.0 / jnp.maximum(accc[:, 0:1], 1.0)
            pooled = accp[...] * invg
            z = jnp.dot(pooled, w1_ref[...], preferred_element_type=jnp.float32)
            z = jnp.maximum(z + c1_ref[...], 0.0)
            z = jnp.dot(z, w2_ref[...], preferred_element_type=jnp.float32)
            z = jnp.maximum(z + c2_ref[...], 0.0)
            z = jnp.dot(z, w3_ref[...], preferred_element_type=jnp.float32)
            o_ref[...] = z + c3_ref[...]

    return pl.pallas_call(
        body,
        grid=(N // NBT,),
        in_specs=[
            pl.BlockSpec((H // LANE, NBT, LANE), lambda i: (0, i, 0)),
            pl.BlockSpec((1, 1, NBT), lambda i: (i, 0, 0)),
            pl.BlockSpec((H, H), lambda i: (0, 0)),
            pl.BlockSpec((1, H), lambda i: (0, 0)),
            pl.BlockSpec((H, H), lambda i: (0, 0)),
            pl.BlockSpec((1, H), lambda i: (0, 0)),
            pl.BlockSpec((H, C), lambda i: (0, 0)),
            pl.BlockSpec((1, C), lambda i: (0, 0)),
        ],
        out_specs=pl.BlockSpec((G, C), lambda i: (0, 0)),
        out_shape=jax.ShapeDtypeStruct((G, C), jnp.float32),
        scratch_shapes=[
            pltpu.VMEM((G, H), jnp.float32),
            pltpu.VMEM((G, LANE), jnp.float32),
        ],
    )


def kernel(x, edge_index, batch, W1r, W1s, b1, W2r, W2s, b2, W3r, W3s, b3,
           Wl1, bl1, Wl2, bl2, Wl, bl):
    src = edge_index[0]
    dst = edge_index[1]
    srcp = src
    dst2p = jnp.pad(dst.reshape(NTILES, NB, B),
                    ((0, 0), (0, NBP - NB), (0, 0)),
                    constant_values=N).reshape(NTILES * NBP, B)
    dstc = jnp.pad(dst.reshape(32, ECT), ((0, 0), (0, ECTP - ECT)),
                   constant_values=N).reshape(32 * NBC, B)
    x3 = x.reshape(N, 2, LANE).transpose(1, 0, 2)
    zrows = jnp.zeros((RPT, LANE), jnp.float32)
    ones_c = jnp.ones((B, LANE), jnp.float32)
    W21 = jnp.concatenate([W1r.T, W1s.T], axis=0)
    W22 = jnp.concatenate([W2r.T, W2s.T], axis=0)
    W23 = jnp.concatenate([W3r.T, W3s.T], axis=0)

    agg1c = _make_sc_agg(2, with_cnt=True)(x3, srcp, dst2p, dstc, ones_c,
                                           zrows)
    h1 = _make_tc_layer(2, True)(agg1c, x3, agg1c, W21, b1.reshape(1, H))
    agg2 = _make_sc_agg(4)(h1, srcp, dst2p, dstc, ones_c, zrows)
    h2 = _make_tc_layer(4, True)(agg2, h1, agg1c, W22, b2.reshape(1, H))
    agg3 = _make_sc_agg(4)(h2, srcp, dst2p, dstc, ones_c, zrows)
    out = _make_tc_last()(
        agg3, h2, agg1c, W23, b3.reshape(1, H),
        batch.reshape(N // NBT, 1, NBT),
        Wl1.T, bl1.reshape(1, H),
        Wl2.T, bl2.reshape(1, H),
        Wl.T, bl.reshape(1, C))
    return out

# --- scband reference (transcript-rebuilt; emitter-appended) ---
"""Pipeline reference for scband-model-1-10754598109514 (READ-ONLY COPY).

The authoritative reference and input builder live on the scoring server;
editing this copy changes nothing except your own understanding.
"""

import jax, jax.numpy as jnp
import numpy as np

N = 10000
E = 160000
IN = 256
H = 512
C = 16
G = 64


def setup_inputs(seed: int = 0) -> dict:
    key = jax.random.key(seed)
    ks = jax.random.split(key, 20)
    x = jax.random.normal(ks[0], (N, IN), dtype=jnp.float32)
    edge_index = jax.random.randint(ks[1], (2, E), 0, N, dtype=jnp.int32)
    batch = jnp.sort(jax.random.randint(ks[2], (N,), 0, G, dtype=jnp.int32))
    s = 0.02
    W1r = s * jax.random.normal(ks[3], (H, IN), dtype=jnp.float32)
    W1s = s * jax.random.normal(ks[4], (H, IN), dtype=jnp.float32)
    b1 = jnp.zeros((H,), dtype=jnp.float32)
    W2r = s * jax.random.normal(ks[5], (H, H), dtype=jnp.float32)
    W2s = s * jax.random.normal(ks[6], (H, H), dtype=jnp.float32)
    b2 = jnp.zeros((H,), dtype=jnp.float32)
    W3r = s * jax.random.normal(ks[7], (H, H), dtype=jnp.float32)
    W3s = s * jax.random.normal(ks[8], (H, H), dtype=jnp.float32)
    b3 = jnp.zeros((H,), dtype=jnp.float32)
    Wl1 = s * jax.random.normal(ks[9], (H, H), dtype=jnp.float32)
    bl1 = jnp.zeros((H,), dtype=jnp.float32)
    Wl2 = s * jax.random.normal(ks[10], (H, H), dtype=jnp.float32)
    bl2 = jnp.zeros((H,), dtype=jnp.float32)
    Wl = s * jax.random.normal(ks[11], (C, H), dtype=jnp.float32)
    bl = jnp.zeros((C,), dtype=jnp.float32)
    return {"x": x, "edge_index": edge_index, "batch": batch,
            "W1r": W1r, "W1s": W1s, "b1": b1,
            "W2r": W2r, "W2s": W2s, "b2": b2,
            "W3r": W3r, "W3s": W3s, "b3": b3,
            "Wl1": Wl1, "bl1": bl1, "Wl2": Wl2, "bl2": bl2,
            "Wl": Wl, "bl": bl}


def _graph_conv_mean(x, src, dst, Wr, Ws, b):
    # PyG GraphConv with aggr='mean': out_i = W_rel @ mean_{j->i} x_j + W_root @ x_i + b
    msgs = x[src]
    agg = jax.ops.segment_sum(msgs, dst, num_segments=N)
    cnt = jax.ops.segment_sum(jnp.ones((src.shape[0], 1), x.dtype), dst, num_segments=N)
    agg = agg / jnp.maximum(cnt, 1.0)
    return agg @ Wr.T + x @ Ws.T + b


def reference(x, edge_index, batch, W1r, W1s, b1, W2r, W2s, b2, W3r, W3s, b3, Wl1, bl1, Wl2, bl2, Wl, bl):
    src, dst = edge_index[0], edge_index[1]
    h = _graph_conv_mean(x, src, dst, W1r, W1s, b1)
    h = jax.nn.relu(h)
    h = _graph_conv_mean(h, src, dst, W2r, W2s, b2)
    h = jax.nn.relu(h)
    h = _graph_conv_mean(h, src, dst, W3r, W3s, b3)
    # global_mean_pool over batch assignment
    pooled = jax.ops.segment_sum(h, batch, num_segments=G)
    gcnt = jax.ops.segment_sum(jnp.ones((N, 1), h.dtype), batch, num_segments=G)
    pooled = pooled / jnp.maximum(gcnt, 1.0)
    # dropout p=0.1 is identity in eval mode
    z = jax.nn.relu(pooled @ Wl1.T + bl1)
    z = jax.nn.relu(z @ Wl2.T + bl2)
    out = z @ Wl.T + bl
    return out

if __name__ == "__main__":
    import jax
    _d = setup_inputs()
    print(jax.jit(kernel)(*tuple(_d.values())))

</pallas_src>

<mosaic_0001>
#map = affine_map<(d0, d1) -> (0, 0, 0)>
#map1 = affine_map<(d0, d1) -> (0)>
#map2 = affine_map<(d0, d1) -> (0, 0)>
module attributes {stable_mosaic.version = 14 : i64} {
  func.func @body(%arg0: i32, %arg1: i32, %arg2: memref<2x10000x128xf32, #tpu.memory_space<hbm>>, %arg3: memref<160000xi32, #tpu.memory_space<hbm>>, %arg4: memref<2048x80xi32, #tpu.memory_space<hbm>>, %arg5: memref<2048x80xi32, #tpu.memory_space<hbm>>, %arg6: memref<80x128xf32, #tpu.memory_space<hbm>>, %arg7: memref<640x128xf32, #tpu.memory_space<hbm>>, %arg8: memref<4x10240x128xf32, #tpu.memory_space<hbm>>, %arg9: memref<10000xi32, #tpu.memory_space<vmem>>, %arg10: memref<128x80xi32, #tpu.memory_space<vmem>>, %arg11: memref<64x80xi32, #tpu.memory_space<vmem>>, %arg12: memref<80x128xf32, #tpu.memory_space<vmem>>, %arg13: memref<10240x128xf32, #tpu.memory_space<vmem_shared>>, %arg14: memref<!tpu.dma_semaphore, #tpu.memory_space<semaphore_mem>>) attributes {dimension_semantics = [#tpu.dimension_semantics<core_parallel>, #tpu.dimension_semantics<subcore_parallel>], iteration_bounds = array<i64: 2, 16>, scalar_prefetch = 0 : i64, scratch_operands = 6 : i64, tpu.core_type = #tpu.core_type<sc_vector_subcore>, window_params = [{transform_indices = #map}, {transform_indices = #map1}, {transform_indices = #map2}, {transform_indices = #map2}, {transform_indices = #map2}, {transform_indices = #map2}, {transform_indices = #map}]} {
    %mul3A = arith.constant 10000 : i32
    %mul3A_0 = arith.muli %arg1, %mul3A : i32
    "tpu.region"() ({
      %run_scoped3A = tpu.sem_alloc : memref<!tpu.dma_semaphore, #tpu.memory_space<semaphore_mem>>
      %dma_start3A = tpu.memref_slice %arg3[%mul3A_0] : memref<160000xi32, #tpu.memory_space<hbm>> -> memref<10000xi32, #tpu.memory_space<hbm>>
      %dma_start3A_24 = tpu.memref_slice %arg3[%mul3A_0] : memref<160000xi32, #tpu.memory_space<hbm>> -> memref<10000xi32, #tpu.memory_space<hbm>>
      tpu.enqueue_dma source(%dma_start3A_24 : memref<10000xi32, #tpu.memory_space<hbm>>) target(%arg9 : memref<10000xi32, #tpu.memory_space<vmem>>) target_semaphore(%run_scoped3A : memref<!tpu.dma_semaphore, #tpu.memory_space<semaphore_mem>>)
      %dma_wait3A = tpu.memref_slice %arg3[%mul3A_0] : memref<160000xi32, #tpu.memory_space<hbm>> -> memref<10000xi32, #tpu.memory_space<hbm>>
      %dma_wait3A_25 = tpu.memref_slice %arg3[%mul3A_0] : memref<160000xi32, #tpu.memory_space<hbm>> -> memref<10000xi32, #tpu.memory_space<hbm>>
      tpu.wait_dma2 semaphore(%run_scoped3A : memref<!tpu.dma_semaphore, #tpu.memory_space<semaphore_mem>>) src(%dma_wait3A_25 : memref<10000xi32, #tpu.memory_space<hbm>>) dst(%arg9 : memref<10000xi32, #tpu.memory_space<vmem>>)
      tpu.yield
    }) : () -> ()
    %mul3A_1 = arith.constant 128 : i32
    %mul3A_2 = arith.muli %arg1, %mul3A_1 : i32
    "tpu.region"() ({
      %run_scoped3A = tpu.sem_alloc : memref<!tpu.dma_semaphore, #tpu.memory_space<semaphore_mem>>
      %dma_start3A = arith.constant 0 : i32
      %dma_start3A_24 = tpu.memref_slice %arg4[%mul3A_2, %dma_start3A] : memref<2048x80xi32, #tpu.memory_space<hbm>> -> memref<128x80xi32, #tpu.memory_space<hbm>>
      %dma_start3A_25 = arith.constant 0 : i32
      %dma_start3A_26 = tpu.memref_slice %arg4[%mul3A_2, %dma_start3A_25] : memref<2048x80xi32, #tpu.memory_space<hbm>> -> memref<128x80xi32, #tpu.memory_space<hbm>>
      tpu.enqueue_dma source(%dma_start3A_26 : memref<128x80xi32, #tpu.memory_space<hbm>>) target(%arg10 : memref<128x80xi32, #tpu.memory_space<vmem>>) target_semaphore(%run_scoped3A : memref<!tpu.dma_semaphore, #tpu.memory_space<semaphore_mem>>)
      %dma_wait3A = arith.constant 0 : i32
      %dma_wait3A_27 = tpu.memref_slice %arg4[%mul3A_2, %dma_wait3A] : memref<2048x80xi32, #tpu.memory_space<hbm>> -> memref<128x80xi32, #tpu.memory_space<hbm>>
      %dma_wait3A_28 = arith.constant 0 : i32
      %dma_wait3A_29 = tpu.memref_slice %arg4[%mul3A_2, %dma_wait3A_28] : memref<2048x80xi32, #tpu.memory_space<hbm>> -> memref<128x80xi32, #tpu.memory_space<hbm>>
      tpu.wait_dma2 semaphore(%run_scoped3A : memref<!tpu.dma_semaphore, #tpu.memory_space<semaphore_mem>>) src(%dma_wait3A_29 : memref<128x80xi32, #tpu.memory_space<hbm>>) dst(%arg10 : memref<128x80xi32, #tpu.memory_space<vmem>>)
      tpu.yield
    }) : () -> ()
    %mul3A_3 = arith.constant 640 : i32
    %mul3A_4 = arith.muli %arg1, %mul3A_3 : i32
    %eq3A = arith.constant 0 : i32
    %eq3A_5 = arith.cmpi eq, %arg0, %eq3A : i32
    %convert_element_type3A = arith.extui %eq3A_5 : i1 to i32
    %cond3A = arith.constant 0 : i32
    %cond3A_6 = arith.cmpi ne, %convert_element_type3A, %cond3A : i32
    scf.if %cond3A_6 {
      "tpu.region"() ({
        %run_scoped3A_34 = tpu.sem_alloc : memref<!tpu.dma_semaphore, #tpu.memory_space<semaphore_mem>>
        %dma_start3A = arith.constant 0 : i32
        %dma_start3A_35 = tpu.memref_slice %arg13[%mul3A_4, %dma_start3A] : memref<10240x128xf32, #tpu.memory_space<vmem_shared>> -> memref<640x128xf32, #tpu.memory_space<vmem_shared>>
        tpu.enqueue_dma source(%arg7 : memref<640x128xf32, #tpu.memory_space<hbm>>) target(%dma_start3A_35 : memref<640x128xf32, #tpu.memory_space<vmem_shared>>) target_semaphore(%run_scoped3A_34 : memref<!tpu.dma_semaphore, #tpu.memory_space<semaphore_mem>>)
        %dma_wait3A = arith.constant 0 : i32
        %dma_wait3A_36 = tpu.memref_slice %arg13[%mul3A_4, %dma_wait3A] : memref<10240x128xf32, #tpu.memory_space<vmem_shared>> -> memref<640x128xf32, #tpu.memory_space<vmem_shared>>
        tpu.wait_dma2 semaphore(%run_scoped3A_34 : memref<!tpu.dma_semaphore, #tpu.memory_space<semaphore_mem>>) src(%arg7 : memref<640x128xf32, #tpu.memory_space<hbm>>) dst(%dma_wait3A_36 : memref<640x128xf32, #tpu.memory_space<vmem_shared>>)
        tpu.yield
      }) : () -> ()
      %barrier3A_24 = arith.constant 0 : index
      tpu.barrier barrier_id(%barrier3A_24)
      %scan3A_25 = arith.constant 0 : i32
      %scan3A_26 = arith.constant 0 : i32
      %scan3A_27 = arith.constant 0 : i32
      %scan3A_28 = arith.constant 125 : i32
      %scan3A_29 = arith.addi %scan3A_27, %scan3A_28 : i32
      %scan3A_30 = arith.constant 1 : i32
      scf.for %scan3A_34 = %scan3A_27 to %scan3A_29 step %scan3A_30  : i32 {
        %mul3A_35 = arith.constant 80 : i32
        %mul3A_36 = arith.muli %scan3A_34, %mul3A_35 : i32
        %multiple_of3A = tpu.assume_multiple %mul3A_36, 80 : i32
        %dma_start3A = tpu.memref_slice %arg9[%multiple_of3A] : memref<10000xi32, #tpu.memory_space<vmem>> -> memref<80xi32, #tpu.memory_space<vmem>>
        %dma_start3A_37 = arith.constant 0 : i32
        %dma_start3A_38 = arith.constant 0 : i32
        %dma_start3A_39 = tpu.memref_slice %arg2[%scan3A_26, %dma_start3A_37, %dma_start3A_38] : memref<2x10000x128xf32, #tpu.memory_space<hbm>> -> memref<1x10000x128xf32, #tpu.memory_space<hbm>>
        %dma_start3A_40 = tpu.memref_squeeze %dma_start3A_39 : memref<1x10000x128xf32, #tpu.memory_space<hbm>> -> memref<10000x128xf32, #tpu.memory_space<hbm>>
        %dma_start3A_41 = arith.constant 0 : i32
        %dma_start3A_42 = arith.constant 0 : i32
        %dma_start3A_43 = tpu.memref_slice %dma_start3A_40[%dma_start3A_41, %dma_start3A_42] : memref<10000x128xf32, #tpu.memory_space<hbm>> -> memref<10000x128xf32, #tpu.memory_space<hbm>>
        tpu.enqueue_indirect_dma source(%dma_start3A_43 : memref<10000x128xf32, #tpu.memory_space<hbm>>) target(%arg12 : memref<80x128xf32, #tpu.memory_space<vmem>>) offsets(%dma_start3A : memref<80xi32, #tpu.memory_space<vmem>>) semaphore(%arg14 : memref<!tpu.dma_semaphore, #tpu.memory_space<semaphore_mem>>)
        %dma_wait3A = tpu.memref_slice %arg9[%multiple_of3A] : memref<10000xi32, #tpu.memory_space<vmem>> -> memref<80xi32, #tpu.memory_space<vmem>>
        %dma_wait3A_44 = arith.constant 0 : i32
        %dma_wait3A_45 = arith.constant 0 : i32
        %dma_wait3A_46 = tpu.memref_slice %arg2[%scan3A_26, %dma_wait3A_44, %dma_wait3A_45] : memref<2x10000x128xf32, #tpu.memory_space<hbm>> -> memref<1x10000x128xf32, #tpu.memory_space<hbm>>
        %dma_wait3A_47 = tpu.memref_squeeze %dma_wait3A_46 : memref<1x10000x128xf32, #tpu.memory_space<hbm>> -> memref<10000x128xf32, #tpu.memory_space<hbm>>
        %dma_wait3A_48 = arith.constant 0 : i32
        %dma_wait3A_49 = arith.constant 0 : i32
        %dma_wait3A_50 = tpu.memref_slice %dma_wait3A_47[%dma_wait3A_48, %dma_wait3A_49] : memref<10000x128xf32, #tpu.memory_space<hbm>> -> memref<10000x128xf32, #tpu.memory_space<hbm>>
        tpu.wait_indirect_dma semaphore(%arg14 : memref<!tpu.dma_semaphore, #tpu.memory_space<semaphore_mem>>) src(%dma_wait3A_50 : memref<10000x128xf32, #tpu.memory_space<hbm>>) dst(%arg12 : memref<80x128xf32, #tpu.memory_space<vmem>>)
        "tpu.region"() ({
          %run_scoped3A_51 = tpu.sem_alloc : memref<!tpu.dma_semaphore, #tpu.memory_space<semaphore_mem>>
          %dma_start3A_52 = arith.constant 0 : i32
          %dma_start3A_53 = tpu.memref_slice %arg10[%scan3A_34, %dma_start3A_52] : memref<128x80xi32, #tpu.memory_space<vmem>> -> memref<1x80xi32, #tpu.memory_space<vmem>>
          %dma_start3A_54 = tpu.memref_squeeze %dma_start3A_53 : memref<1x80xi32, #tpu.memory_space<vmem>> -> memref<80xi32, #tpu.memory_space<vmem>>
          %dma_start3A_55 = arith.constant 0 : i32
          %dma_start3A_56 = arith.constant 0 : i32
          %dma_start3A_57 = tpu.memref_slice %arg13[%dma_start3A_55, %dma_start3A_56] : memref<10240x128xf32, #tpu.memory_space<vmem_shared>> -> memref<10240x128xf32, #tpu.memory_space<vmem_shared>>
          tpu.enqueue_indirect_dma source(%arg12 : memref<80x128xf32, #tpu.memory_space<vmem>>) target(%dma_start3A_57 : memref<10240x128xf32, #tpu.memory_space<vmem_shared>>) offsets(%dma_start3A_54 : memref<80xi32, #tpu.memory_space<vmem>>) semaphore(%run_scoped3A_51 : memref<!tpu.dma_semaphore, #tpu.memory_space<semaphore_mem>>) {add = true}
          %dma_wait3A_58 = arith.constant 0 : i32
          %dma_wait3A_59 = tpu.memref_slice %arg10[%scan3A_34, %dma_wait3A_58] : memref<128x80xi32, #tpu.memory_space<vmem>> -> memref<1x80xi32, #tpu.memory_space<vmem>>
          %dma_wait3A_60 = tpu.memref_squeeze %dma_wait3A_59 : memref<1x80xi32, #tpu.memory_space<vmem>> -> memref<80xi32, #tpu.memory_space<vmem>>
          %dma_wait3A_61 = arith.constant 0 : i32
          %dma_wait3A_62 = arith.constant 0 : i32
          %dma_wait3A_63 = tpu.memref_slice %arg13[%dma_wait3A_61, %dma_wait3A_62] : memref<10240x128xf32, #tpu.memory_space<vmem_shared>> -> memref<10240x128xf32, #tpu.memory_space<vmem_shared>>
          tpu.wait_indirect_dma semaphore(%run_scoped3A_51 : memref<!tpu.dma_semaphore, #tpu.memory_space<semaphore_mem>>) src(%arg12 : memref<80x128xf32, #tpu.memory_space<vmem>>) dst(%dma_wait3A_63 : memref<10240x128xf32, #tpu.memory_space<vmem_shared>>)
          tpu.yield
        }) : () -> ()
      }
      %scan3A_31 = arith.constant 125 : i32
      %barrier3A_32 = arith.constant 0 : index
      tpu.barrier barrier_id(%barrier3A_32)
      %run_scoped3A = arith.constant 0 : i32
      "tpu.region"() ({
        %run_scoped3A_34 = tpu.sem_alloc : memref<!tpu.dma_semaphore, #tpu.memory_space<semaphore_mem>>
        %dma_start3A = arith.constant 0 : i32
        %dma_start3A_35 = arith.constant 0 : i32
        %dma_start3A_36 = tpu.memref_slice %arg8[%run_scoped3A, %dma_start3A, %dma_start3A_35] : memref<4x10240x128xf32, #tpu.memory_space<hbm>> -> memref<1x10240x128xf32, #tpu.memory_space<hbm>>
        %dma_start3A_37 = tpu.memref_squeeze %dma_start3A_36 : memref<1x10240x128xf32, #tpu.memory_space<hbm>> -> memref<10240x128xf32, #tpu.memory_space<hbm>>
        %dma_start3A_38 = arith.constant 0 : i32
        %dma_start3A_39 = tpu.memref_slice %dma_start3A_37[%mul3A_4, %dma_start3A_38] : memref<10240x128xf32, #tpu.memory_space<hbm>> -> memref<640x128xf32, #tpu.memory_space<hbm>>
        %dma_start3A_40 = arith.constant 0 : i32
        %dma_start3A_41 = tpu.memref_slice %arg13[%mul3A_4, %dma_start3A_40] : memref<10240x128xf32, #tpu.memory_space<vmem_shared>> -> memref<640x128xf32, #tpu.memory_space<vmem_shared>>
        tpu.enqueue_dma source(%dma_start3A_41 : memref<640x128xf32, #tpu.memory_space<vmem_shared>>) target(%dma_start3A_39 : memref<640x128xf32, #tpu.memory_space<hbm>>) target_semaphore(%run_scoped3A_34 : memref<!tpu.dma_semaphore, #tpu.memory_space<semaphore_mem>>)
        %dma_wait3A = arith.constant 0 : i32
        %dma_wait3A_42 = arith.constant 0 : i32
        %dma_wait3A_43 = tpu.memref_slice %arg8[%run_scoped3A, %dma_wait3A, %dma_wait3A_42] : memref<4x10240x128xf32, #tpu.memory_space<hbm>> -> memref<1x10240x128xf32, #tpu.memory_space<hbm>>
        %dma_wait3A_44 = tpu.memref_squeeze %dma_wait3A_43 : memref<1x10240x128xf32, #tpu.memory_space<hbm>> -> memref<10240x128xf32, #tpu.memory_space<hbm>>
        %dma_wait3A_45 = arith.constant 0 : i32
        %dma_wait3A_46 = tpu.memref_slice %dma_wait3A_44[%mul3A_4, %dma_wait3A_45] : memref<10240x128xf32, #tpu.memory_space<hbm>> -> memref<640x128xf32, #tpu.memory_space<hbm>>
        %dma_wait3A_47 = arith.constant 0 : i32
        %dma_wait3A_48 = tpu.memref_slice %arg13[%mul3A_4, %dma_wait3A_47] : memref<10240x128xf32, #tpu.memory_space<vmem_shared>> -> memref<640x128xf32, #tpu.memory_space<vmem_shared>>
        tpu.wait_dma2 semaphore(%run_scoped3A_34 : memref<!tpu.dma_semaphore, #tpu.memory_space<semaphore_mem>>) src(%dma_wait3A_48 : memref<640x128xf32, #tpu.memory_space<vmem_shared>>) dst(%dma_wait3A_46 : memref<640x128xf32, #tpu.memory_space<hbm>>)
        tpu.yield
      }) : () -> ()
      %barrier3A_33 = arith.constant 0 : index
      tpu.barrier barrier_id(%barrier3A_33)
    } else {
    }
    %eq3A_7 = arith.constant 1 : i32
    %eq3A_8 = arith.cmpi eq, %arg0, %eq3A_7 : i32
    %convert_element_type3A_9 = arith.extui %eq3A_8 : i1 to i32
    %cond3A_10 = arith.constant 0 : i32
    %cond3A_11 = arith.cmpi ne, %convert_element_type3A_9, %cond3A_10 : i32
    scf.if %cond3A_11 {
      "tpu.region"() ({
        %run_scoped3A_34 = tpu.sem_alloc : memref<!tpu.dma_semaphore, #tpu.memory_space<semaphore_mem>>
        %dma_start3A = arith.constant 0 : i32
        %dma_start3A_35 = tpu.memref_slice %arg13[%mul3A_4, %dma_start3A] : memref<10240x128xf32, #tpu.memory_space<vmem_shared>> -> memref<640x128xf32, #tpu.memory_space<vmem_shared>>
        tpu.enqueue_dma source(%arg7 : memref<640x128xf32, #tpu.memory_space<hbm>>) target(%dma_start3A_35 : memref<640x128xf32, #tpu.memory_space<vmem_shared>>) target_semaphore(%run_scoped3A_34 : memref<!tpu.dma_semaphore, #tpu.memory_space<semaphore_mem>>)
        %dma_wait3A = arith.constant 0 : i32
        %dma_wait3A_36 = tpu.memref_slice %arg13[%mul3A_4, %dma_wait3A] : memref<10240x128xf32, #tpu.memory_space<vmem_shared>> -> memref<640x128xf32, #tpu.memory_space<vmem_shared>>
        tpu.wait_dma2 semaphore(%run_scoped3A_34 : memref<!tpu.dma_semaphore, #tpu.memory_space<semaphore_mem>>) src(%arg7 : memref<640x128xf32, #tpu.memory_space<hbm>>) dst(%dma_wait3A_36 : memref<640x128xf32, #tpu.memory_space<vmem_shared>>)
        tpu.yield
      }) : () -> ()
      %barrier3A_24 = arith.constant 0 : index
      tpu.barrier barrier_id(%barrier3A_24)
      %scan3A_25 = arith.constant 0 : i32
      %scan3A_26 = arith.constant 1 : i32
      %scan3A_27 = arith.constant 0 : i32
      %scan3A_28 = arith.constant 125 : i32
      %scan3A_29 = arith.addi %scan3A_27, %scan3A_28 : i32
      %scan3A_30 = arith.constant 1 : i32
      scf.for %scan3A_34 = %scan3A_27 to %scan3A_29 step %scan3A_30  : i32 {
        %mul3A_35 = arith.constant 80 : i32
        %mul3A_36 = arith.muli %scan3A_34, %mul3A_35 : i32
        %multiple_of3A = tpu.assume_multiple %mul3A_36, 80 : i32
        %dma_start3A = tpu.memref_slice %arg9[%multiple_of3A] : memref<10000xi32, #tpu.memory_space<vmem>> -> memref<80xi32, #tpu.memory_space<vmem>>
        %dma_start3A_37 = arith.constant 0 : i32
        %dma_start3A_38 = arith.constant 0 : i32
        %dma_start3A_39 = tpu.memref_slice %arg2[%scan3A_26, %dma_start3A_37, %dma_start3A_38] : memref<2x10000x128xf32, #tpu.memory_space<hbm>> -> memref<1x10000x128xf32, #tpu.memory_space<hbm>>
        %dma_start3A_40 = tpu.memref_squeeze %dma_start3A_39 : memref<1x10000x128xf32, #tpu.memory_space<hbm>> -> memref<10000x128xf32, #tpu.memory_space<hbm>>
        %dma_start3A_41 = arith.constant 0 : i32
        %dma_start3A_42 = arith.constant 0 : i32
        %dma_start3A_43 = tpu.memref_slice %dma_start3A_40[%dma_start3A_41, %dma_start3A_42] : memref<10000x128xf32, #tpu.memory_space<hbm>> -> memref<10000x128xf32, #tpu.memory_space<hbm>>
        tpu.enqueue_indirect_dma source(%dma_start3A_43 : memref<10000x128xf32, #tpu.memory_space<hbm>>) target(%arg12 : memref<80x128xf32, #tpu.memory_space<vmem>>) offsets(%dma_start3A : memref<80xi32, #tpu.memory_space<vmem>>) semaphore(%arg14 : memref<!tpu.dma_semaphore, #tpu.memory_space<semaphore_mem>>)
        %dma_wait3A = tpu.memref_slice %arg9[%multiple_of3A] : memref<10000xi32, #tpu.memory_space<vmem>> -> memref<80xi32, #tpu.memory_space<vmem>>
        %dma_wait3A_44 = arith.constant 0 : i32
        %dma_wait3A_45 = arith.constant 0 : i32
        %dma_wait3A_46 = tpu.memref_slice %arg2[%scan3A_26, %dma_wait3A_44, %dma_wait3A_45] : memref<2x10000x128xf32, #tpu.memory_space<hbm>> -> memref<1x10000x128xf32, #tpu.memory_space<hbm>>
        %dma_wait3A_47 = tpu.memref_squeeze %dma_wait3A_46 : memref<1x10000x128xf32, #tpu.memory_space<hbm>> -> memref<10000x128xf32, #tpu.memory_space<hbm>>
        %dma_wait3A_48 = arith.constant 0 : i32
        %dma_wait3A_49 = arith.constant 0 : i32
        %dma_wait3A_50 = tpu.memref_slice %dma_wait3A_47[%dma_wait3A_48, %dma_wait3A_49] : memref<10000x128xf32, #tpu.memory_space<hbm>> -> memref<10000x128xf32, #tpu.memory_space<hbm>>
        tpu.wait_indirect_dma semaphore(%arg14 : memref<!tpu.dma_semaphore, #tpu.memory_space<semaphore_mem>>) src(%dma_wait3A_50 : memref<10000x128xf32, #tpu.memory_space<hbm>>) dst(%arg12 : memref<80x128xf32, #tpu.memory_space<vmem>>)
        "tpu.region"() ({
          %run_scoped3A_51 = tpu.sem_alloc : memref<!tpu.dma_semaphore, #tpu.memory_space<semaphore_mem>>
          %dma_start3A_52 = arith.constant 0 : i32
          %dma_start3A_53 = tpu.memref_slice %arg10[%scan3A_34, %dma_start3A_52] : memref<128x80xi32, #tpu.memory_space<vmem>> -> memref<1x80xi32, #tpu.memory_space<vmem>>
          %dma_start3A_54 = tpu.memref_squeeze %dma_start3A_53 : memref<1x80xi32, #tpu.memory_space<vmem>> -> memref<80xi32, #tpu.memory_space<vmem>>
          %dma_start3A_55 = arith.constant 0 : i32
          %dma_start3A_56 = arith.constant 0 : i32
          %dma_start3A_57 = tpu.memref_slice %arg13[%dma_start3A_55, %dma_start3A_56] : memref<10240x128xf32, #tpu.memory_space<vmem_shared>> -> memref<10240x128xf32, #tpu.memory_space<vmem_shared>>
          tpu.enqueue_indirect_dma source(%arg12 : memref<80x128xf32, #tpu.memory_space<vmem>>) target(%dma_start3A_57 : memref<10240x128xf32, #tpu.memory_space<vmem_shared>>) offsets(%dma_start3A_54 : memref<80xi32, #tpu.memory_space<vmem>>) semaphore(%run_scoped3A_51 : memref<!tpu.dma_semaphore, #tpu.memory_space<semaphore_mem>>) {add = true}
          %dma_wait3A_58 = arith.constant 0 : i32
          %dma_wait3A_59 = tpu.memref_slice %arg10[%scan3A_34, %dma_wait3A_58] : memref<128x80xi32, #tpu.memory_space<vmem>> -> memref<1x80xi32, #tpu.memory_space<vmem>>
          %dma_wait3A_60 = tpu.memref_squeeze %dma_wait3A_59 : memref<1x80xi32, #tpu.memory_space<vmem>> -> memref<80xi32, #tpu.memory_space<vmem>>
          %dma_wait3A_61 = arith.constant 0 : i32
          %dma_wait3A_62 = arith.constant 0 : i32
          %dma_wait3A_63 = tpu.memref_slice %arg13[%dma_wait3A_61, %dma_wait3A_62] : memref<10240x128xf32, #tpu.memory_space<vmem_shared>> -> memref<10240x128xf32, #tpu.memory_space<vmem_shared>>
          tpu.wait_indirect_dma semaphore(%run_scoped3A_51 : memref<!tpu.dma_semaphore, #tpu.memory_space<semaphore_mem>>) src(%arg12 : memref<80x128xf32, #tpu.memory_space<vmem>>) dst(%dma_wait3A_63 : memref<10240x128xf32, #tpu.memory_space<vmem_shared>>)
          tpu.yield
        }) : () -> ()
      }
      %scan3A_31 = arith.constant 125 : i32
      %barrier3A_32 = arith.constant 0 : index
      tpu.barrier barrier_id(%barrier3A_32)
      %run_scoped3A = arith.constant 1 : i32
      "tpu.region"() ({
        %run_scoped3A_34 = tpu.sem_alloc : memref<!tpu.dma_semaphore, #tpu.memory_space<semaphore_mem>>
        %dma_start3A = arith.constant 0 : i32
        %dma_start3A_35 = arith.constant 0 : i32
        %dma_start3A_36 = tpu.memref_slice %arg8[%run_scoped3A, %dma_start3A, %dma_start3A_35] : memref<4x10240x128xf32, #tpu.memory_space<hbm>> -> memref<1x10240x128xf32, #tpu.memory_space<hbm>>
        %dma_start3A_37 = tpu.memref_squeeze %dma_start3A_36 : memref<1x10240x128xf32, #tpu.memory_space<hbm>> -> memref<10240x128xf32, #tpu.memory_space<hbm>>
        %dma_start3A_38 = arith.constant 0 : i32
        %dma_start3A_39 = tpu.memref_slice %dma_start3A_37[%mul3A_4, %dma_start3A_38] : memref<10240x128xf32, #tpu.memory_space<hbm>> -> memref<640x128xf32, #tpu.memory_space<hbm>>
        %dma_start3A_40 = arith.constant 0 : i32
        %dma_start3A_41 = tpu.memref_slice %arg13[%mul3A_4, %dma_start3A_40] : memref<10240x128xf32, #tpu.memory_space<vmem_shared>> -> memref<640x128xf32, #tpu.memory_space<vmem_shared>>
        tpu.enqueue_dma source(%dma_start3A_41 : memref<640x128xf32, #tpu.memory_space<vmem_shared>>) target(%dma_start3A_39 : memref<640x128xf32, #tpu.memory_space<hbm>>) target_semaphore(%run_scoped3A_34 : memref<!tpu.dma_semaphore, #tpu.memory_space<semaphore_mem>>)
        %dma_wait3A = arith.constant 0 : i32
        %dma_wait3A_42 = arith.constant 0 : i32
        %dma_wait3A_43 = tpu.memref_slice %arg8[%run_scoped3A, %dma_wait3A, %dma_wait3A_42] : memref<4x10240x128xf32, #tpu.memory_space<hbm>> -> memref<1x10240x128xf32, #tpu.memory_space<hbm>>
        %dma_wait3A_44 = tpu.memref_squeeze %dma_wait3A_43 : memref<1x10240x128xf32, #tpu.memory_space<hbm>> -> memref<10240x128xf32, #tpu.memory_space<hbm>>
        %dma_wait3A_45 = arith.constant 0 : i32
        %dma_wait3A_46 = tpu.memref_slice %dma_wait3A_44[%mul3A_4, %dma_wait3A_45] : memref<10240x128xf32, #tpu.memory_space<hbm>> -> memref<640x128xf32, #tpu.memory_space<hbm>>
        %dma_wait3A_47 = arith.constant 0 : i32
        %dma_wait3A_48 = tpu.memref_slice %arg13[%mul3A_4, %dma_wait3A_47] : memref<10240x128xf32, #tpu.memory_space<vmem_shared>> -> memref<640x128xf32, #tpu.memory_space<vmem_shared>>
        tpu.wait_dma2 semaphore(%run_scoped3A_34 : memref<!tpu.dma_semaphore, #tpu.memory_space<semaphore_mem>>) src(%dma_wait3A_48 : memref<640x128xf32, #tpu.memory_space<vmem_shared>>) dst(%dma_wait3A_46 : memref<640x128xf32, #tpu.memory_space<hbm>>)
        tpu.yield
      }) : () -> ()
      %barrier3A_33 = arith.constant 0 : index
      tpu.barrier barrier_id(%barrier3A_33)
    } else {
    }
    %mul3A_12 = arith.constant 16 : i32
    %mul3A_13 = arith.muli %arg0, %mul3A_12 : i32
    %add3A = arith.addi %mul3A_13, %arg1 : i32
    "tpu.region"() ({
      %run_scoped3A = tpu.sem_alloc : memref<!tpu.dma_semaphore, #tpu.memory_space<semaphore_mem>>
      tpu.enqueue_dma source(%arg6 : memref<80x128xf32, #tpu.memory_space<hbm>>) target(%arg12 : memref<80x128xf32, #tpu.memory_space<vmem>>) target_semaphore(%run_scoped3A : memref<!tpu.dma_semaphore, #tpu.memory_space<semaphore_mem>>)
      tpu.wait_dma2 semaphore(%run_scoped3A : memref<!tpu.dma_semaphore, #tpu.memory_space<semaphore_mem>>) src(%arg6 : memref<80x128xf32, #tpu.memory_space<hbm>>) dst(%arg12 : memref<80x128xf32, #tpu.memory_space<vmem>>)
      tpu.yield
    }) : () -> ()
    %mul3A_14 = arith.constant 64 : i32
    %mul3A_15 = arith.muli %add3A, %mul3A_14 : i32
    "tpu.region"() ({
      %run_scoped3A = tpu.sem_alloc : memref<!tpu.dma_semaphore, #tpu.memory_space<semaphore_mem>>
      %dma_start3A = arith.constant 0 : i32
      %dma_start3A_24 = tpu.memref_slice %arg5[%mul3A_15, %dma_start3A] : memref<2048x80xi32, #tpu.memory_space<hbm>> -> memref<64x80xi32, #tpu.memory_space<hbm>>
      %dma_start3A_25 = arith.constant 0 : i32
      %dma_start3A_26 = tpu.memref_slice %arg5[%mul3A_15, %dma_start3A_25] : memref<2048x80xi32, #tpu.memory_space<hbm>> -> memref<64x80xi32, #tpu.memory_space<hbm>>
      tpu.enqueue_dma source(%dma_start3A_26 : memref<64x80xi32, #tpu.memory_space<hbm>>) target(%arg11 : memref<64x80xi32, #tpu.memory_space<vmem>>) target_semaphore(%run_scoped3A : memref<!tpu.dma_semaphore, #tpu.memory_space<semaphore_mem>>)
      %dma_wait3A = arith.constant 0 : i32
      %dma_wait3A_27 = tpu.memref_slice %arg5[%mul3A_15, %dma_wait3A] : memref<2048x80xi32, #tpu.memory_space<hbm>> -> memref<64x80xi32, #tpu.memory_space<hbm>>
      %dma_wait3A_28 = arith.constant 0 : i32
      %dma_wait3A_29 = tpu.memref_slice %arg5[%mul3A_15, %dma_wait3A_28] : memref<2048x80xi32, #tpu.memory_space<hbm>> -> memref<64x80xi32, #tpu.memory_space<hbm>>
      tpu.wait_dma2 semaphore(%run_scoped3A : memref<!tpu.dma_semaphore, #tpu.memory_space<semaphore_mem>>) src(%dma_wait3A_29 : memref<64x80xi32, #tpu.memory_space<hbm>>) dst(%arg11 : memref<64x80xi32, #tpu.memory_space<vmem>>)
      tpu.yield
    }) : () -> ()
    "tpu.region"() ({
      %run_scoped3A = tpu.sem_alloc : memref<!tpu.dma_semaphore, #tpu.memory_space<semaphore_mem>>
      %dma_start3A = arith.constant 0 : i32
      %dma_start3A_24 = tpu.memref_slice %arg13[%mul3A_4, %dma_start3A] : memref<10240x128xf32, #tpu.memory_space<vmem_shared>> -> memref<640x128xf32, #tpu.memory_space<vmem_shared>>
      tpu.enqueue_dma source(%arg7 : memref<640x128xf32, #tpu.memory_space<hbm>>) target(%dma_start3A_24 : memref<640x128xf32, #tpu.memory_space<vmem_shared>>) target_semaphore(%run_scoped3A : memref<!tpu.dma_semaphore, #tpu.memory_space<semaphore_mem>>)
      %dma_wait3A = arith.constant 0 : i32
      %dma_wait3A_25 = tpu.memref_slice %arg13[%mul3A_4, %dma_wait3A] : memref<10240x128xf32, #tpu.memory_space<vmem_shared>> -> memref<640x128xf32, #tpu.memory_space<vmem_shared>>
      tpu.wait_dma2 semaphore(%run_scoped3A : memref<!tpu.dma_semaphore, #tpu.memory_space<semaphore_mem>>) src(%arg7 : memref<640x128xf32, #tpu.memory_space<hbm>>) dst(%dma_wait3A_25 : memref<640x128xf32, #tpu.memory_space<vmem_shared>>)
      tpu.yield
    }) : () -> ()
    %barrier3A = arith.constant 0 : index
    tpu.barrier barrier_id(%barrier3A)
    %scan3A = arith.constant 0 : i32
    %scan3A_16 = arith.constant 0 : i32
    %scan3A_17 = arith.constant 64 : i32
    %scan3A_18 = arith.addi %scan3A_16, %scan3A_17 : i32
    %scan3A_19 = arith.constant 1 : i32
    scf.for %scan3A_24 = %scan3A_16 to %scan3A_18 step %scan3A_19  : i32 {
      "tpu.region"() ({
        %run_scoped3A = tpu.sem_alloc : memref<!tpu.dma_semaphore, #tpu.memory_space<semaphore_mem>>
        %dma_start3A = arith.constant 0 : i32
        %dma_start3A_25 = tpu.memref_slice %arg11[%scan3A_24, %dma_start3A] : memref<64x80xi32, #tpu.memory_space<vmem>> -> memref<1x80xi32, #tpu.memory_space<vmem>>
        %dma_start3A_26 = tpu.memref_squeeze %dma_start3A_25 : memref<1x80xi32, #tpu.memory_space<vmem>> -> memref<80xi32, #tpu.memory_space<vmem>>
        %dma_start3A_27 = arith.constant 0 : i32
        %dma_start3A_28 = arith.constant 0 : i32
        %dma_start3A_29 = tpu.memref_slice %arg13[%dma_start3A_27, %dma_start3A_28] : memref<10240x128xf32, #tpu.memory_space<vmem_shared>> -> memref<10240x128xf32, #tpu.memory_space<vmem_shared>>
        tpu.enqueue_indirect_dma source(%arg12 : memref<80x128xf32, #tpu.memory_space<vmem>>) target(%dma_start3A_29 : memref<10240x128xf32, #tpu.memory_space<vmem_shared>>) offsets(%dma_start3A_26 : memref<80xi32, #tpu.memory_space<vmem>>) semaphore(%run_scoped3A : memref<!tpu.dma_semaphore, #tpu.memory_space<semaphore_mem>>) {add = true}
        %dma_wait3A = arith.constant 0 : i32
        %dma_wait3A_30 = tpu.memref_slice %arg11[%scan3A_24, %dma_wait3A] : memref<64x80xi32, #tpu.memory_space<vmem>> -> memref<1x80xi32, #tpu.memory_space<vmem>>
        %dma_wait3A_31 = tpu.memref_squeeze %dma_wait3A_30 : memref<1x80xi32, #tpu.memory_space<vmem>> -> memref<80xi32, #tpu.memory_space<vmem>>
        %dma_wait3A_32 = arith.constant 0 : i32
        %dma_wait3A_33 = arith.constant 0 : i32
        %dma_wait3A_34 = tpu.memref_slice %arg13[%dma_wait3A_32, %dma_wait3A_33] : memref<10240x128xf32, #tpu.memory_space<vmem_shared>> -> memref<10240x128xf32, #tpu.memory_space<vmem_shared>>
        tpu.wait_indirect_dma semaphore(%run_scoped3A : memref<!tpu.dma_semaphore, #tpu.memory_space<semaphore_mem>>) src(%arg12 : memref<80x128xf32, #tpu.memory_space<vmem>>) dst(%dma_wait3A_34 : memref<10240x128xf32, #tpu.memory_space<vmem_shared>>)
        tpu.yield
      }) : () -> ()
    }
    %scan3A_20 = arith.constant 64 : i32
    %barrier3A_21 = arith.constant 0 : index
    tpu.barrier barrier_id(%barrier3A_21)
    %add3A_22 = arith.constant 2 : i32
    %add3A_23 = arith.addi %add3A_22, %arg0 : i32
    "tpu.region"() ({
      %run_scoped3A = tpu.sem_alloc : memref<!tpu.dma_semaphore, #tpu.memory_space<semaphore_mem>>
      %dma_start3A = arith.constant 0 : i32
      %dma_start3A_24 = arith.constant 0 : i32
      %dma_start3A_25 = tpu.memref_slice %arg8[%add3A_23, %dma_start3A, %dma_start3A_24] : memref<4x10240x128xf32, #tpu.memory_space<hbm>> -> memref<1x10240x128xf32, #tpu.memory_space<hbm>>
      %dma_start3A_26 = tpu.memref_squeeze %dma_start3A_25 : memref<1x10240x128xf32, #tpu.memory_space<hbm>> -> memref<10240x128xf32, #tpu.memory_space<hbm>>
      %dma_start3A_27 = arith.constant 0 : i32
      %dma_start3A_28 = tpu.memref_slice %dma_start3A_26[%mul3A_4, %dma_start3A_27] : memref<10240x128xf32, #tpu.memory_space<hbm>> -> memref<640x128xf32, #tpu.memory_space<hbm>>
      %dma_start3A_29 = arith.constant 0 : i32
      %dma_start3A_30 = tpu.memref_slice %arg13[%mul3A_4, %dma_start3A_29] : memref<10240x128xf32, #tpu.memory_space<vmem_shared>> -> memref<640x128xf32, #tpu.memory_space<vmem_shared>>
      tpu.enqueue_dma source(%dma_start3A_30 : memref<640x128xf32, #tpu.memory_space<vmem_shared>>) target(%dma_start3A_28 : memref<640x128xf32, #tpu.memory_space<hbm>>) target_semaphore(%run_scoped3A : memref<!tpu.dma_semaphore, #tpu.memory_space<semaphore_mem>>)
      %dma_wait3A = arith.constant 0 : i32
      %dma_wait3A_31 = arith.constant 0 : i32
      %dma_wait3A_32 = tpu.memref_slice %arg8[%add3A_23, %dma_wait3A, %dma_wait3A_31] : memref<4x10240x128xf32, #tpu.memory_space<hbm>> -> memref<1x10240x128xf32, #tpu.memory_space<hbm>>
      %dma_wait3A_33 = tpu.memref_squeeze %dma_wait3A_32 : memref<1x10240x128xf32, #tpu.memory_space<hbm>> -> memref<10240x128xf32, #tpu.memory_space<hbm>>
      %dma_wait3A_34 = arith.constant 0 : i32
      %dma_wait3A_35 = tpu.memref_slice %dma_wait3A_33[%mul3A_4, %dma_wait3A_34] : memref<10240x128xf32, #tpu.memory_space<hbm>> -> memref<640x128xf32, #tpu.memory_space<hbm>>
      %dma_wait3A_36 = arith.constant 0 : i32
      %dma_wait3A_37 = tpu.memref_slice %arg13[%mul3A_4, %dma_wait3A_36] : memref<10240x128xf32, #tpu.memory_space<vmem_shared>> -> memref<640x128xf32, #tpu.memory_space<vmem_shared>>
      tpu.wait_dma2 semaphore(%run_scoped3A : memref<!tpu.dma_semaphore, #tpu.memory_space<semaphore_mem>>) src(%dma_wait3A_37 : memref<640x128xf32, #tpu.memory_space<vmem_shared>>) dst(%dma_wait3A_35 : memref<640x128xf32, #tpu.memory_space<hbm>>)
      tpu.yield
    }) : () -> ()
    return
  }
}

#map = affine_map<(d0, d1) -> (0, 0, 0)>
#map1 = affine_map<(d0, d1) -> (0)>
#map2 = affine_map<(d0, d1) -> (0, 0)>
module attributes {stable_mosaic.version = 14 : i64} {
  func.func @body(%arg0: i32, %arg1: i32, %arg2: memref<4x10000x128xf32, #tpu.memory_space<hbm>>, %arg3: memref<160000xi32, #tpu.memory_space<hbm>>, %arg4: memref<2048x80xi32, #tpu.memory_space<hbm>>, %arg5: memref<2048x80xi32, #tpu.memory_space<hbm>>, %arg6: memref<80x128xf32, #tpu.memory_space<hbm>>, %arg7: memref<640x128xf32, #tpu.memory_space<hbm>>, %arg8: memref<4x10240x128xf32, #tpu.memory_space<hbm>>, %arg9: memref<10000xi32, #tpu.memory_space<vmem>>, %arg10: memref<128x80xi32, #tpu.memory_space<vmem>>, %arg11: memref<64x80xi32, #tpu.memory_space<vmem>>, %arg12: memref<80x128xf32, #tpu.memory_space<vmem>>, %arg13: memref<10240x128xf32, #tpu.memory_space<vmem_shared>>, %arg14: memref<!tpu.dma_semaphore, #tpu.memory_space<semaphore_mem>>) attributes {dimension_semantics = [#tpu.dimension_semantics<core_parallel>, #tpu.dimension_semantics<subcore_parallel>], iteration_bounds = array<i64: 2, 16>, scalar_prefetch = 0 : i64, scratch_operands = 6 : i64, tpu.core_type = #tpu.core_type<sc_vector_subcore>, window_params = [{transform_indices = #map}, {transform_indices = #map1}, {transform_indices = #map2}, {transform_indices = #map2}, {transform_indices = #map2}, {transform_indices = #map2}, {transform_indices = #map}]} {
    %mul3A = arith.constant 10000 : i32
    %mul3A_0 = arith.muli %arg1, %mul3A : i32
    "tpu.region"() ({
      %run_scoped3A = tpu.sem_alloc : memref<!tpu.dma_semaphore, #tpu.memory_space<semaphore_mem>>
      %dma_start3A = tpu.memref_slice %arg3[%mul3A_0] : memref<160000xi32, #tpu.memory_space<hbm>> -> memref<10000xi32, #tpu.memory_space<hbm>>
      %dma_start3A_12 = tpu.memref_slice %arg3[%mul3A_0] : memref<160000xi32, #tpu.memory_space<hbm>> -> memref<10000xi32, #tpu.memory_space<hbm>>
      tpu.enqueue_dma source(%dma_start3A_12 : memref<10000xi32, #tpu.memory_space<hbm>>) target(%arg9 : memref<10000xi32, #tpu.memory_space<vmem>>) target_semaphore(%run_scoped3A : memref<!tpu.dma_semaphore, #tpu.memory_space<semaphore_mem>>)
      %dma_wait3A = tpu.memref_slice %arg3[%mul3A_0] : memref<160000xi32, #tpu.memory_space<hbm>> -> memref<10000xi32, #tpu.memory_space<hbm>>
      %dma_wait3A_13 = tpu.memref_slice %arg3[%mul3A_0] : memref<160000xi32, #tpu.memory_space<hbm>> -> memref<10000xi32, #tpu.memory_space<hbm>>
      tpu.wait_dma2 semaphore(%run_scoped3A : memref<!tpu.dma_semaphore, #tpu.memory_space<semaphore_mem>>) src(%dma_wait3A_13 : memref<10000xi32, #tpu.memory_space<hbm>>) dst(%arg9 : memref<10000xi32, #tpu.memory_space<vmem>>)
      tpu.yield
    }) : () -> ()
    %mul3A_1 = arith.constant 128 : i32
    %mul3A_2 = arith.muli %arg1, %mul3A_1 : i32
    "tpu.region"() ({
      %run_scoped3A = tpu.sem_alloc : memref<!tpu.dma_semaphore, #tpu.memory_space<semaphore_mem>>
      %dma_start3A = arith.constant 0 : i32
      %dma_start3A_12 = tpu.memref_slice %arg4[%mul3A_2, %dma_start3A] : memref<2048x80xi32, #tpu.memory_space<hbm>> -> memref<128x80xi32, #tpu.memory_space<hbm>>
      %dma_start3A_13 = arith.constant 0 : i32
      %dma_start3A_14 = tpu.memref_slice %arg4[%mul3A_2, %dma_start3A_13] : memref<2048x80xi32, #tpu.memory_space<hbm>> -> memref<128x80xi32, #tpu.memory_space<hbm>>
      tpu.enqueue_dma source(%dma_start3A_14 : memref<128x80xi32, #tpu.memory_space<hbm>>) target(%arg10 : memref<128x80xi32, #tpu.memory_space<vmem>>) target_semaphore(%run_scoped3A : memref<!tpu.dma_semaphore, #tpu.memory_space<semaphore_mem>>)
      %dma_wait3A = arith.constant 0 : i32
      %dma_wait3A_15 = tpu.memref_slice %arg4[%mul3A_2, %dma_wait3A] : memref<2048x80xi32, #tpu.memory_space<hbm>> -> memref<128x80xi32, #tpu.memory_space<hbm>>
      %dma_wait3A_16 = arith.constant 0 : i32
      %dma_wait3A_17 = tpu.memref_slice %arg4[%mul3A_2, %dma_wait3A_16] : memref<2048x80xi32, #tpu.memory_space<hbm>> -> memref<128x80xi32, #tpu.memory_space<hbm>>
      tpu.wait_dma2 semaphore(%run_scoped3A : memref<!tpu.dma_semaphore, #tpu.memory_space<semaphore_mem>>) src(%dma_wait3A_17 : memref<128x80xi32, #tpu.memory_space<hbm>>) dst(%arg10 : memref<128x80xi32, #tpu.memory_space<vmem>>)
      tpu.yield
    }) : () -> ()
    %mul3A_3 = arith.constant 640 : i32
    %mul3A_4 = arith.muli %arg1, %mul3A_3 : i32
    %eq3A = arith.constant 0 : i32
    %eq3A_5 = arith.cmpi eq, %arg0, %eq3A : i32
    %convert_element_type3A = arith.extui %eq3A_5 : i1 to i32
    %cond3A = arith.constant 0 : i32
    %cond3A_6 = arith.cmpi ne, %convert_element_type3A, %cond3A : i32
    scf.if %cond3A_6 {
      "tpu.region"() ({
        %run_scoped3A_31 = tpu.sem_alloc : memref<!tpu.dma_semaphore, #tpu.memory_space<semaphore_mem>>
        %dma_start3A = arith.constant 0 : i32
        %dma_start3A_32 = tpu.memref_slice %arg13[%mul3A_4, %dma_start3A] : memref<10240x128xf32, #tpu.memory_space<vmem_shared>> -> memref<640x128xf32, #tpu.memory_space<vmem_shared>>
        tpu.enqueue_dma source(%arg7 : memref<640x128xf32, #tpu.memory_space<hbm>>) target(%dma_start3A_32 : memref<640x128xf32, #tpu.memory_space<vmem_shared>>) target_semaphore(%run_scoped3A_31 : memref<!tpu.dma_semaphore, #tpu.memory_space<semaphore_mem>>)
        %dma_wait3A = arith.constant 0 : i32
        %dma_wait3A_33 = tpu.memref_slice %arg13[%mul3A_4, %dma_wait3A] : memref<10240x128xf32, #tpu.memory_space<vmem_shared>> -> memref<640x128xf32, #tpu.memory_space<vmem_shared>>
        tpu.wait_dma2 semaphore(%run_scoped3A_31 : memref<!tpu.dma_semaphore, #tpu.memory_space<semaphore_mem>>) src(%arg7 : memref<640x128xf32, #tpu.memory_space<hbm>>) dst(%dma_wait3A_33 : memref<640x128xf32, #tpu.memory_space<vmem_shared>>)
        tpu.yield
      }) : () -> ()
      %barrier3A = arith.constant 0 : index
      tpu.barrier barrier_id(%barrier3A)
      %scan3A = arith.constant 0 : i32
      %scan3A_12 = arith.constant 0 : i32
      %scan3A_13 = arith.constant 0 : i32
      %scan3A_14 = arith.constant 125 : i32
      %scan3A_15 = arith.addi %scan3A_13, %scan3A_14 : i32
      %scan3A_16 = arith.constant 1 : i32
      scf.for %scan3A_31 = %scan3A_13 to %scan3A_15 step %scan3A_16  : i32 {
        %mul3A_32 = arith.constant 80 : i32
        %mul3A_33 = arith.muli %scan3A_31, %mul3A_32 : i32
        %multiple_of3A = tpu.assume_multiple %mul3A_33, 80 : i32
        %dma_start3A = tpu.memref_slice %arg9[%multiple_of3A] : memref<10000xi32, #tpu.memory_space<vmem>> -> memref<80xi32, #tpu.memory_space<vmem>>
        %dma_start3A_34 = arith.constant 0 : i32
        %dma_start3A_35 = arith.constant 0 : i32
        %dma_start3A_36 = tpu.memref_slice %arg2[%scan3A_12, %dma_start3A_34, %dma_start3A_35] : memref<4x10000x128xf32, #tpu.memory_space<hbm>> -> memref<1x10000x128xf32, #tpu.memory_space<hbm>>
        %dma_start3A_37 = tpu.memref_squeeze %dma_start3A_36 : memref<1x10000x128xf32, #tpu.memory_space<hbm>> -> memref<10000x128xf32, #tpu.memory_space<hbm>>
        %dma_start3A_38 = arith.constant 0 : i32
        %dma_start3A_39 = arith.constant 0 : i32
        %dma_start3A_40 = tpu.memref_slice %dma_start3A_37[%dma_start3A_38, %dma_start3A_39] : memref<10000x128xf32, #tpu.memory_space<hbm>> -> memref<10000x128xf32, #tpu.memory_space<hbm>>
        tpu.enqueue_indirect_dma source(%dma_start3A_40 : memref<10000x128xf32, #tpu.memory_space<hbm>>) target(%arg12 : memref<80x128xf32, #tpu.memory_space<vmem>>) offsets(%dma_start3A : memref<80xi32, #tpu.memory_space<vmem>>) semaphore(%arg14 : memref<!tpu.dma_semaphore, #tpu.memory_space<semaphore_mem>>)
        %dma_wait3A = tpu.memref_slice %arg9[%multiple_of3A] : memref<10000xi32, #tpu.memory_space<vmem>> -> memref<80xi32, #tpu.memory_space<vmem>>
        %dma_wait3A_41 = arith.constant 0 : i32
        %dma_wait3A_42 = arith.constant 0 : i32
        %dma_wait3A_43 = tpu.memref_slice %arg2[%scan3A_12, %dma_wait3A_41, %dma_wait3A_42] : memref<4x10000x128xf32, #tpu.memory_space<hbm>> -> memref<1x10000x128xf32, #tpu.memory_space<hbm>>
        %dma_wait3A_44 = tpu.memref_squeeze %dma_wait3A_43 : memref<1x10000x128xf32, #tpu.memory_space<hbm>> -> memref<10000x128xf32, #tpu.memory_space<hbm>>
        %dma_wait3A_45 = arith.constant 0 : i32
        %dma_wait3A_46 = arith.constant 0 : i32
        %dma_wait3A_47 = tpu.memref_slice %dma_wait3A_44[%dma_wait3A_45, %dma_wait3A_46] : memref<10000x128xf32, #tpu.memory_space<hbm>> -> memref<10000x128xf32, #tpu.memory_space<hbm>>
        tpu.wait_indirect_dma semaphore(%arg14 : memref<!tpu.dma_semaphore, #tpu.memory_space<semaphore_mem>>) src(%dma_wait3A_47 : memref<10000x128xf32, #tpu.memory_space<hbm>>) dst(%arg12 : memref<80x128xf32, #tpu.memory_space<vmem>>)
        "tpu.region"() ({
          %run_scoped3A_48 = tpu.sem_alloc : memref<!tpu.dma_semaphore, #tpu.memory_space<semaphore_mem>>
          %dma_start3A_49 = arith.constant 0 : i32
          %dma_start3A_50 = tpu.memref_slice %arg10[%scan3A_31, %dma_start3A_49] : memref<128x80xi32, #tpu.memory_space<vmem>> -> memref<1x80xi32, #tpu.memory_space<vmem>>
          %dma_start3A_51 = tpu.memref_squeeze %dma_start3A_50 : memref<1x80xi32, #tpu.memory_space<vmem>> -> memref<80xi32, #tpu.memory_space<vmem>>
          %dma_start3A_52 = arith.constant 0 : i32
          %dma_start3A_53 = arith.constant 0 : i32
          %dma_start3A_54 = tpu.memref_slice %arg13[%dma_start3A_52, %dma_start3A_53] : memref<10240x128xf32, #tpu.memory_space<vmem_shared>> -> memref<10240x128xf32, #tpu.memory_space<vmem_shared>>
          tpu.enqueue_indirect_dma source(%arg12 : memref<80x128xf32, #tpu.memory_space<vmem>>) target(%dma_start3A_54 : memref<10240x128xf32, #tpu.memory_space<vmem_shared>>) offsets(%dma_start3A_51 : memref<80xi32, #tpu.memory_space<vmem>>) semaphore(%run_scoped3A_48 : memref<!tpu.dma_semaphore, #tpu.memory_space<semaphore_mem>>) {add = true}
          %dma_wait3A_55 = arith.constant 0 : i32
          %dma_wait3A_56 = tpu.memref_slice %arg10[%scan3A_31, %dma_wait3A_55] : memref<128x80xi32, #tpu.memory_space<vmem>> -> memref<1x80xi32, #tpu.memory_space<vmem>>
          %dma_wait3A_57 = tpu.memref_squeeze %dma_wait3A_56 : memref<1x80xi32, #tpu.memory_space<vmem>> -> memref<80xi32, #tpu.memory_space<vmem>>
          %dma_wait3A_58 = arith.constant 0 : i32
          %dma_wait3A_59 = arith.constant 0 : i32
          %dma_wait3A_60 = tpu.memref_slice %arg13[%dma_wait3A_58, %dma_wait3A_59] : memref<10240x128xf32, #tpu.memory_space<vmem_shared>> -> memref<10240x128xf32, #tpu.memory_space<vmem_shared>>
          tpu.wait_indirect_dma semaphore(%run_scoped3A_48 : memref<!tpu.dma_semaphore, #tpu.memory_space<semaphore_mem>>) src(%arg12 : memref<80x128xf32, #tpu.memory_space<vmem>>) dst(%dma_wait3A_60 : memref<10240x128xf32, #tpu.memory_space<vmem_shared>>)
          tpu.yield
        }) : () -> ()
      }
      %scan3A_17 = arith.constant 125 : i32
      %barrier3A_18 = arith.constant 0 : index
      tpu.barrier barrier_id(%barrier3A_18)
      %run_scoped3A = arith.constant 0 : i32
      "tpu.region"() ({
        %run_scoped3A_31 = tpu.sem_alloc : memref<!tpu.dma_semaphore, #tpu.memory_space<semaphore_mem>>
        %dma_start3A = arith.constant 0 : i32
        %dma_start3A_32 = arith.constant 0 : i32
        %dma_start3A_33 = tpu.memref_slice %arg8[%run_scoped3A, %dma_start3A, %dma_start3A_32] : memref<4x10240x128xf32, #tpu.memory_space<hbm>> -> memref<1x10240x128xf32, #tpu.memory_space<hbm>>
        %dma_start3A_34 = tpu.memref_squeeze %dma_start3A_33 : memref<1x10240x128xf32, #tpu.memory_space<hbm>> -> memref<10240x128xf32, #tpu.memory_space<hbm>>
        %dma_start3A_35 = arith.constant 0 : i32
        %dma_start3A_36 = tpu.memref_slice %dma_start3A_34[%mul3A_4, %dma_start3A_35] : memref<10240x128xf32, #tpu.memory_space<hbm>> -> memref<640x128xf32, #tpu.memory_space<hbm>>
        %dma_start3A_37 = arith.constant 0 : i32
        %dma_start3A_38 = tpu.memref_slice %arg13[%mul3A_4, %dma_start3A_37] : memref<10240x128xf32, #tpu.memory_space<vmem_shared>> -> memref<640x128xf32, #tpu.memory_space<vmem_shared>>
        tpu.enqueue_dma source(%dma_start3A_38 : memref<640x128xf32, #tpu.memory_space<vmem_shared>>) target(%dma_start3A_36 : memref<640x128xf32, #tpu.memory_space<hbm>>) target_semaphore(%run_scoped3A_31 : memref<!tpu.dma_semaphore, #tpu.memory_space<semaphore_mem>>)
        %dma_wait3A = arith.constant 0 : i32
        %dma_wait3A_39 = arith.constant 0 : i32
        %dma_wait3A_40 = tpu.memref_slice %arg8[%run_scoped3A, %dma_wait3A, %dma_wait3A_39] : memref<4x10240x128xf32, #tpu.memory_space<hbm>> -> memref<1x10240x128xf32, #tpu.memory_space<hbm>>
        %dma_wait3A_41 = tpu.memref_squeeze %dma_wait3A_40 : memref<1x10240x128xf32, #tpu.memory_space<hbm>> -> memref<10240x128xf32, #tpu.memory_space<hbm>>
        %dma_wait3A_42 = arith.constant 0 : i32
        %dma_wait3A_43 = tpu.memref_slice %dma_wait3A_41[%mul3A_4, %dma_wait3A_42] : memref<10240x128xf32, #tpu.memory_space<hbm>> -> memref<640x128xf32, #tpu.memory_space<hbm>>
        %dma_wait3A_44 = arith.constant 0 : i32
        %dma_wait3A_45 = tpu.memref_slice %arg13[%mul3A_4, %dma_wait3A_44] : memref<10240x128xf32, #tpu.memory_space<vmem_shared>> -> memref<640x128xf32, #tpu.memory_space<vmem_shared>>
        tpu.wait_dma2 semaphore(%run_scoped3A_31 : memref<!tpu.dma_semaphore, #tpu.memory_space<semaphore_mem>>) src(%dma_wait3A_45 : memref<640x128xf32, #tpu.memory_space<vmem_shared>>) dst(%dma_wait3A_43 : memref<640x128xf32, #tpu.memory_space<hbm>>)
        tpu.yield
      }) : () -> ()
      %barrier3A_19 = arith.constant 0 : index
      tpu.barrier barrier_id(%barrier3A_19)
      "tpu.region"() ({
        %run_scoped3A_31 = tpu.sem_alloc : memref<!tpu.dma_semaphore, #tpu.memory_space<semaphore_mem>>
        %dma_start3A = arith.constant 0 : i32
        %dma_start3A_32 = tpu.memref_slice %arg13[%mul3A_4, %dma_start3A] : memref<10240x128xf32, #tpu.memory_space<vmem_shared>> -> memref<640x128xf32, #tpu.memory_space<vmem_shared>>
        tpu.enqueue_dma source(%arg7 : memref<640x128xf32, #tpu.memory_space<hbm>>) target(%dma_start3A_32 : memref<640x128xf32, #tpu.memory_space<vmem_shared>>) target_semaphore(%run_scoped3A_31 : memref<!tpu.dma_semaphore, #tpu.memory_space<semaphore_mem>>)
        %dma_wait3A = arith.constant 0 : i32
        %dma_wait3A_33 = tpu.memref_slice %arg13[%mul3A_4, %dma_wait3A] : memref<10240x128xf32, #tpu.memory_space<vmem_shared>> -> memref<640x128xf32, #tpu.memory_space<vmem_shared>>
        tpu.wait_dma2 semaphore(%run_scoped3A_31 : memref<!tpu.dma_semaphore, #tpu.memory_space<semaphore_mem>>) src(%arg7 : memref<640x128xf32, #tpu.memory_space<hbm>>) dst(%dma_wait3A_33 : memref<640x128xf32, #tpu.memory_space<vmem_shared>>)
        tpu.yield
      }) : () -> ()
      %barrier3A_20 = arith.constant 0 : index
      tpu.barrier barrier_id(%barrier3A_20)
      %scan3A_21 = arith.constant 0 : i32
      %scan3A_22 = arith.constant 1 : i32
      %scan3A_23 = arith.constant 0 : i32
      %scan3A_24 = arith.constant 125 : i32
      %scan3A_25 = arith.addi %scan3A_23, %scan3A_24 : i32
      %scan3A_26 = arith.constant 1 : i32
      scf.for %scan3A_31 = %scan3A_23 to %scan3A_25 step %scan3A_26  : i32 {
        %mul3A_32 = arith.constant 80 : i32
        %mul3A_33 = arith.muli %scan3A_31, %mul3A_32 : i32
        %multiple_of3A = tpu.assume_multiple %mul3A_33, 80 : i32
        %dma_start3A = tpu.memref_slice %arg9[%multiple_of3A] : memref<10000xi32, #tpu.memory_space<vmem>> -> memref<80xi32, #tpu.memory_space<vmem>>
        %dma_start3A_34 = arith.constant 0 : i32
        %dma_start3A_35 = arith.constant 0 : i32
        %dma_start3A_36 = tpu.memref_slice %arg2[%scan3A_22, %dma_start3A_34, %dma_start3A_35] : memref<4x10000x128xf32, #tpu.memory_space<hbm>> -> memref<1x10000x128xf32, #tpu.memory_space<hbm>>
        %dma_start3A_37 = tpu.memref_squeeze %dma_start3A_36 : memref<1x10000x128xf32, #tpu.memory_space<hbm>> -> memref<10000x128xf32, #tpu.memory_space<hbm>>
        %dma_start3A_38 = arith.constant 0 : i32
        %dma_start3A_39 = arith.constant 0 : i32
        %dma_start3A_40 = tpu.memref_slice %dma_start3A_37[%dma_start3A_38, %dma_start3A_39] : memref<10000x128xf32, #tpu.memory_space<hbm>> -> memref<10000x128xf32, #tpu.memory_space<hbm>>
        tpu.enqueue_indirect_dma source(%dma_start3A_40 : memref<10000x128xf32, #tpu.memory_space<hbm>>) target(%arg12 : memref<80x128xf32, #tpu.memory_space<vmem>>) offsets(%dma_start3A : memref<80xi32, #tpu.memory_space<vmem>>) semaphore(%arg14 : memref<!tpu.dma_semaphore, #tpu.memory_space<semaphore_mem>>)
        %dma_wait3A = tpu.memref_slice %arg9[%multiple_of3A] : memref<10000xi32, #tpu.memory_space<vmem>> -> memref<80xi32, #tpu.memory_space<vmem>>
        %dma_wait3A_41 = arith.constant 0 : i32
        %dma_wait3A_42 = arith.constant 0 : i32
        %dma_wait3A_43 = tpu.memref_slice %arg2[%scan3A_22, %dma_wait3A_41, %dma_wait3A_42] : memref<4x10000x128xf32, #tpu.memory_space<hbm>> -> memref<1x10000x128xf32, #tpu.memory_space<hbm>>
        %dma_wait3A_44 = tpu.memref_squeeze %dma_wait3A_43 : memref<1x10000x128xf32, #tpu.memory_space<hbm>> -> memref<10000x128xf32, #tpu.memory_space<hbm>>
        %dma_wait3A_45 = arith.constant 0 : i32
        %dma_wait3A_46 = arith.constant 0 : i32
        %dma_wait3A_47 = tpu.memref_slice %dma_wait3A_44[%dma_wait3A_45, %dma_wait3A_46] : memref<10000x128xf32, #tpu.memory_space<hbm>> -> memref<10000x128xf32, #tpu.memory_space<hbm>>
        tpu.wait_indirect_dma semaphore(%arg14 : memref<!tpu.dma_semaphore, #tpu.memory_space<semaphore_mem>>) src(%dma_wait3A_47 : memref<10000x128xf32, #tpu.memory_space<hbm>>) dst(%arg12 : memref<80x128xf32, #tpu.memory_space<vmem>>)
        "tpu.region"() ({
          %run_scoped3A_48 = tpu.sem_alloc : memref<!tpu.dma_semaphore, #tpu.memory_space<semaphore_mem>>
          %dma_start3A_49 = arith.constant 0 : i32
          %dma_start3A_50 = tpu.memref_slice %arg10[%scan3A_31, %dma_start3A_49] : memref<128x80xi32, #tpu.memory_space<vmem>> -> memref<1x80xi32, #tpu.memory_space<vmem>>
          %dma_start3A_51 = tpu.memref_squeeze %dma_start3A_50 : memref<1x80xi32, #tpu.memory_space<vmem>> -> memref<80xi32, #tpu.memory_space<vmem>>
          %dma_start3A_52 = arith.constant 0 : i32
          %dma_start3A_53 = arith.constant 0 : i32
          %dma_start3A_54 = tpu.memref_slice %arg13[%dma_start3A_52, %dma_start3A_53] : memref<10240x128xf32, #tpu.memory_space<vmem_shared>> -> memref<10240x128xf32, #tpu.memory_space<vmem_shared>>
          tpu.enqueue_indirect_dma source(%arg12 : memref<80x128xf32, #tpu.memory_space<vmem>>) target(%dma_start3A_54 : memref<10240x128xf32, #tpu.memory_space<vmem_shared>>) offsets(%dma_start3A_51 : memref<80xi32, #tpu.memory_space<vmem>>) semaphore(%run_scoped3A_48 : memref<!tpu.dma_semaphore, #tpu.memory_space<semaphore_mem>>) {add = true}
          %dma_wait3A_55 = arith.constant 0 : i32
          %dma_wait3A_56 = tpu.memref_slice %arg10[%scan3A_31, %dma_wait3A_55] : memref<128x80xi32, #tpu.memory_space<vmem>> -> memref<1x80xi32, #tpu.memory_space<vmem>>
          %dma_wait3A_57 = tpu.memref_squeeze %dma_wait3A_56 : memref<1x80xi32, #tpu.memory_space<vmem>> -> memref<80xi32, #tpu.memory_space<vmem>>
          %dma_wait3A_58 = arith.constant 0 : i32
          %dma_wait3A_59 = arith.constant 0 : i32
          %dma_wait3A_60 = tpu.memref_slice %arg13[%dma_wait3A_58, %dma_wait3A_59] : memref<10240x128xf32, #tpu.memory_space<vmem_shared>> -> memref<10240x128xf32, #tpu.memory_space<vmem_shared>>
          tpu.wait_indirect_dma semaphore(%run_scoped3A_48 : memref<!tpu.dma_semaphore, #tpu.memory_space<semaphore_mem>>) src(%arg12 : memref<80x128xf32, #tpu.memory_space<vmem>>) dst(%dma_wait3A_60 : memref<10240x128xf32, #tpu.memory_space<vmem_shared>>)
          tpu.yield
        }) : () -> ()
      }
      %scan3A_27 = arith.constant 125 : i32
      %barrier3A_28 = arith.constant 0 : index
      tpu.barrier barrier_id(%barrier3A_28)
      %run_scoped3A_29 = arith.constant 1 : i32
      "tpu.region"() ({
        %run_scoped3A_31 = tpu.sem_alloc : memref<!tpu.dma_semaphore, #tpu.memory_space<semaphore_mem>>
        %dma_start3A = arith.constant 0 : i32
        %dma_start3A_32 = arith.constant 0 : i32
        %dma_start3A_33 = tpu.memref_slice %arg8[%run_scoped3A_29, %dma_start3A, %dma_start3A_32] : memref<4x10240x128xf32, #tpu.memory_space<hbm>> -> memref<1x10240x128xf32, #tpu.memory_space<hbm>>
        %dma_start3A_34 = tpu.memref_squeeze %dma_start3A_33 : memref<1x10240x128xf32, #tpu.memory_space<hbm>> -> memref<10240x128xf32, #tpu.memory_space<hbm>>
        %dma_start3A_35 = arith.constant 0 : i32
        %dma_start3A_36 = tpu.memref_slice %dma_start3A_34[%mul3A_4, %dma_start3A_35] : memref<10240x128xf32, #tpu.memory_space<hbm>> -> memref<640x128xf32, #tpu.memory_space<hbm>>
        %dma_start3A_37 = arith.constant 0 : i32
        %dma_start3A_38 = tpu.memref_slice %arg13[%mul3A_4, %dma_start3A_37] : memref<10240x128xf32, #tpu.memory_space<vmem_shared>> -> memref<640x128xf32, #tpu.memory_space<vmem_shared>>
        tpu.enqueue_dma source(%dma_start3A_38 : memref<640x128xf32, #tpu.memory_space<vmem_shared>>) target(%dma_start3A_36 : memref<640x128xf32, #tpu.memory_space<hbm>>) target_semaphore(%run_scoped3A_31 : memref<!tpu.dma_semaphore, #tpu.memory_space<semaphore_mem>>)
        %dma_wait3A = arith.constant 0 : i32
        %dma_wait3A_39 = arith.constant 0 : i32
        %dma_wait3A_40 = tpu.memref_slice %arg8[%run_scoped3A_29, %dma_wait3A, %dma_wait3A_39] : memref<4x10240x128xf32, #tpu.memory_space<hbm>> -> memref<1x10240x128xf32, #tpu.memory_space<hbm>>
        %dma_wait3A_41 = tpu.memref_squeeze %dma_wait3A_40 : memref<1x10240x128xf32, #tpu.memory_space<hbm>> -> memref<10240x128xf32, #tpu.memory_space<hbm>>
        %dma_wait3A_42 = arith.constant 0 : i32
        %dma_wait3A_43 = tpu.memref_slice %dma_wait3A_41[%mul3A_4, %dma_wait3A_42] : memref<10240x128xf32, #tpu.memory_space<hbm>> -> memref<640x128xf32, #tpu.memory_space<hbm>>
        %dma_wait3A_44 = arith.constant 0 : i32
        %dma_wait3A_45 = tpu.memref_slice %arg13[%mul3A_4, %dma_wait3A_44] : memref<10240x128xf32, #tpu.memory_space<vmem_shared>> -> memref<640x128xf32, #tpu.memory_space<vmem_shared>>
        tpu.wait_dma2 semaphore(%run_scoped3A_31 : memref<!tpu.dma_semaphore, #tpu.memory_space<semaphore_mem>>) src(%dma_wait3A_45 : memref<640x128xf32, #tpu.memory_space<vmem_shared>>) dst(%dma_wait3A_43 : memref<640x128xf32, #tpu.memory_space<hbm>>)
        tpu.yield
      }) : () -> ()
      %barrier3A_30 = arith.constant 0 : index
      tpu.barrier barrier_id(%barrier3A_30)
    } else {
    }
    %eq3A_7 = arith.constant 1 : i32
    %eq3A_8 = arith.cmpi eq, %arg0, %eq3A_7 : i32
    %convert_element_type3A_9 = arith.extui %eq3A_8 : i1 to i32
    %cond3A_10 = arith.constant 0 : i32
    %cond3A_11 = arith.cmpi ne, %convert_element_type3A_9, %cond3A_10 : i32
    scf.if %cond3A_11 {
      "tpu.region"() ({
        %run_scoped3A_31 = tpu.sem_alloc : memref<!tpu.dma_semaphore, #tpu.memory_space<semaphore_mem>>
        %dma_start3A = arith.constant 0 : i32
        %dma_start3A_32 = tpu.memref_slice %arg13[%mul3A_4, %dma_start3A] : memref<10240x128xf32, #tpu.memory_space<vmem_shared>> -> memref<640x128xf32, #tpu.memory_space<vmem_shared>>
        tpu.enqueue_dma source(%arg7 : memref<640x128xf32, #tpu.memory_space<hbm>>) target(%dma_start3A_32 : memref<640x128xf32, #tpu.memory_space<vmem_shared>>) target_semaphore(%run_scoped3A_31 : memref<!tpu.dma_semaphore, #tpu.memory_space<semaphore_mem>>)
        %dma_wait3A = arith.constant 0 : i32
        %dma_wait3A_33 = tpu.memref_slice %arg13[%mul3A_4, %dma_wait3A] : memref<10240x128xf32, #tpu.memory_space<vmem_shared>> -> memref<640x128xf32, #tpu.memory_space<vmem_shared>>
        tpu.wait_dma2 semaphore(%run_scoped3A_31 : memref<!tpu.dma_semaphore, #tpu.memory_space<semaphore_mem>>) src(%arg7 : memref<640x128xf32, #tpu.memory_space<hbm>>) dst(%dma_wait3A_33 : memref<640x128xf32, #tpu.memory_space<vmem_shared>>)
        tpu.yield
      }) : () -> ()
      %barrier3A = arith.constant 0 : index
      tpu.barrier barrier_id(%barrier3A)
      %scan3A = arith.constant 0 : i32
      %scan3A_12 = arith.constant 2 : i32
      %scan3A_13 = arith.constant 0 : i32
      %scan3A_14 = arith.constant 125 : i32
      %scan3A_15 = arith.addi %scan3A_13, %scan3A_14 : i32
      %scan3A_16 = arith.constant 1 : i32
      scf.for %scan3A_31 = %scan3A_13 to %scan3A_15 step %scan3A_16  : i32 {
        %mul3A_32 = arith.constant 80 : i32
        %mul3A_33 = arith.muli %scan3A_31, %mul3A_32 : i32
        %multiple_of3A = tpu.assume_multiple %mul3A_33, 80 : i32
        %dma_start3A = tpu.memref_slice %arg9[%multiple_of3A] : memref<10000xi32, #tpu.memory_space<vmem>> -> memref<80xi32, #tpu.memory_space<vmem>>
        %dma_start3A_34 = arith.constant 0 : i32
        %dma_start3A_35 = arith.constant 0 : i32
        %dma_start3A_36 = tpu.memref_slice %arg2[%scan3A_12, %dma_start3A_34, %dma_start3A_35] : memref<4x10000x128xf32, #tpu.memory_space<hbm>> -> memref<1x10000x128xf32, #tpu.memory_space<hbm>>
        %dma_start3A_37 = tpu.memref_squeeze %dma_start3A_36 : memref<1x10000x128xf32, #tpu.memory_space<hbm>> -> memref<10000x128xf32, #tpu.memory_space<hbm>>
        %dma_start3A_38 = arith.constant 0 : i32
        %dma_start3A_39 = arith.constant 0 : i32
        %dma_start3A_40 = tpu.memref_slice %dma_start3A_37[%dma_start3A_38, %dma_start3A_39] : memref<10000x128xf32, #tpu.memory_space<hbm>> -> memref<10000x128xf32, #tpu.memory_space<hbm>>
        tpu.enqueue_indirect_dma source(%dma_start3A_40 : memref<10000x128xf32, #tpu.memory_space<hbm>>) target(%arg12 : memref<80x128xf32, #tpu.memory_space<vmem>>) offsets(%dma_start3A : memref<80xi32, #tpu.memory_space<vmem>>) semaphore(%arg14 : memref<!tpu.dma_semaphore, #tpu.memory_space<semaphore_mem>>)
        %dma_wait3A = tpu.memref_slice %arg9[%multiple_of3A] : memref<10000xi32, #tpu.memory_space<vmem>> -> memref<80xi32, #tpu.memory_space<vmem>>
        %dma_wait3A_41 = arith.constant 0 : i32
        %dma_wait3A_42 = arith.constant 0 : i32
        %dma_wait3A_43 = tpu.memref_slice %arg2[%scan3A_12, %dma_wait3A_41, %dma_wait3A_42] : memref<4x10000x128xf32, #tpu.memory_space<hbm>> -> memref<1x10000x128xf32, #tpu.memory_space<hbm>>
        %dma_wait3A_44 = tpu.memref_squeeze %dma_wait3A_43 : memref<1x10000x128xf32, #tpu.memory_space<hbm>> -> memref<10000x128xf32, #tpu.memory_space<hbm>>
        %dma_wait3A_45 = arith.constant 0 : i32
        %dma_wait3A_46 = arith.constant 0 : i32
        %dma_wait3A_47 = tpu.memref_slice %dma_wait3A_44[%dma_wait3A_45, %dma_wait3A_46] : memref<10000x128xf32, #tpu.memory_space<hbm>> -> memref<10000x128xf32, #tpu.memory_space<hbm>>
        tpu.wait_indirect_dma semaphore(%arg14 : memref<!tpu.dma_semaphore, #tpu.memory_space<semaphore_mem>>) src(%dma_wait3A_47 : memref<10000x128xf32, #tpu.memory_space<hbm>>) dst(%arg12 : memref<80x128xf32, #tpu.memory_space<vmem>>)
        "tpu.region"() ({
          %run_scoped3A_48 = tpu.sem_alloc : memref<!tpu.dma_semaphore, #tpu.memory_space<semaphore_mem>>
          %dma_start3A_49 = arith.constant 0 : i32
          %dma_start3A_50 = tpu.memref_slice %arg10[%scan3A_31, %dma_start3A_49] : memref<128x80xi32, #tpu.memory_space<vmem>> -> memref<1x80xi32, #tpu.memory_space<vmem>>
          %dma_start3A_51 = tpu.memref_squeeze %dma_start3A_50 : memref<1x80xi32, #tpu.memory_space<vmem>> -> memref<80xi32, #tpu.memory_space<vmem>>
          %dma_start3A_52 = arith.constant 0 : i32
          %dma_start3A_53 = arith.constant 0 : i32
          %dma_start3A_54 = tpu.memref_slice %arg13[%dma_start3A_52, %dma_start3A_53] : memref<10240x128xf32, #tpu.memory_space<vmem_shared>> -> memref<10240x128xf32, #tpu.memory_space<vmem_shared>>
          tpu.enqueue_indirect_dma source(%arg12 : memref<80x128xf32, #tpu.memory_space<vmem>>) target(%dma_start3A_54 : memref<10240x128xf32, #tpu.memory_space<vmem_shared>>) offsets(%dma_start3A_51 : memref<80xi32, #tpu.memory_space<vmem>>) semaphore(%run_scoped3A_48 : memref<!tpu.dma_semaphore, #tpu.memory_space<semaphore_mem>>) {add = true}
          %dma_wait3A_55 = arith.constant 0 : i32
          %dma_wait3A_56 = tpu.memref_slice %arg10[%scan3A_31, %dma_wait3A_55] : memref<128x80xi32, #tpu.memory_space<vmem>> -> memref<1x80xi32, #tpu.memory_space<vmem>>
          %dma_wait3A_57 = tpu.memref_squeeze %dma_wait3A_56 : memref<1x80xi32, #tpu.memory_space<vmem>> -> memref<80xi32, #tpu.memory_space<vmem>>
          %dma_wait3A_58 = arith.constant 0 : i32
          %dma_wait3A_59 = arith.constant 0 : i32
          %dma_wait3A_60 = tpu.memref_slice %arg13[%dma_wait3A_58, %dma_wait3A_59] : memref<10240x128xf32, #tpu.memory_space<vmem_shared>> -> memref<10240x128xf32, #tpu.memory_space<vmem_shared>>
          tpu.wait_indirect_dma semaphore(%run_scoped3A_48 : memref<!tpu.dma_semaphore, #tpu.memory_space<semaphore_mem>>) src(%arg12 : memref<80x128xf32, #tpu.memory_space<vmem>>) dst(%dma_wait3A_60 : memref<10240x128xf32, #tpu.memory_space<vmem_shared>>)
          tpu.yield
        }) : () -> ()
      }
      %scan3A_17 = arith.constant 125 : i32
      %barrier3A_18 = arith.constant 0 : index
      tpu.barrier barrier_id(%barrier3A_18)
      %run_scoped3A = arith.constant 2 : i32
      "tpu.region"() ({
        %run_scoped3A_31 = tpu.sem_alloc : memref<!tpu.dma_semaphore, #tpu.memory_space<semaphore_mem>>
        %dma_start3A = arith.constant 0 : i32
        %dma_start3A_32 = arith.constant 0 : i32
        %dma_start3A_33 = tpu.memref_slice %arg8[%run_scoped3A, %dma_start3A, %dma_start3A_32] : memref<4x10240x128xf32, #tpu.memory_space<hbm>> -> memref<1x10240x128xf32, #tpu.memory_space<hbm>>
        %dma_start3A_34 = tpu.memref_squeeze %dma_start3A_33 : memref<1x10240x128xf32, #tpu.memory_space<hbm>> -> memref<10240x128xf32, #tpu.memory_space<hbm>>
        %dma_start3A_35 = arith.constant 0 : i32
        %dma_start3A_36 = tpu.memref_slice %dma_start3A_34[%mul3A_4, %dma_start3A_35] : memref<10240x128xf32, #tpu.memory_space<hbm>> -> memref<640x128xf32, #tpu.memory_space<hbm>>
        %dma_start3A_37 = arith.constant 0 : i32
        %dma_start3A_38 = tpu.memref_slice %arg13[%mul3A_4, %dma_start3A_37] : memref<10240x128xf32, #tpu.memory_space<vmem_shared>> -> memref<640x128xf32, #tpu.memory_space<vmem_shared>>
        tpu.enqueue_dma source(%dma_start3A_38 : memref<640x128xf32, #tpu.memory_space<vmem_shared>>) target(%dma_start3A_36 : memref<640x128xf32, #tpu.memory_space<hbm>>) target_semaphore(%run_scoped3A_31 : memref<!tpu.dma_semaphore, #tpu.memory_space<semaphore_mem>>)
        %dma_wait3A = arith.constant 0 : i32
        %dma_wait3A_39 = arith.constant 0 : i32
        %dma_wait3A_40 = tpu.memref_slice %arg8[%run_scoped3A, %dma_wait3A, %dma_wait3A_39] : memref<4x10240x128xf32, #tpu.memory_space<hbm>> -> memref<1x10240x128xf32, #tpu.memory_space<hbm>>
        %dma_wait3A_41 = tpu.memref_squeeze %dma_wait3A_40 : memref<1x10240x128xf32, #tpu.memory_space<hbm>> -> memref<10240x128xf32, #tpu.memory_space<hbm>>
        %dma_wait3A_42 = arith.constant 0 : i32
        %dma_wait3A_43 = tpu.memref_slice %dma_wait3A_41[%mul3A_4, %dma_wait3A_42] : memref<10240x128xf32, #tpu.memory_space<hbm>> -> memref<640x128xf32, #tpu.memory_space<hbm>>
        %dma_wait3A_44 = arith.constant 0 : i32
        %dma_wait3A_45 = tpu.memref_slice %arg13[%mul3A_4, %dma_wait3A_44] : memref<10240x128xf32, #tpu.memory_space<vmem_shared>> -> memref<640x128xf32, #tpu.memory_space<vmem_shared>>
        tpu.wait_dma2 semaphore(%run_scoped3A_31 : memref<!tpu.dma_semaphore, #tpu.memory_space<semaphore_mem>>) src(%dma_wait3A_45 : memref<640x128xf32, #tpu.memory_space<vmem_shared>>) dst(%dma_wait3A_43 : memref<640x128xf32, #tpu.memory_space<hbm>>)
        tpu.yield
      }) : () -> ()
      %barrier3A_19 = arith.constant 0 : index
      tpu.barrier barrier_id(%barrier3A_19)
      "tpu.region"() ({
        %run_scoped3A_31 = tpu.sem_alloc : memref<!tpu.dma_semaphore, #tpu.memory_space<semaphore_mem>>
        %dma_start3A = arith.constant 0 : i32
        %dma_start3A_32 = tpu.memref_slice %arg13[%mul3A_4, %dma_start3A] : memref<10240x128xf32, #tpu.memory_space<vmem_shared>> -> memref<640x128xf32, #tpu.memory_space<vmem_shared>>
        tpu.enqueue_dma source(%arg7 : memref<640x128xf32, #tpu.memory_space<hbm>>) target(%dma_start3A_32 : memref<640x128xf32, #tpu.memory_space<vmem_shared>>) target_semaphore(%run_scoped3A_31 : memref<!tpu.dma_semaphore, #tpu.memory_space<semaphore_mem>>)
        %dma_wait3A = arith.constant 0 : i32
        %dma_wait3A_33 = tpu.memref_slice %arg13[%mul3A_4, %dma_wait3A] : memref<10240x128xf32, #tpu.memory_space<vmem_shared>> -> memref<640x128xf32, #tpu.memory_space<vmem_shared>>
        tpu.wait_dma2 semaphore(%run_scoped3A_31 : memref<!tpu.dma_semaphore, #tpu.memory_space<semaphore_mem>>) src(%arg7 : memref<640x128xf32, #tpu.memory_space<hbm>>) dst(%dma_wait3A_33 : memref<640x128xf32, #tpu.memory_space<vmem_shared>>)
        tpu.yield
      }) : () -> ()
      %barrier3A_20 = arith.constant 0 : index
      tpu.barrier barrier_id(%barrier3A_20)
      %scan3A_21 = arith.constant 0 : i32
      %scan3A_22 = arith.constant 3 : i32
      %scan3A_23 = arith.constant 0 : i32
      %scan3A_24 = arith.constant 125 : i32
      %scan3A_25 = arith.addi %scan3A_23, %scan3A_24 : i32
      %scan3A_26 = arith.constant 1 : i32
      scf.for %scan3A_31 = %scan3A_23 to %scan3A_25 step %scan3A_26  : i32 {
        %mul3A_32 = arith.constant 80 : i32
        %mul3A_33 = arith.muli %scan3A_31, %mul3A_32 : i32
        %multiple_of3A = tpu.assume_multiple %mul3A_33, 80 : i32
        %dma_start3A = tpu.memref_slice %arg9[%multiple_of3A] : memref<10000xi32, #tpu.memory_space<vmem>> -> memref<80xi32, #tpu.memory_space<vmem>>
        %dma_start3A_34 = arith.constant 0 : i32
        %dma_start3A_35 = arith.constant 0 : i32
        %dma_start3A_36 = tpu.memref_slice %arg2[%scan3A_22, %dma_start3A_34, %dma_start3A_35] : memref<4x10000x128xf32, #tpu.memory_space<hbm>> -> memref<1x10000x128xf32, #tpu.memory_space<hbm>>
        %dma_start3A_37 = tpu.memref_squeeze %dma_start3A_36 : memref<1x10000x128xf32, #tpu.memory_space<hbm>> -> memref<10000x128xf32, #tpu.memory_space<hbm>>
        %dma_start3A_38 = arith.constant 0 : i32
        %dma_start3A_39 = arith.constant 0 : i32
        %dma_start3A_40 = tpu.memref_slice %dma_start3A_37[%dma_start3A_38, %dma_start3A_39] : memref<10000x128xf32, #tpu.memory_space<hbm>> -> memref<10000x128xf32, #tpu.memory_space<hbm>>
        tpu.enqueue_indirect_dma source(%dma_start3A_40 : memref<10000x128xf32, #tpu.memory_space<hbm>>) target(%arg12 : memref<80x128xf32, #tpu.memory_space<vmem>>) offsets(%dma_start3A : memref<80xi32, #tpu.memory_space<vmem>>) semaphore(%arg14 : memref<!tpu.dma_semaphore, #tpu.memory_space<semaphore_mem>>)
        %dma_wait3A = tpu.memref_slice %arg9[%multiple_of3A] : memref<10000xi32, #tpu.memory_space<vmem>> -> memref<80xi32, #tpu.memory_space<vmem>>
        %dma_wait3A_41 = arith.constant 0 : i32
        %dma_wait3A_42 = arith.constant 0 : i32
        %dma_wait3A_43 = tpu.memref_slice %arg2[%scan3A_22, %dma_wait3A_41, %dma_wait3A_42] : memref<4x10000x128xf32, #tpu.memory_space<hbm>> -> memref<1x10000x128xf32, #tpu.memory_space<hbm>>
        %dma_wait3A_44 = tpu.memref_squeeze %dma_wait3A_43 : memref<1x10000x128xf32, #tpu.memory_space<hbm>> -> memref<10000x128xf32, #tpu.memory_space<hbm>>
        %dma_wait3A_45 = arith.constant 0 : i32
        %dma_wait3A_46 = arith.constant 0 : i32
        %dma_wait3A_47 = tpu.memref_slice %dma_wait3A_44[%dma_wait3A_45, %dma_wait3A_46] : memref<10000x128xf32, #tpu.memory_space<hbm>> -> memref<10000x128xf32, #tpu.memory_space<hbm>>
        tpu.wait_indirect_dma semaphore(%arg14 : memref<!tpu.dma_semaphore, #tpu.memory_space<semaphore_mem>>) src(%dma_wait3A_47 : memref<10000x128xf32, #tpu.memory_space<hbm>>) dst(%arg12 : memref<80x128xf32, #tpu.memory_space<vmem>>)
        "tpu.region"() ({
          %run_scoped3A_48 = tpu.sem_alloc : memref<!tpu.dma_semaphore, #tpu.memory_space<semaphore_mem>>
          %dma_start3A_49 = arith.constant 0 : i32
          %dma_start3A_50 = tpu.memref_slice %arg10[%scan3A_31, %dma_start3A_49] : memref<128x80xi32, #tpu.memory_space<vmem>> -> memref<1x80xi32, #tpu.memory_space<vmem>>
          %dma_start3A_51 = tpu.memref_squeeze %dma_start3A_50 : memref<1x80xi32, #tpu.memory_space<vmem>> -> memref<80xi32, #tpu.memory_space<vmem>>
          %dma_start3A_52 = arith.constant 0 : i32
          %dma_start3A_53 = arith.constant 0 : i32
          %dma_start3A_54 = tpu.memref_slice %arg13[%dma_start3A_52, %dma_start3A_53] : memref<10240x128xf32, #tpu.memory_space<vmem_shared>> -> memref<10240x128xf32, #tpu.memory_space<vmem_shared>>
          tpu.enqueue_indirect_dma source(%arg12 : memref<80x128xf32, #tpu.memory_space<vmem>>) target(%dma_start3A_54 : memref<10240x128xf32, #tpu.memory_space<vmem_shared>>) offsets(%dma_start3A_51 : memref<80xi32, #tpu.memory_space<vmem>>) semaphore(%run_scoped3A_48 : memref<!tpu.dma_semaphore, #tpu.memory_space<semaphore_mem>>) {add = true}
          %dma_wait3A_55 = arith.constant 0 : i32
          %dma_wait3A_56 = tpu.memref_slice %arg10[%scan3A_31, %dma_wait3A_55] : memref<128x80xi32, #tpu.memory_space<vmem>> -> memref<1x80xi32, #tpu.memory_space<vmem>>
          %dma_wait3A_57 = tpu.memref_squeeze %dma_wait3A_56 : memref<1x80xi32, #tpu.memory_space<vmem>> -> memref<80xi32, #tpu.memory_space<vmem>>
          %dma_wait3A_58 = arith.constant 0 : i32
          %dma_wait3A_59 = arith.constant 0 : i32
          %dma_wait3A_60 = tpu.memref_slice %arg13[%dma_wait3A_58, %dma_wait3A_59] : memref<10240x128xf32, #tpu.memory_space<vmem_shared>> -> memref<10240x128xf32, #tpu.memory_space<vmem_shared>>
          tpu.wait_indirect_dma semaphore(%run_scoped3A_48 : memref<!tpu.dma_semaphore, #tpu.memory_space<semaphore_mem>>) src(%arg12 : memref<80x128xf32, #tpu.memory_space<vmem>>) dst(%dma_wait3A_60 : memref<10240x128xf32, #tpu.memory_space<vmem_shared>>)
          tpu.yield
        }) : () -> ()
      }
      %scan3A_27 = arith.constant 125 : i32
      %barrier3A_28 = arith.constant 0 : index
      tpu.barrier barrier_id(%barrier3A_28)
      %run_scoped3A_29 = arith.constant 3 : i32
      "tpu.region"() ({
        %run_scoped3A_31 = tpu.sem_alloc : memref<!tpu.dma_semaphore, #tpu.memory_space<semaphore_mem>>
        %dma_start3A = arith.constant 0 : i32
        %dma_start3A_32 = arith.constant 0 : i32
        %dma_start3A_33 = tpu.memref_slice %arg8[%run_scoped3A_29, %dma_start3A, %dma_start3A_32] : memref<4x10240x128xf32, #tpu.memory_space<hbm>> -> memref<1x10240x128xf32, #tpu.memory_space<hbm>>
        %dma_start3A_34 = tpu.memref_squeeze %dma_start3A_33 : memref<1x10240x128xf32, #tpu.memory_space<hbm>> -> memref<10240x128xf32, #tpu.memory_space<hbm>>
        %dma_start3A_35 = arith.constant 0 : i32
        %dma_start3A_36 = tpu.memref_slice %dma_start3A_34[%mul3A_4, %dma_start3A_35] : memref<10240x128xf32, #tpu.memory_space<hbm>> -> memref<640x128xf32, #tpu.memory_space<hbm>>
        %dma_start3A_37 = arith.constant 0 : i32
        %dma_start3A_38 = tpu.memref_slice %arg13[%mul3A_4, %dma_start3A_37] : memref<10240x128xf32, #tpu.memory_space<vmem_shared>> -> memref<640x128xf32, #tpu.memory_space<vmem_shared>>
        tpu.enqueue_dma source(%dma_start3A_38 : memref<640x128xf32, #tpu.memory_space<vmem_shared>>) target(%dma_start3A_36 : memref<640x128xf32, #tpu.memory_space<hbm>>) target_semaphore(%run_scoped3A_31 : memref<!tpu.dma_semaphore, #tpu.memory_space<semaphore_mem>>)
        %dma_wait3A = arith.constant 0 : i32
        %dma_wait3A_39 = arith.constant 0 : i32
        %dma_wait3A_40 = tpu.memref_slice %arg8[%run_scoped3A_29, %dma_wait3A, %dma_wait3A_39] : memref<4x10240x128xf32, #tpu.memory_space<hbm>> -> memref<1x10240x128xf32, #tpu.memory_space<hbm>>
        %dma_wait3A_41 = tpu.memref_squeeze %dma_wait3A_40 : memref<1x10240x128xf32, #tpu.memory_space<hbm>> -> memref<10240x128xf32, #tpu.memory_space<hbm>>
        %dma_wait3A_42 = arith.constant 0 : i32
        %dma_wait3A_43 = tpu.memref_slice %dma_wait3A_41[%mul3A_4, %dma_wait3A_42] : memref<10240x128xf32, #tpu.memory_space<hbm>> -> memref<640x128xf32, #tpu.memory_space<hbm>>
        %dma_wait3A_44 = arith.constant 0 : i32
        %dma_wait3A_45 = tpu.memref_slice %arg13[%mul3A_4, %dma_wait3A_44] : memref<10240x128xf32, #tpu.memory_space<vmem_shared>> -> memref<640x128xf32, #tpu.memory_space<vmem_shared>>
        tpu.wait_dma2 semaphore(%run_scoped3A_31 : memref<!tpu.dma_semaphore, #tpu.memory_space<semaphore_mem>>) src(%dma_wait3A_45 : memref<640x128xf32, #tpu.memory_space<vmem_shared>>) dst(%dma_wait3A_43 : memref<640x128xf32, #tpu.memory_space<hbm>>)
        tpu.yield
      }) : () -> ()
      %barrier3A_30 = arith.constant 0 : index
      tpu.barrier barrier_id(%barrier3A_30)
    } else {
    }
    return
  }
}

#map = affine_map<(d0, d1) -> (0, 0, 0)>
#map1 = affine_map<(d0, d1) -> (0)>
#map2 = affine_map<(d0, d1) -> (0, 0)>
module attributes {stable_mosaic.version = 14 : i64} {
  func.func @body(%arg0: i32, %arg1: i32, %arg2: memref<4x10000x128xf32, #tpu.memory_space<hbm>>, %arg3: memref<160000xi32, #tpu.memory_space<hbm>>, %arg4: memref<2048x80xi32, #tpu.memory_space<hbm>>, %arg5: memref<2048x80xi32, #tpu.memory_space<hbm>>, %arg6: memref<80x128xf32, #tpu.memory_space<hbm>>, %arg7: memref<640x128xf32, #tpu.memory_space<hbm>>, %arg8: memref<4x10240x128xf32, #tpu.memory_space<hbm>>, %arg9: memref<10000xi32, #tpu.memory_space<vmem>>, %arg10: memref<128x80xi32, #tpu.memory_space<vmem>>, %arg11: memref<64x80xi32, #tpu.memory_space<vmem>>, %arg12: memref<80x128xf32, #tpu.memory_space<vmem>>, %arg13: memref<10240x128xf32, #tpu.memory_space<vmem_shared>>, %arg14: memref<!tpu.dma_semaphore, #tpu.memory_space<semaphore_mem>>) attributes {dimension_semantics = [#tpu.dimension_semantics<core_parallel>, #tpu.dimension_semantics<subcore_parallel>], iteration_bounds = array<i64: 2, 16>, scalar_prefetch = 0 : i64, scratch_operands = 6 : i64, tpu.core_type = #tpu.core_type<sc_vector_subcore>, window_params = [{transform_indices = #map}, {transform_indices = #map1}, {transform_indices = #map2}, {transform_indices = #map2}, {transform_indices = #map2}, {transform_indices = #map2}, {transform_indices = #map}]} {
    %mul3A = arith.constant 10000 : i32
    %mul3A_0 = arith.muli %arg1, %mul3A : i32
    "tpu.region"() ({
      %run_scoped3A = tpu.sem_alloc : memref<!tpu.dma_semaphore, #tpu.memory_space<semaphore_mem>>
      %dma_start3A = tpu.memref_slice %arg3[%mul3A_0] : memref<160000xi32, #tpu.memory_space<hbm>> -> memref<10000xi32, #tpu.memory_space<hbm>>
      %dma_start3A_12 = tpu.memref_slice %arg3[%mul3A_0] : memref<160000xi32, #tpu.memory_space<hbm>> -> memref<10000xi32, #tpu.memory_space<hbm>>
      tpu.enqueue_dma source(%dma_start3A_12 : memref<10000xi32, #tpu.memory_space<hbm>>) target(%arg9 : memref<10000xi32, #tpu.memory_space<vmem>>) target_semaphore(%run_scoped3A : memref<!tpu.dma_semaphore, #tpu.memory_space<semaphore_mem>>)
      %dma_wait3A = tpu.memref_slice %arg3[%mul3A_0] : memref<160000xi32, #tpu.memory_space<hbm>> -> memref<10000xi32, #tpu.memory_space<hbm>>
      %dma_wait3A_13 = tpu.memref_slice %arg3[%mul3A_0] : memref<160000xi32, #tpu.memory_space<hbm>> -> memref<10000xi32, #tpu.memory_space<hbm>>
      tpu.wait_dma2 semaphore(%run_scoped3A : memref<!tpu.dma_semaphore, #tpu.memory_space<semaphore_mem>>) src(%dma_wait3A_13 : memref<10000xi32, #tpu.memory_space<hbm>>) dst(%arg9 : memref<10000xi32, #tpu.memory_space<vmem>>)
      tpu.yield
    }) : () -> ()
    %mul3A_1 = arith.constant 128 : i32
    %mul3A_2 = arith.muli %arg1, %mul3A_1 : i32
    "tpu.region"() ({
      %run_scoped3A = tpu.sem_alloc : memref<!tpu.dma_semaphore, #tpu.memory_space<semaphore_mem>>
      %dma_start3A = arith.constant 0 : i32
      %dma_start3A_12 = tpu.memref_slice %arg4[%mul3A_2, %dma_start3A] : memref<2048x80xi32, #tpu.memory_space<hbm>> -> memref<128x80xi32, #tpu.memory_space<hbm>>
      %dma_start3A_13 = arith.constant 0 : i32
      %dma_start3A_14 = tpu.memref_slice %arg4[%mul3A_2, %dma_start3A_13] : memref<2048x80xi32, #tpu.memory_space<hbm>> -> memref<128x80xi32, #tpu.memory_space<hbm>>
      tpu.enqueue_dma source(%dma_start3A_14 : memref<128x80xi32, #tpu.memory_space<hbm>>) target(%arg10 : memref<128x80xi32, #tpu.memory_space<vmem>>) target_semaphore(%run_scoped3A : memref<!tpu.dma_semaphore, #tpu.memory_space<semaphore_mem>>)
      %dma_wait3A = arith.constant 0 : i32
      %dma_wait3A_15 = tpu.memref_slice %arg4[%mul3A_2, %dma_wait3A] : memref<2048x80xi32, #tpu.memory_space<hbm>> -> memref<128x80xi32, #tpu.memory_space<hbm>>
      %dma_wait3A_16 = arith.constant 0 : i32
      %dma_wait3A_17 = tpu.memref_slice %arg4[%mul3A_2, %dma_wait3A_16] : memref<2048x80xi32, #tpu.memory_space<hbm>> -> memref<128x80xi32, #tpu.memory_space<hbm>>
      tpu.wait_dma2 semaphore(%run_scoped3A : memref<!tpu.dma_semaphore, #tpu.memory_space<semaphore_mem>>) src(%dma_wait3A_17 : memref<128x80xi32, #tpu.memory_space<hbm>>) dst(%arg10 : memref<128x80xi32, #tpu.memory_space<vmem>>)
      tpu.yield
    }) : () -> ()
    %mul3A_3 = arith.constant 640 : i32
    %mul3A_4 = arith.muli %arg1, %mul3A_3 : i32
    %eq3A = arith.constant 0 : i32
    %eq3A_5 = arith.cmpi eq, %arg0, %eq3A : i32
    %convert_element_type3A = arith.extui %eq3A_5 : i1 to i32
    %cond3A = arith.constant 0 : i32
    %cond3A_6 = arith.cmpi ne, %convert_element_type3A, %cond3A : i32
    scf.if %cond3A_6 {
      "tpu.region"() ({
        %run_scoped3A_31 = tpu.sem_alloc : memref<!tpu.dma_semaphore, #tpu.memory_space<semaphore_mem>>
        %dma_start3A = arith.constant 0 : i32
        %dma_start3A_32 = tpu.memref_slice %arg13[%mul3A_4, %dma_start3A] : memref<10240x128xf32, #tpu.memory_space<vmem_shared>> -> memref<640x128xf32, #tpu.memory_space<vmem_shared>>
        tpu.enqueue_dma source(%arg7 : memref<640x128xf32, #tpu.memory_space<hbm>>) target(%dma_start3A_32 : memref<640x128xf32, #tpu.memory_space<vmem_shared>>) target_semaphore(%run_scoped3A_31 : memref<!tpu.dma_semaphore, #tpu.memory_space<semaphore_mem>>)
        %dma_wait3A = arith.constant 0 : i32
        %dma_wait3A_33 = tpu.memref_slice %arg13[%mul3A_4, %dma_wait3A] : memref<10240x128xf32, #tpu.memory_space<vmem_shared>> -> memref<640x128xf32, #tpu.memory_space<vmem_shared>>
        tpu.wait_dma2 semaphore(%run_scoped3A_31 : memref<!tpu.dma_semaphore, #tpu.memory_space<semaphore_mem>>) src(%arg7 : memref<640x128xf32, #tpu.memory_space<hbm>>) dst(%dma_wait3A_33 : memref<640x128xf32, #tpu.memory_space<vmem_shared>>)
        tpu.yield
      }) : () -> ()
      %barrier3A = arith.constant 0 : index
      tpu.barrier barrier_id(%barrier3A)
      %scan3A = arith.constant 0 : i32
      %scan3A_12 = arith.constant 0 : i32
      %scan3A_13 = arith.constant 0 : i32
      %scan3A_14 = arith.constant 125 : i32
      %scan3A_15 = arith.addi %scan3A_13, %scan3A_14 : i32
      %scan3A_16 = arith.constant 1 : i32
      scf.for %scan3A_31 = %scan3A_13 to %scan3A_15 step %scan3A_16  : i32 {
        %mul3A_32 = arith.constant 80 : i32
        %mul3A_33 = arith.muli %scan3A_31, %mul3A_32 : i32
        %multiple_of3A = tpu.assume_multiple %mul3A_33, 80 : i32
        %dma_start3A = tpu.memref_slice %arg9[%multiple_of3A] : memref<10000xi32, #tpu.memory_space<vmem>> -> memref<80xi32, #tpu.memory_space<vmem>>
        %dma_start3A_34 = arith.constant 0 : i32
        %dma_start3A_35 = arith.constant 0 : i32
        %dma_start3A_36 = tpu.memref_slice %arg2[%scan3A_12, %dma_start3A_34, %dma_start3A_35] : memref<4x10000x128xf32, #tpu.memory_space<hbm>> -> memref<1x10000x128xf32, #tpu.memory_space<hbm>>
        %dma_start3A_37 = tpu.memref_squeeze %dma_start3A_36 : memref<1x10000x128xf32, #tpu.memory_space<hbm>> -> memref<10000x128xf32, #tpu.memory_space<hbm>>
        %dma_start3A_38 = arith.constant 0 : i32
        %dma_start3A_39 = arith.constant 0 : i32
        %dma_start3A_40 = tpu.memref_slice %dma_start3A_37[%dma_start3A_38, %dma_start3A_39] : memref<10000x128xf32, #tpu.memory_space<hbm>> -> memref<10000x128xf32, #tpu.memory_space<hbm>>
        tpu.enqueue_indirect_dma source(%dma_start3A_40 : memref<10000x128xf32, #tpu.memory_space<hbm>>) target(%arg12 : memref<80x128xf32, #tpu.memory_space<vmem>>) offsets(%dma_start3A : memref<80xi32, #tpu.memory_space<vmem>>) semaphore(%arg14 : memref<!tpu.dma_semaphore, #tpu.memory_space<semaphore_mem>>)
        %dma_wait3A = tpu.memref_slice %arg9[%multiple_of3A] : memref<10000xi32, #tpu.memory_space<vmem>> -> memref<80xi32, #tpu.memory_space<vmem>>
        %dma_wait3A_41 = arith.constant 0 : i32
        %dma_wait3A_42 = arith.constant 0 : i32
        %dma_wait3A_43 = tpu.memref_slice %arg2[%scan3A_12, %dma_wait3A_41, %dma_wait3A_42] : memref<4x10000x128xf32, #tpu.memory_space<hbm>> -> memref<1x10000x128xf32, #tpu.memory_space<hbm>>
        %dma_wait3A_44 = tpu.memref_squeeze %dma_wait3A_43 : memref<1x10000x128xf32, #tpu.memory_space<hbm>> -> memref<10000x128xf32, #tpu.memory_space<hbm>>
        %dma_wait3A_45 = arith.constant 0 : i32
        %dma_wait3A_46 = arith.constant 0 : i32
        %dma_wait3A_47 = tpu.memref_slice %dma_wait3A_44[%dma_wait3A_45, %dma_wait3A_46] : memref<10000x128xf32, #tpu.memory_space<hbm>> -> memref<10000x128xf32, #tpu.memory_space<hbm>>
        tpu.wait_indirect_dma semaphore(%arg14 : memref<!tpu.dma_semaphore, #tpu.memory_space<semaphore_mem>>) src(%dma_wait3A_47 : memref<10000x128xf32, #tpu.memory_space<hbm>>) dst(%arg12 : memref<80x128xf32, #tpu.memory_space<vmem>>)
        "tpu.region"() ({
          %run_scoped3A_48 = tpu.sem_alloc : memref<!tpu.dma_semaphore, #tpu.memory_space<semaphore_mem>>
          %dma_start3A_49 = arith.constant 0 : i32
          %dma_start3A_50 = tpu.memref_slice %arg10[%scan3A_31, %dma_start3A_49] : memref<128x80xi32, #tpu.memory_space<vmem>> -> memref<1x80xi32, #tpu.memory_space<vmem>>
          %dma_start3A_51 = tpu.memref_squeeze %dma_start3A_50 : memref<1x80xi32, #tpu.memory_space<vmem>> -> memref<80xi32, #tpu.memory_space<vmem>>
          %dma_start3A_52 = arith.constant 0 : i32
          %dma_start3A_53 = arith.constant 0 : i32
          %dma_start3A_54 = tpu.memref_slice %arg13[%dma_start3A_52, %dma_start3A_53] : memref<10240x128xf32, #tpu.memory_space<vmem_shared>> -> memref<10240x128xf32, #tpu.memory_space<vmem_shared>>
          tpu.enqueue_indirect_dma source(%arg12 : memref<80x128xf32, #tpu.memory_space<vmem>>) target(%dma_start3A_54 : memref<10240x128xf32, #tpu.memory_space<vmem_shared>>) offsets(%dma_start3A_51 : memref<80xi32, #tpu.memory_space<vmem>>) semaphore(%run_scoped3A_48 : memref<!tpu.dma_semaphore, #tpu.memory_space<semaphore_mem>>) {add = true}
          %dma_wait3A_55 = arith.constant 0 : i32
          %dma_wait3A_56 = tpu.memref_slice %arg10[%scan3A_31, %dma_wait3A_55] : memref<128x80xi32, #tpu.memory_space<vmem>> -> memref<1x80xi32, #tpu.memory_space<vmem>>
          %dma_wait3A_57 = tpu.memref_squeeze %dma_wait3A_56 : memref<1x80xi32, #tpu.memory_space<vmem>> -> memref<80xi32, #tpu.memory_space<vmem>>
          %dma_wait3A_58 = arith.constant 0 : i32
          %dma_wait3A_59 = arith.constant 0 : i32
          %dma_wait3A_60 = tpu.memref_slice %arg13[%dma_wait3A_58, %dma_wait3A_59] : memref<10240x128xf32, #tpu.memory_space<vmem_shared>> -> memref<10240x128xf32, #tpu.memory_space<vmem_shared>>
          tpu.wait_indirect_dma semaphore(%run_scoped3A_48 : memref<!tpu.dma_semaphore, #tpu.memory_space<semaphore_mem>>) src(%arg12 : memref<80x128xf32, #tpu.memory_space<vmem>>) dst(%dma_wait3A_60 : memref<10240x128xf32, #tpu.memory_space<vmem_shared>>)
          tpu.yield
        }) : () -> ()
      }
      %scan3A_17 = arith.constant 125 : i32
      %barrier3A_18 = arith.constant 0 : index
      tpu.barrier barrier_id(%barrier3A_18)
      %run_scoped3A = arith.constant 0 : i32
      "tpu.region"() ({
        %run_scoped3A_31 = tpu.sem_alloc : memref<!tpu.dma_semaphore, #tpu.memory_space<semaphore_mem>>
        %dma_start3A = arith.constant 0 : i32
        %dma_start3A_32 = arith.constant 0 : i32
        %dma_start3A_33 = tpu.memref_slice %arg8[%run_scoped3A, %dma_start3A, %dma_start3A_32] : memref<4x10240x128xf32, #tpu.memory_space<hbm>> -> memref<1x10240x128xf32, #tpu.memory_space<hbm>>
        %dma_start3A_34 = tpu.memref_squeeze %dma_start3A_33 : memref<1x10240x128xf32, #tpu.memory_space<hbm>> -> memref<10240x128xf32, #tpu.memory_space<hbm>>
        %dma_start3A_35 = arith.constant 0 : i32
        %dma_start3A_36 = tpu.memref_slice %dma_start3A_34[%mul3A_4, %dma_start3A_35] : memref<10240x128xf32, #tpu.memory_space<hbm>> -> memref<640x128xf32, #tpu.memory_space<hbm>>
        %dma_start3A_37 = arith.constant 0 : i32
        %dma_start3A_38 = tpu.memref_slice %arg13[%mul3A_4, %dma_start3A_37] : memref<10240x128xf32, #tpu.memory_space<vmem_shared>> -> memref<640x128xf32, #tpu.memory_space<vmem_shared>>
        tpu.enqueue_dma source(%dma_start3A_38 : memref<640x128xf32, #tpu.memory_space<vmem_shared>>) target(%dma_start3A_36 : memref<640x128xf32, #tpu.memory_space<hbm>>) target_semaphore(%run_scoped3A_31 : memref<!tpu.dma_semaphore, #tpu.memory_space<semaphore_mem>>)
        %dma_wait3A = arith.constant 0 : i32
        %dma_wait3A_39 = arith.constant 0 : i32
        %dma_wait3A_40 = tpu.memref_slice %arg8[%run_scoped3A, %dma_wait3A, %dma_wait3A_39] : memref<4x10240x128xf32, #tpu.memory_space<hbm>> -> memref<1x10240x128xf32, #tpu.memory_space<hbm>>
        %dma_wait3A_41 = tpu.memref_squeeze %dma_wait3A_40 : memref<1x10240x128xf32, #tpu.memory_space<hbm>> -> memref<10240x128xf32, #tpu.memory_space<hbm>>
        %dma_wait3A_42 = arith.constant 0 : i32
        %dma_wait3A_43 = tpu.memref_slice %dma_wait3A_41[%mul3A_4, %dma_wait3A_42] : memref<10240x128xf32, #tpu.memory_space<hbm>> -> memref<640x128xf32, #tpu.memory_space<hbm>>
        %dma_wait3A_44 = arith.constant 0 : i32
        %dma_wait3A_45 = tpu.memref_slice %arg13[%mul3A_4, %dma_wait3A_44] : memref<10240x128xf32, #tpu.memory_space<vmem_shared>> -> memref<640x128xf32, #tpu.memory_space<vmem_shared>>
        tpu.wait_dma2 semaphore(%run_scoped3A_31 : memref<!tpu.dma_semaphore, #tpu.memory_space<semaphore_mem>>) src(%dma_wait3A_45 : memref<640x128xf32, #tpu.memory_space<vmem_shared>>) dst(%dma_wait3A_43 : memref<640x128xf32, #tpu.memory_space<hbm>>)
        tpu.yield
      }) : () -> ()
      %barrier3A_19 = arith.constant 0 : index
      tpu.barrier barrier_id(%barrier3A_19)
      "tpu.region"() ({
        %run_scoped3A_31 = tpu.sem_alloc : memref<!tpu.dma_semaphore, #tpu.memory_space<semaphore_mem>>
        %dma_start3A = arith.constant 0 : i32
        %dma_start3A_32 = tpu.memref_slice %arg13[%mul3A_4, %dma_start3A] : memref<10240x128xf32, #tpu.memory_space<vmem_shared>> -> memref<640x128xf32, #tpu.memory_space<vmem_shared>>
        tpu.enqueue_dma source(%arg7 : memref<640x128xf32, #tpu.memory_space<hbm>>) target(%dma_start3A_32 : memref<640x128xf32, #tpu.memory_space<vmem_shared>>) target_semaphore(%run_scoped3A_31 : memref<!tpu.dma_semaphore, #tpu.memory_space<semaphore_mem>>)
        %dma_wait3A = arith.constant 0 : i32
        %dma_wait3A_33 = tpu.memref_slice %arg13[%mul3A_4, %dma_wait3A] : memref<10240x128xf32, #tpu.memory_space<vmem_shared>> -> memref<640x128xf32, #tpu.memory_space<vmem_shared>>
        tpu.wait_dma2 semaphore(%run_scoped3A_31 : memref<!tpu.dma_semaphore, #tpu.memory_space<semaphore_mem>>) src(%arg7 : memref<640x128xf32, #tpu.memory_space<hbm>>) dst(%dma_wait3A_33 : memref<640x128xf32, #tpu.memory_space<vmem_shared>>)
        tpu.yield
      }) : () -> ()
      %barrier3A_20 = arith.constant 0 : index
      tpu.barrier barrier_id(%barrier3A_20)
      %scan3A_21 = arith.constant 0 : i32
      %scan3A_22 = arith.constant 1 : i32
      %scan3A_23 = arith.constant 0 : i32
      %scan3A_24 = arith.constant 125 : i32
      %scan3A_25 = arith.addi %scan3A_23, %scan3A_24 : i32
      %scan3A_26 = arith.constant 1 : i32
      scf.for %scan3A_31 = %scan3A_23 to %scan3A_25 step %scan3A_26  : i32 {
        %mul3A_32 = arith.constant 80 : i32
        %mul3A_33 = arith.muli %scan3A_31, %mul3A_32 : i32
        %multiple_of3A = tpu.assume_multiple %mul3A_33, 80 : i32
        %dma_start3A = tpu.memref_slice %arg9[%multiple_of3A] : memref<10000xi32, #tpu.memory_space<vmem>> -> memref<80xi32, #tpu.memory_space<vmem>>
        %dma_start3A_34 = arith.constant 0 : i32
        %dma_start3A_35 = arith.constant 0 : i32
        %dma_start3A_36 = tpu.memref_slice %arg2[%scan3A_22, %dma_start3A_34, %dma_start3A_35] : memref<4x10000x128xf32, #tpu.memory_space<hbm>> -> memref<1x10000x128xf32, #tpu.memory_space<hbm>>
        %dma_start3A_37 = tpu.memref_squeeze %dma_start3A_36 : memref<1x10000x128xf32, #tpu.memory_space<hbm>> -> memref<10000x128xf32, #tpu.memory_space<hbm>>
        %dma_start3A_38 = arith.constant 0 : i32
        %dma_start3A_39 = arith.constant 0 : i32
        %dma_start3A_40 = tpu.memref_slice %dma_start3A_37[%dma_start3A_38, %dma_start3A_39] : memref<10000x128xf32, #tpu.memory_space<hbm>> -> memref<10000x128xf32, #tpu.memory_space<hbm>>
        tpu.enqueue_indirect_dma source(%dma_start3A_40 : memref<10000x128xf32, #tpu.memory_space<hbm>>) target(%arg12 : memref<80x128xf32, #tpu.memory_space<vmem>>) offsets(%dma_start3A : memref<80xi32, #tpu.memory_space<vmem>>) semaphore(%arg14 : memref<!tpu.dma_semaphore, #tpu.memory_space<semaphore_mem>>)
        %dma_wait3A = tpu.memref_slice %arg9[%multiple_of3A] : memref<10000xi32, #tpu.memory_space<vmem>> -> memref<80xi32, #tpu.memory_space<vmem>>
        %dma_wait3A_41 = arith.constant 0 : i32
        %dma_wait3A_42 = arith.constant 0 : i32
        %dma_wait3A_43 = tpu.memref_slice %arg2[%scan3A_22, %dma_wait3A_41, %dma_wait3A_42] : memref<4x10000x128xf32, #tpu.memory_space<hbm>> -> memref<1x10000x128xf32, #tpu.memory_space<hbm>>
        %dma_wait3A_44 = tpu.memref_squeeze %dma_wait3A_43 : memref<1x10000x128xf32, #tpu.memory_space<hbm>> -> memref<10000x128xf32, #tpu.memory_space<hbm>>
        %dma_wait3A_45 = arith.constant 0 : i32
        %dma_wait3A_46 = arith.constant 0 : i32
        %dma_wait3A_47 = tpu.memref_slice %dma_wait3A_44[%dma_wait3A_45, %dma_wait3A_46] : memref<10000x128xf32, #tpu.memory_space<hbm>> -> memref<10000x128xf32, #tpu.memory_space<hbm>>
        tpu.wait_indirect_dma semaphore(%arg14 : memref<!tpu.dma_semaphore, #tpu.memory_space<semaphore_mem>>) src(%dma_wait3A_47 : memref<10000x128xf32, #tpu.memory_space<hbm>>) dst(%arg12 : memref<80x128xf32, #tpu.memory_space<vmem>>)
        "tpu.region"() ({
          %run_scoped3A_48 = tpu.sem_alloc : memref<!tpu.dma_semaphore, #tpu.memory_space<semaphore_mem>>
          %dma_start3A_49 = arith.constant 0 : i32
          %dma_start3A_50 = tpu.memref_slice %arg10[%scan3A_31, %dma_start3A_49] : memref<128x80xi32, #tpu.memory_space<vmem>> -> memref<1x80xi32, #tpu.memory_space<vmem>>
          %dma_start3A_51 = tpu.memref_squeeze %dma_start3A_50 : memref<1x80xi32, #tpu.memory_space<vmem>> -> memref<80xi32, #tpu.memory_space<vmem>>
          %dma_start3A_52 = arith.constant 0 : i32
          %dma_start3A_53 = arith.constant 0 : i32
          %dma_start3A_54 = tpu.memref_slice %arg13[%dma_start3A_52, %dma_start3A_53] : memref<10240x128xf32, #tpu.memory_space<vmem_shared>> -> memref<10240x128xf32, #tpu.memory_space<vmem_shared>>
          tpu.enqueue_indirect_dma source(%arg12 : memref<80x128xf32, #tpu.memory_space<vmem>>) target(%dma_start3A_54 : memref<10240x128xf32, #tpu.memory_space<vmem_shared>>) offsets(%dma_start3A_51 : memref<80xi32, #tpu.memory_space<vmem>>) semaphore(%run_scoped3A_48 : memref<!tpu.dma_semaphore, #tpu.memory_space<semaphore_mem>>) {add = true}
          %dma_wait3A_55 = arith.constant 0 : i32
          %dma_wait3A_56 = tpu.memref_slice %arg10[%scan3A_31, %dma_wait3A_55] : memref<128x80xi32, #tpu.memory_space<vmem>> -> memref<1x80xi32, #tpu.memory_space<vmem>>
          %dma_wait3A_57 = tpu.memref_squeeze %dma_wait3A_56 : memref<1x80xi32, #tpu.memory_space<vmem>> -> memref<80xi32, #tpu.memory_space<vmem>>
          %dma_wait3A_58 = arith.constant 0 : i32
          %dma_wait3A_59 = arith.constant 0 : i32
          %dma_wait3A_60 = tpu.memref_slice %arg13[%dma_wait3A_58, %dma_wait3A_59] : memref<10240x128xf32, #tpu.memory_space<vmem_shared>> -> memref<10240x128xf32, #tpu.memory_space<vmem_shared>>
          tpu.wait_indirect_dma semaphore(%run_scoped3A_48 : memref<!tpu.dma_semaphore, #tpu.memory_space<semaphore_mem>>) src(%arg12 : memref<80x128xf32, #tpu.memory_space<vmem>>) dst(%dma_wait3A_60 : memref<10240x128xf32, #tpu.memory_space<vmem_shared>>)
          tpu.yield
        }) : () -> ()
      }
      %scan3A_27 = arith.constant 125 : i32
      %barrier3A_28 = arith.constant 0 : index
      tpu.barrier barrier_id(%barrier3A_28)
      %run_scoped3A_29 = arith.constant 1 : i32
      "tpu.region"() ({
        %run_scoped3A_31 = tpu.sem_alloc : memref<!tpu.dma_semaphore, #tpu.memory_space<semaphore_mem>>
        %dma_start3A = arith.constant 0 : i32
        %dma_start3A_32 = arith.constant 0 : i32
        %dma_start3A_33 = tpu.memref_slice %arg8[%run_scoped3A_29, %dma_start3A, %dma_start3A_32] : memref<4x10240x128xf32, #tpu.memory_space<hbm>> -> memref<1x10240x128xf32, #tpu.memory_space<hbm>>
        %dma_start3A_34 = tpu.memref_squeeze %dma_start3A_33 : memref<1x10240x128xf32, #tpu.memory_space<hbm>> -> memref<10240x128xf32, #tpu.memory_space<hbm>>
        %dma_start3A_35 = arith.constant 0 : i32
        %dma_start3A_36 = tpu.memref_slice %dma_start3A_34[%mul3A_4, %dma_start3A_35] : memref<10240x128xf32, #tpu.memory_space<hbm>> -> memref<640x128xf32, #tpu.memory_space<hbm>>
        %dma_start3A_37 = arith.constant 0 : i32
        %dma_start3A_38 = tpu.memref_slice %arg13[%mul3A_4, %dma_start3A_37] : memref<10240x128xf32, #tpu.memory_space<vmem_shared>> -> memref<640x128xf32, #tpu.memory_space<vmem_shared>>
        tpu.enqueue_dma source(%dma_start3A_38 : memref<640x128xf32, #tpu.memory_space<vmem_shared>>) target(%dma_start3A_36 : memref<640x128xf32, #tpu.memory_space<hbm>>) target_semaphore(%run_scoped3A_31 : memref<!tpu.dma_semaphore, #tpu.memory_space<semaphore_mem>>)
        %dma_wait3A = arith.constant 0 : i32
        %dma_wait3A_39 = arith.constant 0 : i32
        %dma_wait3A_40 = tpu.memref_slice %arg8[%run_scoped3A_29, %dma_wait3A, %dma_wait3A_39] : memref<4x10240x128xf32, #tpu.memory_space<hbm>> -> memref<1x10240x128xf32, #tpu.memory_space<hbm>>
        %dma_wait3A_41 = tpu.memref_squeeze %dma_wait3A_40 : memref<1x10240x128xf32, #tpu.memory_space<hbm>> -> memref<10240x128xf32, #tpu.memory_space<hbm>>
        %dma_wait3A_42 = arith.constant 0 : i32
        %dma_wait3A_43 = tpu.memref_slice %dma_wait3A_41[%mul3A_4, %dma_wait3A_42] : memref<10240x128xf32, #tpu.memory_space<hbm>> -> memref<640x128xf32, #tpu.memory_space<hbm>>
        %dma_wait3A_44 = arith.constant 0 : i32
        %dma_wait3A_45 = tpu.memref_slice %arg13[%mul3A_4, %dma_wait3A_44] : memref<10240x128xf32, #tpu.memory_space<vmem_shared>> -> memref<640x128xf32, #tpu.memory_space<vmem_shared>>
        tpu.wait_dma2 semaphore(%run_scoped3A_31 : memref<!tpu.dma_semaphore, #tpu.memory_space<semaphore_mem>>) src(%dma_wait3A_45 : memref<640x128xf32, #tpu.memory_space<vmem_shared>>) dst(%dma_wait3A_43 : memref<640x128xf32, #tpu.memory_space<hbm>>)
        tpu.yield
      }) : () -> ()
      %barrier3A_30 = arith.constant 0 : index
      tpu.barrier barrier_id(%barrier3A_30)
    } else {
    }
    %eq3A_7 = arith.constant 1 : i32
    %eq3A_8 = arith.cmpi eq, %arg0, %eq3A_7 : i32
    %convert_element_type3A_9 = arith.extui %eq3A_8 : i1 to i32
    %cond3A_10 = arith.constant 0 : i32
    %cond3A_11 = arith.cmpi ne, %convert_element_type3A_9, %cond3A_10 : i32
    scf.if %cond3A_11 {
      "tpu.region"() ({
        %run_scoped3A_31 = tpu.sem_alloc : memref<!tpu.dma_semaphore, #tpu.memory_space<semaphore_mem>>
        %dma_start3A = arith.constant 0 : i32
        %dma_start3A_32 = tpu.memref_slice %arg13[%mul3A_4, %dma_start3A] : memref<10240x128xf32, #tpu.memory_space<vmem_shared>> -> memref<640x128xf32, #tpu.memory_space<vmem_shared>>
        tpu.enqueue_dma source(%arg7 : memref<640x128xf32, #tpu.memory_space<hbm>>) target(%dma_start3A_32 : memref<640x128xf32, #tpu.memory_space<vmem_shared>>) target_semaphore(%run_scoped3A_31 : memref<!tpu.dma_semaphore, #tpu.memory_space<semaphore_mem>>)
        %dma_wait3A = arith.constant 0 : i32
        %dma_wait3A_33 = tpu.memref_slice %arg13[%mul3A_4, %dma_wait3A] : memref<10240x128xf32, #tpu.memory_space<vmem_shared>> -> memref<640x128xf32, #tpu.memory_space<vmem_shared>>
        tpu.wait_dma2 semaphore(%run_scoped3A_31 : memref<!tpu.dma_semaphore, #tpu.memory_space<semaphore_mem>>) src(%arg7 : memref<640x128xf32, #tpu.memory_space<hbm>>) dst(%dma_wait3A_33 : memref<640x128xf32, #tpu.memory_space<vmem_shared>>)
        tpu.yield
      }) : () -> ()
      %barrier3A = arith.constant 0 : index
      tpu.barrier barrier_id(%barrier3A)
      %scan3A = arith.constant 0 : i32
      %scan3A_12 = arith.constant 2 : i32
      %scan3A_13 = arith.constant 0 : i32
      %scan3A_14 = arith.constant 125 : i32
      %scan3A_15 = arith.addi %scan3A_13, %scan3A_14 : i32
      %scan3A_16 = arith.constant 1 : i32
      scf.for %scan3A_31 = %scan3A_13 to %scan3A_15 step %scan3A_16  : i32 {
        %mul3A_32 = arith.constant 80 : i32
        %mul3A_33 = arith.muli %scan3A_31, %mul3A_32 : i32
        %multiple_of3A = tpu.assume_multiple %mul3A_33, 80 : i32
        %dma_start3A = tpu.memref_slice %arg9[%multiple_of3A] : memref<10000xi32, #tpu.memory_space<vmem>> -> memref<80xi32, #tpu.memory_space<vmem>>
        %dma_start3A_34 = arith.constant 0 : i32
        %dma_start3A_35 = arith.constant 0 : i32
        %dma_start3A_36 = tpu.memref_slice %arg2[%scan3A_12, %dma_start3A_34, %dma_start3A_35] : memref<4x10000x128xf32, #tpu.memory_space<hbm>> -> memref<1x10000x128xf32, #tpu.memory_space<hbm>>
        %dma_start3A_37 = tpu.memref_squeeze %dma_start3A_36 : memref<1x10000x128xf32, #tpu.memory_space<hbm>> -> memref<10000x128xf32, #tpu.memory_space<hbm>>
        %dma_start3A_38 = arith.constant 0 : i32
        %dma_start3A_39 = arith.constant 0 : i32
        %dma_start3A_40 = tpu.memref_slice %dma_start3A_37[%dma_start3A_38, %dma_start3A_39] : memref<10000x128xf32, #tpu.memory_space<hbm>> -> memref<10000x128xf32, #tpu.memory_space<hbm>>
        tpu.enqueue_indirect_dma source(%dma_start3A_40 : memref<10000x128xf32, #tpu.memory_space<hbm>>) target(%arg12 : memref<80x128xf32, #tpu.memory_space<vmem>>) offsets(%dma_start3A : memref<80xi32, #tpu.memory_space<vmem>>) semaphore(%arg14 : memref<!tpu.dma_semaphore, #tpu.memory_space<semaphore_mem>>)
        %dma_wait3A = tpu.memref_slice %arg9[%multiple_of3A] : memref<10000xi32, #tpu.memory_space<vmem>> -> memref<80xi32, #tpu.memory_space<vmem>>
        %dma_wait3A_41 = arith.constant 0 : i32
        %dma_wait3A_42 = arith.constant 0 : i32
        %dma_wait3A_43 = tpu.memref_slice %arg2[%scan3A_12, %dma_wait3A_41, %dma_wait3A_42] : memref<4x10000x128xf32, #tpu.memory_space<hbm>> -> memref<1x10000x128xf32, #tpu.memory_space<hbm>>
        %dma_wait3A_44 = tpu.memref_squeeze %dma_wait3A_43 : memref<1x10000x128xf32, #tpu.memory_space<hbm>> -> memref<10000x128xf32, #tpu.memory_space<hbm>>
        %dma_wait3A_45 = arith.constant 0 : i32
        %dma_wait3A_46 = arith.constant 0 : i32
        %dma_wait3A_47 = tpu.memref_slice %dma_wait3A_44[%dma_wait3A_45, %dma_wait3A_46] : memref<10000x128xf32, #tpu.memory_space<hbm>> -> memref<10000x128xf32, #tpu.memory_space<hbm>>
        tpu.wait_indirect_dma semaphore(%arg14 : memref<!tpu.dma_semaphore, #tpu.memory_space<semaphore_mem>>) src(%dma_wait3A_47 : memref<10000x128xf32, #tpu.memory_space<hbm>>) dst(%arg12 : memref<80x128xf32, #tpu.memory_space<vmem>>)
        "tpu.region"() ({
          %run_scoped3A_48 = tpu.sem_alloc : memref<!tpu.dma_semaphore, #tpu.memory_space<semaphore_mem>>
          %dma_start3A_49 = arith.constant 0 : i32
          %dma_start3A_50 = tpu.memref_slice %arg10[%scan3A_31, %dma_start3A_49] : memref<128x80xi32, #tpu.memory_space<vmem>> -> memref<1x80xi32, #tpu.memory_space<vmem>>
          %dma_start3A_51 = tpu.memref_squeeze %dma_start3A_50 : memref<1x80xi32, #tpu.memory_space<vmem>> -> memref<80xi32, #tpu.memory_space<vmem>>
          %dma_start3A_52 = arith.constant 0 : i32
          %dma_start3A_53 = arith.constant 0 : i32
          %dma_start3A_54 = tpu.memref_slice %arg13[%dma_start3A_52, %dma_start3A_53] : memref<10240x128xf32, #tpu.memory_space<vmem_shared>> -> memref<10240x128xf32, #tpu.memory_space<vmem_shared>>
          tpu.enqueue_indirect_dma source(%arg12 : memref<80x128xf32, #tpu.memory_space<vmem>>) target(%dma_start3A_54 : memref<10240x128xf32, #tpu.memory_space<vmem_shared>>) offsets(%dma_start3A_51 : memref<80xi32, #tpu.memory_space<vmem>>) semaphore(%run_scoped3A_48 : memref<!tpu.dma_semaphore, #tpu.memory_space<semaphore_mem>>) {add = true}
          %dma_wait3A_55 = arith.constant 0 : i32
          %dma_wait3A_56 = tpu.memref_slice %arg10[%scan3A_31, %dma_wait3A_55] : memref<128x80xi32, #tpu.memory_space<vmem>> -> memref<1x80xi32, #tpu.memory_space<vmem>>
          %dma_wait3A_57 = tpu.memref_squeeze %dma_wait3A_56 : memref<1x80xi32, #tpu.memory_space<vmem>> -> memref<80xi32, #tpu.memory_space<vmem>>
          %dma_wait3A_58 = arith.constant 0 : i32
          %dma_wait3A_59 = arith.constant 0 : i32
          %dma_wait3A_60 = tpu.memref_slice %arg13[%dma_wait3A_58, %dma_wait3A_59] : memref<10240x128xf32, #tpu.memory_space<vmem_shared>> -> memref<10240x128xf32, #tpu.memory_space<vmem_shared>>
          tpu.wait_indirect_dma semaphore(%run_scoped3A_48 : memref<!tpu.dma_semaphore, #tpu.memory_space<semaphore_mem>>) src(%arg12 : memref<80x128xf32, #tpu.memory_space<vmem>>) dst(%dma_wait3A_60 : memref<10240x128xf32, #tpu.memory_space<vmem_shared>>)
          tpu.yield
        }) : () -> ()
      }
      %scan3A_17 = arith.constant 125 : i32
      %barrier3A_18 = arith.constant 0 : index
      tpu.barrier barrier_id(%barrier3A_18)
      %run_scoped3A = arith.constant 2 : i32
      "tpu.region"() ({
        %run_scoped3A_31 = tpu.sem_alloc : memref<!tpu.dma_semaphore, #tpu.memory_space<semaphore_mem>>
        %dma_start3A = arith.constant 0 : i32
        %dma_start3A_32 = arith.constant 0 : i32
        %dma_start3A_33 = tpu.memref_slice %arg8[%run_scoped3A, %dma_start3A, %dma_start3A_32] : memref<4x10240x128xf32, #tpu.memory_space<hbm>> -> memref<1x10240x128xf32, #tpu.memory_space<hbm>>
        %dma_start3A_34 = tpu.memref_squeeze %dma_start3A_33 : memref<1x10240x128xf32, #tpu.memory_space<hbm>> -> memref<10240x128xf32, #tpu.memory_space<hbm>>
        %dma_start3A_35 = arith.constant 0 : i32
        %dma_start3A_36 = tpu.memref_slice %dma_start3A_34[%mul3A_4, %dma_start3A_35] : memref<10240x128xf32, #tpu.memory_space<hbm>> -> memref<640x128xf32, #tpu.memory_space<hbm>>
        %dma_start3A_37 = arith.constant 0 : i32
        %dma_start3A_38 = tpu.memref_slice %arg13[%mul3A_4, %dma_start3A_37] : memref<10240x128xf32, #tpu.memory_space<vmem_shared>> -> memref<640x128xf32, #tpu.memory_space<vmem_shared>>
        tpu.enqueue_dma source(%dma_start3A_38 : memref<640x128xf32, #tpu.memory_space<vmem_shared>>) target(%dma_start3A_36 : memref<640x128xf32, #tpu.memory_space<hbm>>) target_semaphore(%run_scoped3A_31 : memref<!tpu.dma_semaphore, #tpu.memory_space<semaphore_mem>>)
        %dma_wait3A = arith.constant 0 : i32
        %dma_wait3A_39 = arith.constant 0 : i32
        %dma_wait3A_40 = tpu.memref_slice %arg8[%run_scoped3A, %dma_wait3A, %dma_wait3A_39] : memref<4x10240x128xf32, #tpu.memory_space<hbm>> -> memref<1x10240x128xf32, #tpu.memory_space<hbm>>
        %dma_wait3A_41 = tpu.memref_squeeze %dma_wait3A_40 : memref<1x10240x128xf32, #tpu.memory_space<hbm>> -> memref<10240x128xf32, #tpu.memory_space<hbm>>
        %dma_wait3A_42 = arith.constant 0 : i32
        %dma_wait3A_43 = tpu.memref_slice %dma_wait3A_41[%mul3A_4, %dma_wait3A_42] : memref<10240x128xf32, #tpu.memory_space<hbm>> -> memref<640x128xf32, #tpu.memory_space<hbm>>
        %dma_wait3A_44 = arith.constant 0 : i32
        %dma_wait3A_45 = tpu.memref_slice %arg13[%mul3A_4, %dma_wait3A_44] : memref<10240x128xf32, #tpu.memory_space<vmem_shared>> -> memref<640x128xf32, #tpu.memory_space<vmem_shared>>
        tpu.wait_dma2 semaphore(%run_scoped3A_31 : memref<!tpu.dma_semaphore, #tpu.memory_space<semaphore_mem>>) src(%dma_wait3A_45 : memref<640x128xf32, #tpu.memory_space<vmem_shared>>) dst(%dma_wait3A_43 : memref<640x128xf32, #tpu.memory_space<hbm>>)
        tpu.yield
      }) : () -> ()
      %barrier3A_19 = arith.constant 0 : index
      tpu.barrier barrier_id(%barrier3A_19)
      "tpu.region"() ({
        %run_scoped3A_31 = tpu.sem_alloc : memref<!tpu.dma_semaphore, #tpu.memory_space<semaphore_mem>>
        %dma_start3A = arith.constant 0 : i32
        %dma_start3A_32 = tpu.memref_slice %arg13[%mul3A_4, %dma_start3A] : memref<10240x128xf32, #tpu.memory_space<vmem_shared>> -> memref<640x128xf32, #tpu.memory_space<vmem_shared>>
        tpu.enqueue_dma source(%arg7 : memref<640x128xf32, #tpu.memory_space<hbm>>) target(%dma_start3A_32 : memref<640x128xf32, #tpu.memory_space<vmem_shared>>) target_semaphore(%run_scoped3A_31 : memref<!tpu.dma_semaphore, #tpu.memory_space<semaphore_mem>>)
        %dma_wait3A = arith.constant 0 : i32
        %dma_wait3A_33 = tpu.memref_slice %arg13[%mul3A_4, %dma_wait3A] : memref<10240x128xf32, #tpu.memory_space<vmem_shared>> -> memref<640x128xf32, #tpu.memory_space<vmem_shared>>
        tpu.wait_dma2 semaphore(%run_scoped3A_31 : memref<!tpu.dma_semaphore, #tpu.memory_space<semaphore_mem>>) src(%arg7 : memref<640x128xf32, #tpu.memory_space<hbm>>) dst(%dma_wait3A_33 : memref<640x128xf32, #tpu.memory_space<vmem_shared>>)
        tpu.yield
      }) : () -> ()
      %barrier3A_20 = arith.constant 0 : index
      tpu.barrier barrier_id(%barrier3A_20)
      %scan3A_21 = arith.constant 0 : i32
      %scan3A_22 = arith.constant 3 : i32
      %scan3A_23 = arith.constant 0 : i32
      %scan3A_24 = arith.constant 125 : i32
      %scan3A_25 = arith.addi %scan3A_23, %scan3A_24 : i32
      %scan3A_26 = arith.constant 1 : i32
      scf.for %scan3A_31 = %scan3A_23 to %scan3A_25 step %scan3A_26  : i32 {
        %mul3A_32 = arith.constant 80 : i32
        %mul3A_33 = arith.muli %scan3A_31, %mul3A_32 : i32
        %multiple_of3A = tpu.assume_multiple %mul3A_33, 80 : i32
        %dma_start3A = tpu.memref_slice %arg9[%multiple_of3A] : memref<10000xi32, #tpu.memory_space<vmem>> -> memref<80xi32, #tpu.memory_space<vmem>>
        %dma_start3A_34 = arith.constant 0 : i32
        %dma_start3A_35 = arith.constant 0 : i32
        %dma_start3A_36 = tpu.memref_slice %arg2[%scan3A_22, %dma_start3A_34, %dma_start3A_35] : memref<4x10000x128xf32, #tpu.memory_space<hbm>> -> memref<1x10000x128xf32, #tpu.memory_space<hbm>>
        %dma_start3A_37 = tpu.memref_squeeze %dma_start3A_36 : memref<1x10000x128xf32, #tpu.memory_space<hbm>> -> memref<10000x128xf32, #tpu.memory_space<hbm>>
        %dma_start3A_38 = arith.constant 0 : i32
        %dma_start3A_39 = arith.constant 0 : i32
        %dma_start3A_40 = tpu.memref_slice %dma_start3A_37[%dma_start3A_38, %dma_start3A_39] : memref<10000x128xf32, #tpu.memory_space<hbm>> -> memref<10000x128xf32, #tpu.memory_space<hbm>>
        tpu.enqueue_indirect_dma source(%dma_start3A_40 : memref<10000x128xf32, #tpu.memory_space<hbm>>) target(%arg12 : memref<80x128xf32, #tpu.memory_space<vmem>>) offsets(%dma_start3A : memref<80xi32, #tpu.memory_space<vmem>>) semaphore(%arg14 : memref<!tpu.dma_semaphore, #tpu.memory_space<semaphore_mem>>)
        %dma_wait3A = tpu.memref_slice %arg9[%multiple_of3A] : memref<10000xi32, #tpu.memory_space<vmem>> -> memref<80xi32, #tpu.memory_space<vmem>>
        %dma_wait3A_41 = arith.constant 0 : i32
        %dma_wait3A_42 = arith.constant 0 : i32
        %dma_wait3A_43 = tpu.memref_slice %arg2[%scan3A_22, %dma_wait3A_41, %dma_wait3A_42] : memref<4x10000x128xf32, #tpu.memory_space<hbm>> -> memref<1x10000x128xf32, #tpu.memory_space<hbm>>
        %dma_wait3A_44 = tpu.memref_squeeze %dma_wait3A_43 : memref<1x10000x128xf32, #tpu.memory_space<hbm>> -> memref<10000x128xf32, #tpu.memory_space<hbm>>
        %dma_wait3A_45 = arith.constant 0 : i32
        %dma_wait3A_46 = arith.constant 0 : i32
        %dma_wait3A_47 = tpu.memref_slice %dma_wait3A_44[%dma_wait3A_45, %dma_wait3A_46] : memref<10000x128xf32, #tpu.memory_space<hbm>> -> memref<10000x128xf32, #tpu.memory_space<hbm>>
        tpu.wait_indirect_dma semaphore(%arg14 : memref<!tpu.dma_semaphore, #tpu.memory_space<semaphore_mem>>) src(%dma_wait3A_47 : memref<10000x128xf32, #tpu.memory_space<hbm>>) dst(%arg12 : memref<80x128xf32, #tpu.memory_space<vmem>>)
        "tpu.region"() ({
          %run_scoped3A_48 = tpu.sem_alloc : memref<!tpu.dma_semaphore, #tpu.memory_space<semaphore_mem>>
          %dma_start3A_49 = arith.constant 0 : i32
          %dma_start3A_50 = tpu.memref_slice %arg10[%scan3A_31, %dma_start3A_49] : memref<128x80xi32, #tpu.memory_space<vmem>> -> memref<1x80xi32, #tpu.memory_space<vmem>>
          %dma_start3A_51 = tpu.memref_squeeze %dma_start3A_50 : memref<1x80xi32, #tpu.memory_space<vmem>> -> memref<80xi32, #tpu.memory_space<vmem>>
          %dma_start3A_52 = arith.constant 0 : i32
          %dma_start3A_53 = arith.constant 0 : i32
          %dma_start3A_54 = tpu.memref_slice %arg13[%dma_start3A_52, %dma_start3A_53] : memref<10240x128xf32, #tpu.memory_space<vmem_shared>> -> memref<10240x128xf32, #tpu.memory_space<vmem_shared>>
          tpu.enqueue_indirect_dma source(%arg12 : memref<80x128xf32, #tpu.memory_space<vmem>>) target(%dma_start3A_54 : memref<10240x128xf32, #tpu.memory_space<vmem_shared>>) offsets(%dma_start3A_51 : memref<80xi32, #tpu.memory_space<vmem>>) semaphore(%run_scoped3A_48 : memref<!tpu.dma_semaphore, #tpu.memory_space<semaphore_mem>>) {add = true}
          %dma_wait3A_55 = arith.constant 0 : i32
          %dma_wait3A_56 = tpu.memref_slice %arg10[%scan3A_31, %dma_wait3A_55] : memref<128x80xi32, #tpu.memory_space<vmem>> -> memref<1x80xi32, #tpu.memory_space<vmem>>
          %dma_wait3A_57 = tpu.memref_squeeze %dma_wait3A_56 : memref<1x80xi32, #tpu.memory_space<vmem>> -> memref<80xi32, #tpu.memory_space<vmem>>
          %dma_wait3A_58 = arith.constant 0 : i32
          %dma_wait3A_59 = arith.constant 0 : i32
          %dma_wait3A_60 = tpu.memref_slice %arg13[%dma_wait3A_58, %dma_wait3A_59] : memref<10240x128xf32, #tpu.memory_space<vmem_shared>> -> memref<10240x128xf32, #tpu.memory_space<vmem_shared>>
          tpu.wait_indirect_dma semaphore(%run_scoped3A_48 : memref<!tpu.dma_semaphore, #tpu.memory_space<semaphore_mem>>) src(%arg12 : memref<80x128xf32, #tpu.memory_space<vmem>>) dst(%dma_wait3A_60 : memref<10240x128xf32, #tpu.memory_space<vmem_shared>>)
          tpu.yield
        }) : () -> ()
      }
      %scan3A_27 = arith.constant 125 : i32
      %barrier3A_28 = arith.constant 0 : index
      tpu.barrier barrier_id(%barrier3A_28)
      %run_scoped3A_29 = arith.constant 3 : i32
      "tpu.region"() ({
        %run_scoped3A_31 = tpu.sem_alloc : memref<!tpu.dma_semaphore, #tpu.memory_space<semaphore_mem>>
        %dma_start3A = arith.constant 0 : i32
        %dma_start3A_32 = arith.constant 0 : i32
        %dma_start3A_33 = tpu.memref_slice %arg8[%run_scoped3A_29, %dma_start3A, %dma_start3A_32] : memref<4x10240x128xf32, #tpu.memory_space<hbm>> -> memref<1x10240x128xf32, #tpu.memory_space<hbm>>
        %dma_start3A_34 = tpu.memref_squeeze %dma_start3A_33 : memref<1x10240x128xf32, #tpu.memory_space<hbm>> -> memref<10240x128xf32, #tpu.memory_space<hbm>>
        %dma_start3A_35 = arith.constant 0 : i32
        %dma_start3A_36 = tpu.memref_slice %dma_start3A_34[%mul3A_4, %dma_start3A_35] : memref<10240x128xf32, #tpu.memory_space<hbm>> -> memref<640x128xf32, #tpu.memory_space<hbm>>
        %dma_start3A_37 = arith.constant 0 : i32
        %dma_start3A_38 = tpu.memref_slice %arg13[%mul3A_4, %dma_start3A_37] : memref<10240x128xf32, #tpu.memory_space<vmem_shared>> -> memref<640x128xf32, #tpu.memory_space<vmem_shared>>
        tpu.enqueue_dma source(%dma_start3A_38 : memref<640x128xf32, #tpu.memory_space<vmem_shared>>) target(%dma_start3A_36 : memref<640x128xf32, #tpu.memory_space<hbm>>) target_semaphore(%run_scoped3A_31 : memref<!tpu.dma_semaphore, #tpu.memory_space<semaphore_mem>>)
        %dma_wait3A = arith.constant 0 : i32
        %dma_wait3A_39 = arith.constant 0 : i32
        %dma_wait3A_40 = tpu.memref_slice %arg8[%run_scoped3A_29, %dma_wait3A, %dma_wait3A_39] : memref<4x10240x128xf32, #tpu.memory_space<hbm>> -> memref<1x10240x128xf32, #tpu.memory_space<hbm>>
        %dma_wait3A_41 = tpu.memref_squeeze %dma_wait3A_40 : memref<1x10240x128xf32, #tpu.memory_space<hbm>> -> memref<10240x128xf32, #tpu.memory_space<hbm>>
        %dma_wait3A_42 = arith.constant 0 : i32
        %dma_wait3A_43 = tpu.memref_slice %dma_wait3A_41[%mul3A_4, %dma_wait3A_42] : memref<10240x128xf32, #tpu.memory_space<hbm>> -> memref<640x128xf32, #tpu.memory_space<hbm>>
        %dma_wait3A_44 = arith.constant 0 : i32
        %dma_wait3A_45 = tpu.memref_slice %arg13[%mul3A_4, %dma_wait3A_44] : memref<10240x128xf32, #tpu.memory_space<vmem_shared>> -> memref<640x128xf32, #tpu.memory_space<vmem_shared>>
        tpu.wait_dma2 semaphore(%run_scoped3A_31 : memref<!tpu.dma_semaphore, #tpu.memory_space<semaphore_mem>>) src(%dma_wait3A_45 : memref<640x128xf32, #tpu.memory_space<vmem_shared>>) dst(%dma_wait3A_43 : memref<640x128xf32, #tpu.memory_space<hbm>>)
        tpu.yield
      }) : () -> ()
      %barrier3A_30 = arith.constant 0 : index
      tpu.barrier barrier_id(%barrier3A_30)
    } else {
    }
    return
  }
}

module attributes {stable_mosaic.version = 14 : i64} {
  func.func @body(%arg0: i32, %arg1: memref<2x1000x128xf32, #tpu.memory_space<vmem>>, %arg2: memref<2x1000x128xf32, #tpu.memory_space<vmem>>, %arg3: memref<2x1000x128xf32, #tpu.memory_space<vmem>>, %arg4: memref<512x512xf32, #tpu.memory_space<vmem>>, %arg5: memref<1x512xf32, #tpu.memory_space<vmem>>, %arg6: memref<4x1000x128xf32, #tpu.memory_space<vmem>>) attributes {dimension_semantics = [#tpu.dimension_semantics<arbitrary>], iteration_bounds = array<i64: 10>, scalar_prefetch = 0 : i64, scratch_operands = 0 : i64, tpu.core_type = #tpu.core_type<tc>, window_params = [{transform_indices = @transform_0, window_bounds = array<i64: 2, 1000, 128>}, {transform_indices = @transform_1, window_bounds = array<i64: 2, 1000, 128>}, {transform_indices = @transform_2, window_bounds = array<i64: 2, 1000, 128>}, {pipeline_mode = #tpu.pipeline_mode<synchronous>, transform_indices = @transform_3, window_bounds = array<i64: 512, 512>}, {pipeline_mode = #tpu.pipeline_mode<synchronous>, transform_indices = @transform_4, window_bounds = array<i64: 1, 512>}, {transform_indices = @transform_5, window_bounds = array<i64: 4, 1000, 128>}]} {
    %get3A = arith.constant 0 : index
    %get3A_0 = arith.constant 0 : index
    %get3A_1 = arith.constant 0 : index
    %get3A_2 = vector.load %arg3[%get3A, %get3A_0, %get3A_1] : memref<2x1000x128xf32, #tpu.memory_space<vmem>>, vector<1x1000x1xf32>
    %get3A_3 = vector.shape_cast %get3A_2 : vector<1x1000x1xf32> to vector<1000x1xf32>
    %get3A_4 = arith.constant 1 : index
    %get3A_5 = arith.constant 0 : index
    %get3A_6 = arith.constant 0 : index
    %get3A_7 = vector.load %arg3[%get3A_4, %get3A_5, %get3A_6] : memref<2x1000x128xf32, #tpu.memory_space<vmem>>, vector<1x1000x1xf32>
    %get3A_8 = vector.shape_cast %get3A_7 : vector<1x1000x1xf32> to vector<1000x1xf32>
    %add3A = arith.addf %get3A_3, %get3A_8 : vector<1000x1xf32>
    %max3A = arith.constant 1.000000e+00 : f32
    %max3A_9 = vector.broadcast %max3A : f32 to vector<1000x1xf32>
    %max3A_10 = arith.maximumf %add3A, %max3A_9 : vector<1000x1xf32>
    %div3A = arith.constant 1.000000e+00 : f32
    %div3A_11 = vector.broadcast %div3A : f32 to vector<1000x1xf32>
    %div3A_12 = arith.divf %div3A_11, %max3A_10 : vector<1000x1xf32>
    %get3A_13 = arith.constant 0 : index
    %get3A_14 = arith.constant 0 : index
    %get3A_15 = arith.constant 0 : index
    %get3A_16 = vector.load %arg1[%get3A_13, %get3A_14, %get3A_15] : memref<2x1000x128xf32, #tpu.memory_space<vmem>>, vector<1x1000x128xf32>
    %get3A_17 = vector.shape_cast %get3A_16 : vector<1x1000x128xf32> to vector<1000x128xf32>
    %mul3A = vector.broadcast %div3A_12 : vector<1000x1xf32> to vector<1000x128xf32>
    %mul3A_18 = arith.mulf %get3A_17, %mul3A : vector<1000x128xf32>
    %get3A_19 = arith.constant 1 : index
    %get3A_20 = arith.constant 0 : index
    %get3A_21 = arith.constant 0 : index
    %get3A_22 = vector.load %arg1[%get3A_19, %get3A_20, %get3A_21] : memref<2x1000x128xf32, #tpu.memory_space<vmem>>, vector<1x1000x128xf32>
    %get3A_23 = vector.shape_cast %get3A_22 : vector<1x1000x128xf32> to vector<1000x128xf32>
    %mul3A_24 = vector.broadcast %div3A_12 : vector<1000x1xf32> to vector<1000x128xf32>
    %mul3A_25 = arith.mulf %get3A_23, %mul3A_24 : vector<1000x128xf32>
    %get3A_26 = arith.constant 0 : index
    %get3A_27 = arith.constant 0 : index
    %get3A_28 = arith.constant 0 : index
    %get3A_29 = vector.load %arg2[%get3A_26, %get3A_27, %get3A_28] : memref<2x1000x128xf32, #tpu.memory_space<vmem>>, vector<1x1000x128xf32>
    %get3A_30 = vector.shape_cast %get3A_29 : vector<1x1000x128xf32> to vector<1000x128xf32>
    %get3A_31 = arith.constant 1 : index
    %get3A_32 = arith.constant 0 : index
    %get3A_33 = arith.constant 0 : index
    %get3A_34 = vector.load %arg2[%get3A_31, %get3A_32, %get3A_33] : memref<2x1000x128xf32, #tpu.memory_space<vmem>>, vector<1x1000x128xf32>
    %get3A_35 = vector.shape_cast %get3A_34 : vector<1x1000x128xf32> to vector<1000x128xf32>
    %concatenate3A = tpu.concatenate %mul3A_18, %mul3A_25, %get3A_30, %get3A_35 in 1 : vector<1000x128xf32>, vector<1000x128xf32>, vector<1000x128xf32>, vector<1000x128xf32> -> vector<1000x512xf32>
    %get3A_36 = arith.constant 0 : index
    %get3A_37 = arith.constant 0 : index
    %get3A_38 = vector.load %arg4[%get3A_36, %get3A_37] : memref<512x512xf32, #tpu.memory_space<vmem>>, vector<512x512xf32>
    %dot_general3A = arith.constant dense<0.000000e+00> : vector<1000x512xf32>
    %dot_general3A_39 = tpu.matmul %concatenate3A, %get3A_38, %dot_general3A {dimension_numbers = #tpu.dot_dimension_numbers<[1], [0], [0], [1], [0, 0, 1, 1], [], []>, transpose_lhs_hint = false} : vector<1000x512xf32>, vector<512x512xf32>, vector<1000x512xf32> -> vector<1000x512xf32>
    %get3A_40 = arith.constant 0 : index
    %get3A_41 = arith.constant 0 : index
    %get3A_42 = vector.load %arg5[%get3A_40, %get3A_41] : memref<1x512xf32, #tpu.memory_space<vmem>>, vector<1x512xf32>
    %add3A_43 = vector.broadcast %get3A_42 : vector<1x512xf32> to vector<1000x512xf32>
    %add3A_44 = arith.addf %dot_general3A_39, %add3A_43 : vector<1000x512xf32>
    %max3A_45 = arith.constant 0.000000e+00 : f32
    %max3A_46 = vector.broadcast %max3A_45 : f32 to vector<1000x512xf32>
    %max3A_47 = arith.maximumf %add3A_44, %max3A_46 : vector<1000x512xf32>
    %slice3A = vector.extract_strided_slice %max3A_47 {offsets = [0, 0], sizes = [1000, 128], strides = [1, 1]} : vector<1000x512xf32> to vector<1000x128xf32>
    %swap3A = arith.constant 0 : index
    %swap3A_48 = arith.constant 0 : index
    %swap3A_49 = arith.constant 0 : index
    %swap3A_50 = vector.load %arg6[%swap3A, %swap3A_48, %swap3A_49] : memref<4x1000x128xf32, #tpu.memory_space<vmem>>, vector<1x1000x128xf32>
    %swap3A_51 = vector.shape_cast %swap3A_50 : vector<1x1000x128xf32> to vector<1000x128xf32>
    %swap3A_52 = vector.shape_cast %slice3A : vector<1000x128xf32> to vector<1x1000x128xf32>
    tpu.vector_store %arg6[%swap3A, %swap3A_48, %swap3A_49], %swap3A_52 {strides = array<i32>} : memref<4x1000x128xf32, #tpu.memory_space<vmem>>, vector<1x1000x128xf32>,
    %slice3A_53 = vector.extract_strided_slice %max3A_47 {offsets = [0, 128], sizes = [1000, 128], strides = [1, 1]} : vector<1000x512xf32> to vector<1000x128xf32>
    %swap3A_54 = arith.constant 1 : index
    %swap3A_55 = arith.constant 0 : index
    %swap3A_56 = arith.constant 0 : index
    %swap3A_57 = vector.load %arg6[%swap3A_54, %swap3A_55, %swap3A_56] : memref<4x1000x128xf32, #tpu.memory_space<vmem>>, vector<1x1000x128xf32>
    %swap3A_58 = vector.shape_cast %swap3A_57 : vector<1x1000x128xf32> to vector<1000x128xf32>
    %swap3A_59 = vector.shape_cast %slice3A_53 : vector<1000x128xf32> to vector<1x1000x128xf32>
    tpu.vector_store %arg6[%swap3A_54, %swap3A_55, %swap3A_56], %swap3A_59 {strides = array<i32>} : memref<4x1000x128xf32, #tpu.memory_space<vmem>>, vector<1x1000x128xf32>,
    %slice3A_60 = vector.extract_strided_slice %max3A_47 {offsets = [0, 256], sizes = [1000, 128], strides = [1, 1]} : vector<1000x512xf32> to vector<1000x128xf32>
    %swap3A_61 = arith.constant 2 : index
    %swap3A_62 = arith.constant 0 : index
    %swap3A_63 = arith.constant 0 : index
    %swap3A_64 = vector.load %arg6[%swap3A_61, %swap3A_62, %swap3A_63] : memref<4x1000x128xf32, #tpu.memory_space<vmem>>, vector<1x1000x128xf32>
    %swap3A_65 = vector.shape_cast %swap3A_64 : vector<1x1000x128xf32> to vector<1000x128xf32>
    %swap3A_66 = vector.shape_cast %slice3A_60 : vector<1000x128xf32> to vector<1x1000x128xf32>
    tpu.vector_store %arg6[%swap3A_61, %swap3A_62, %swap3A_63], %swap3A_66 {strides = array<i32>} : memref<4x1000x128xf32, #tpu.memory_space<vmem>>, vector<1x1000x128xf32>,
    %slice3A_67 = vector.extract_strided_slice %max3A_47 {offsets = [0, 384], sizes = [1000, 128], strides = [1, 1]} : vector<1000x512xf32> to vector<1000x128xf32>
    %swap3A_68 = arith.constant 3 : index
    %swap3A_69 = arith.constant 0 : index
    %swap3A_70 = arith.constant 0 : index
    %swap3A_71 = vector.load %arg6[%swap3A_68, %swap3A_69, %swap3A_70] : memref<4x1000x128xf32, #tpu.memory_space<vmem>>, vector<1x1000x128xf32>
    %swap3A_72 = vector.shape_cast %swap3A_71 : vector<1x1000x128xf32> to vector<1000x128xf32>
    %swap3A_73 = vector.shape_cast %slice3A_67 : vector<1000x128xf32> to vector<1x1000x128xf32>
    tpu.vector_store %arg6[%swap3A_68, %swap3A_69, %swap3A_70], %swap3A_73 {strides = array<i32>} : memref<4x1000x128xf32, #tpu.memory_space<vmem>>, vector<1x1000x128xf32>,
    return
  }
  func.func @transform_0(%arg0: i32) -> (i32, i32, i32) {
    %c0_i32 = arith.constant 0 : i32
    %c0_i32_0 = arith.constant 0 : i32
    %c0_i32_1 = arith.constant 0 : i32
    return %c0_i32, %arg0, %c0_i32_0 : i32, i32, i32
  }
  func.func @transform_1(%arg0: i32) -> (i32, i32, i32) {
    %c0_i32 = arith.constant 0 : i32
    %c0_i32_0 = arith.constant 0 : i32
    %c0_i32_1 = arith.constant 0 : i32
    return %c0_i32, %arg0, %c0_i32_0 : i32, i32, i32
  }
  func.func @transform_2(%arg0: i32) -> (i32, i32, i32) {
    %c1_i32 = arith.constant 1 : i32
    %c0_i32 = arith.constant 0 : i32
    %c0_i32_0 = arith.constant 0 : i32
    return %c1_i32, %arg0, %c0_i32 : i32, i32, i32
  }
  func.func @transform_3(%arg0: i32) -> (i32, i32) {
    %c0_i32 = arith.constant 0 : i32
    %c0_i32_0 = arith.constant 0 : i32
    %c0_i32_1 = arith.constant 0 : i32
    return %c0_i32, %c0_i32_0 : i32, i32
  }
  func.func @transform_4(%arg0: i32) -> (i32, i32) {
    %c0_i32 = arith.constant 0 : i32
    %c0_i32_0 = arith.constant 0 : i32
    %c0_i32_1 = arith.constant 0 : i32
    return %c0_i32, %c0_i32_0 : i32, i32
  }
  func.func @transform_5(%arg0: i32) -> (i32, i32, i32) {
    %c0_i32 = arith.constant 0 : i32
    %c0_i32_0 = arith.constant 0 : i32
    %c0_i32_1 = arith.constant 0 : i32
    return %c0_i32, %arg0, %c0_i32_0 : i32, i32, i32
  }
}

module attributes {stable_mosaic.version = 14 : i64} {
  func.func @body(%arg0: i32, %arg1: memref<4x1000x128xf32, #tpu.memory_space<vmem>>, %arg2: memref<4x1000x128xf32, #tpu.memory_space<vmem>>, %arg3: memref<2x1000x128xf32, #tpu.memory_space<vmem>>, %arg4: memref<1024x512xf32, #tpu.memory_space<vmem>>, %arg5: memref<1x512xf32, #tpu.memory_space<vmem>>, %arg6: memref<4x1000x128xf32, #tpu.memory_space<vmem>>) attributes {dimension_semantics = [#tpu.dimension_semantics<arbitrary>], iteration_bounds = array<i64: 10>, scalar_prefetch = 0 : i64, scratch_operands = 0 : i64, tpu.core_type = #tpu.core_type<tc>, window_params = [{transform_indices = @transform_0, window_bounds = array<i64: 4, 1000, 128>}, {transform_indices = @transform_1, window_bounds = array<i64: 4, 1000, 128>}, {transform_indices = @transform_2, window_bounds = array<i64: 2, 1000, 128>}, {pipeline_mode = #tpu.pipeline_mode<synchronous>, transform_indices = @transform_3, window_bounds = array<i64: 1024, 512>}, {pipeline_mode = #tpu.pipeline_mode<synchronous>, transform_indices = @transform_4, window_bounds = array<i64: 1, 512>}, {transform_indices = @transform_5, window_bounds = array<i64: 4, 1000, 128>}]} {
    %get3A = arith.constant 0 : index
    %get3A_0 = arith.constant 0 : index
    %get3A_1 = arith.constant 0 : index
    %get3A_2 = vector.load %arg3[%get3A, %get3A_0, %get3A_1] : memref<2x1000x128xf32, #tpu.memory_space<vmem>>, vector<1x1000x1xf32>
    %get3A_3 = vector.shape_cast %get3A_2 : vector<1x1000x1xf32> to vector<1000x1xf32>
    %get3A_4 = arith.constant 1 : index
    %get3A_5 = arith.constant 0 : index
    %get3A_6 = arith.constant 0 : index
    %get3A_7 = vector.load %arg3[%get3A_4, %get3A_5, %get3A_6] : memref<2x1000x128xf32, #tpu.memory_space<vmem>>, vector<1x1000x1xf32>
    %get3A_8 = vector.shape_cast %get3A_7 : vector<1x1000x1xf32> to vector<1000x1xf32>
    %add3A = arith.addf %get3A_3, %get3A_8 : vector<1000x1xf32>
    %max3A = arith.constant 1.000000e+00 : f32
    %max3A_9 = vector.broadcast %max3A : f32 to vector<1000x1xf32>
    %max3A_10 = arith.maximumf %add3A, %max3A_9 : vector<1000x1xf32>
    %div3A = arith.constant 1.000000e+00 : f32
    %div3A_11 = vector.broadcast %div3A : f32 to vector<1000x1xf32>
    %div3A_12 = arith.divf %div3A_11, %max3A_10 : vector<1000x1xf32>
    %get3A_13 = arith.constant 0 : index
    %get3A_14 = arith.constant 0 : index
    %get3A_15 = arith.constant 0 : index
    %get3A_16 = vector.load %arg1[%get3A_13, %get3A_14, %get3A_15] : memref<4x1000x128xf32, #tpu.memory_space<vmem>>, vector<1x1000x128xf32>
    %get3A_17 = vector.shape_cast %get3A_16 : vector<1x1000x128xf32> to vector<1000x128xf32>
    %mul3A = vector.broadcast %div3A_12 : vector<1000x1xf32> to vector<1000x128xf32>
    %mul3A_18 = arith.mulf %get3A_17, %mul3A : vector<1000x128xf32>
    %get3A_19 = arith.constant 1 : index
    %get3A_20 = arith.constant 0 : index
    %get3A_21 = arith.constant 0 : index
    %get3A_22 = vector.load %arg1[%get3A_19, %get3A_20, %get3A_21] : memref<4x1000x128xf32, #tpu.memory_space<vmem>>, vector<1x1000x128xf32>
    %get3A_23 = vector.shape_cast %get3A_22 : vector<1x1000x128xf32> to vector<1000x128xf32>
    %mul3A_24 = vector.broadcast %div3A_12 : vector<1000x1xf32> to vector<1000x128xf32>
    %mul3A_25 = arith.mulf %get3A_23, %mul3A_24 : vector<1000x128xf32>
    %get3A_26 = arith.constant 2 : index
    %get3A_27 = arith.constant 0 : index
    %get3A_28 = arith.constant 0 : index
    %get3A_29 = vector.load %arg1[%get3A_26, %get3A_27, %get3A_28] : memref<4x1000x128xf32, #tpu.memory_space<vmem>>, vector<1x1000x128xf32>
    %get3A_30 = vector.shape_cast %get3A_29 : vector<1x1000x128xf32> to vector<1000x128xf32>
    %mul3A_31 = vector.broadcast %div3A_12 : vector<1000x1xf32> to vector<1000x128xf32>
    %mul3A_32 = arith.mulf %get3A_30, %mul3A_31 : vector<1000x128xf32>
    %get3A_33 = arith.constant 3 : index
    %get3A_34 = arith.constant 0 : index
    %get3A_35 = arith.constant 0 : index
    %get3A_36 = vector.load %arg1[%get3A_33, %get3A_34, %get3A_35] : memref<4x1000x128xf32, #tpu.memory_space<vmem>>, vector<1x1000x128xf32>
    %get3A_37 = vector.shape_cast %get3A_36 : vector<1x1000x128xf32> to vector<1000x128xf32>
    %mul3A_38 = vector.broadcast %div3A_12 : vector<1000x1xf32> to vector<1000x128xf32>
    %mul3A_39 = arith.mulf %get3A_37, %mul3A_38 : vector<1000x128xf32>
    %get3A_40 = arith.constant 0 : index
    %get3A_41 = arith.constant 0 : index
    %get3A_42 = arith.constant 0 : index
    %get3A_43 = vector.load %arg2[%get3A_40, %get3A_41, %get3A_42] : memref<4x1000x128xf32, #tpu.memory_space<vmem>>, vector<1x1000x128xf32>
    %get3A_44 = vector.shape_cast %get3A_43 : vector<1x1000x128xf32> to vector<1000x128xf32>
    %get3A_45 = arith.constant 1 : index
    %get3A_46 = arith.constant 0 : index
    %get3A_47 = arith.constant 0 : index
    %get3A_48 = vector.load %arg2[%get3A_45, %get3A_46, %get3A_47] : memref<4x1000x128xf32, #tpu.memory_space<vmem>>, vector<1x1000x128xf32>
    %get3A_49 = vector.shape_cast %get3A_48 : vector<1x1000x128xf32> to vector<1000x128xf32>
    %get3A_50 = arith.constant 2 : index
    %get3A_51 = arith.constant 0 : index
    %get3A_52 = arith.constant 0 : index
    %get3A_53 = vector.load %arg2[%get3A_50, %get3A_51, %get3A_52] : memref<4x1000x128xf32, #tpu.memory_space<vmem>>, vector<1x1000x128xf32>
    %get3A_54 = vector.shape_cast %get3A_53 : vector<1x1000x128xf32> to vector<1000x128xf32>
    %get3A_55 = arith.constant 3 : index
    %get3A_56 = arith.constant 0 : index
    %get3A_57 = arith.constant 0 : index
    %get3A_58 = vector.load %arg2[%get3A_55, %get3A_56, %get3A_57] : memref<4x1000x128xf32, #tpu.memory_space<vmem>>, vector<1x1000x128xf32>
    %get3A_59 = vector.shape_cast %get3A_58 : vector<1x1000x128xf32> to vector<1000x128xf32>
    %concatenate3A = tpu.concatenate %mul3A_18, %mul3A_25, %mul3A_32, %mul3A_39, %get3A_44, %get3A_49, %get3A_54, %get3A_59 in 1 : vector<1000x128xf32>, vector<1000x128xf32>, vector<1000x128xf32>, vector<1000x128xf32>, vector<1000x128xf32>, vector<1000x128xf32>, vector<1000x128xf32>, vector<1000x128xf32> -> vector<1000x1024xf32>
    %get3A_60 = arith.constant 0 : index
    %get3A_61 = arith.constant 0 : index
    %get3A_62 = vector.load %arg4[%get3A_60, %get3A_61] : memref<1024x512xf32, #tpu.memory_space<vmem>>, vector<1024x512xf32>
    %dot_general3A = arith.constant dense<0.000000e+00> : vector<1000x512xf32>
    %dot_general3A_63 = tpu.matmul %concatenate3A, %get3A_62, %dot_general3A {dimension_numbers = #tpu.dot_dimension_numbers<[1], [0], [0], [1], [0, 0, 1, 1], [], []>, transpose_lhs_hint = false} : vector<1000x1024xf32>, vector<1024x512xf32>, vector<1000x512xf32> -> vector<1000x512xf32>
    %get3A_64 = arith.constant 0 : index
    %get3A_65 = arith.constant 0 : index
    %get3A_66 = vector.load %arg5[%get3A_64, %get3A_65] : memref<1x512xf32, #tpu.memory_space<vmem>>, vector<1x512xf32>
    %add3A_67 = vector.broadcast %get3A_66 : vector<1x512xf32> to vector<1000x512xf32>
    %add3A_68 = arith.addf %dot_general3A_63, %add3A_67 : vector<1000x512xf32>
    %max3A_69 = arith.constant 0.000000e+00 : f32
    %max3A_70 = vector.broadcast %max3A_69 : f32 to vector<1000x512xf32>
    %max3A_71 = arith.maximumf %add3A_68, %max3A_70 : vector<1000x512xf32>
    %slice3A = vector.extract_strided_slice %max3A_71 {offsets = [0, 0], sizes = [1000, 128], strides = [1, 1]} : vector<1000x512xf32> to vector<1000x128xf32>
    %swap3A = arith.constant 0 : index
    %swap3A_72 = arith.constant 0 : index
    %swap3A_73 = arith.constant 0 : index
    %swap3A_74 = vector.load %arg6[%swap3A, %swap3A_72, %swap3A_73] : memref<4x1000x128xf32, #tpu.memory_space<vmem>>, vector<1x1000x128xf32>
    %swap3A_75 = vector.shape_cast %swap3A_74 : vector<1x1000x128xf32> to vector<1000x128xf32>
    %swap3A_76 = vector.shape_cast %slice3A : vector<1000x128xf32> to vector<1x1000x128xf32>
    tpu.vector_store %arg6[%swap3A, %swap3A_72, %swap3A_73], %swap3A_76 {strides = array<i32>} : memref<4x1000x128xf32, #tpu.memory_space<vmem>>, vector<1x1000x128xf32>,
    %slice3A_77 = vector.extract_strided_slice %max3A_71 {offsets = [0, 128], sizes = [1000, 128], strides = [1, 1]} : vector<1000x512xf32> to vector<1000x128xf32>
    %swap3A_78 = arith.constant 1 : index
    %swap3A_79 = arith.constant 0 : index
    %swap3A_80 = arith.constant 0 : index
    %swap3A_81 = vector.load %arg6[%swap3A_78, %swap3A_79, %swap3A_80] : memref<4x1000x128xf32, #tpu.memory_space<vmem>>, vector<1x1000x128xf32>
    %swap3A_82 = vector.shape_cast %swap3A_81 : vector<1x1000x128xf32> to vector<1000x128xf32>
    %swap3A_83 = vector.shape_cast %slice3A_77 : vector<1000x128xf32> to vector<1x1000x128xf32>
    tpu.vector_store %arg6[%swap3A_78, %swap3A_79, %swap3A_80], %swap3A_83 {strides = array<i32>} : memref<4x1000x128xf32, #tpu.memory_space<vmem>>, vector<1x1000x128xf32>,
    %slice3A_84 = vector.extract_strided_slice %max3A_71 {offsets = [0, 256], sizes = [1000, 128], strides = [1, 1]} : vector<1000x512xf32> to vector<1000x128xf32>
    %swap3A_85 = arith.constant 2 : index
    %swap3A_86 = arith.constant 0 : index
    %swap3A_87 = arith.constant 0 : index
    %swap3A_88 = vector.load %arg6[%swap3A_85, %swap3A_86, %swap3A_87] : memref<4x1000x128xf32, #tpu.memory_space<vmem>>, vector<1x1000x128xf32>
    %swap3A_89 = vector.shape_cast %swap3A_88 : vector<1x1000x128xf32> to vector<1000x128xf32>
    %swap3A_90 = vector.shape_cast %slice3A_84 : vector<1000x128xf32> to vector<1x1000x128xf32>
    tpu.vector_store %arg6[%swap3A_85, %swap3A_86, %swap3A_87], %swap3A_90 {strides = array<i32>} : memref<4x1000x128xf32, #tpu.memory_space<vmem>>, vector<1x1000x128xf32>,
    %slice3A_91 = vector.extract_strided_slice %max3A_71 {offsets = [0, 384], sizes = [1000, 128], strides = [1, 1]} : vector<1000x512xf32> to vector<1000x128xf32>
    %swap3A_92 = arith.constant 3 : index
    %swap3A_93 = arith.constant 0 : index
    %swap3A_94 = arith.constant 0 : index
    %swap3A_95 = vector.load %arg6[%swap3A_92, %swap3A_93, %swap3A_94] : memref<4x1000x128xf32, #tpu.memory_space<vmem>>, vector<1x1000x128xf32>
    %swap3A_96 = vector.shape_cast %swap3A_95 : vector<1x1000x128xf32> to vector<1000x128xf32>
    %swap3A_97 = vector.shape_cast %slice3A_91 : vector<1000x128xf32> to vector<1x1000x128xf32>
    tpu.vector_store %arg6[%swap3A_92, %swap3A_93, %swap3A_94], %swap3A_97 {strides = array<i32>} : memref<4x1000x128xf32, #tpu.memory_space<vmem>>, vector<1x1000x128xf32>,
    return
  }
  func.func @transform_0(%arg0: i32) -> (i32, i32, i32) {
    %c0_i32 = arith.constant 0 : i32
    %c0_i32_0 = arith.constant 0 : i32
    %c0_i32_1 = arith.constant 0 : i32
    return %c0_i32, %arg0, %c0_i32_0 : i32, i32, i32
  }
  func.func @transform_1(%arg0: i32) -> (i32, i32, i32) {
    %c0_i32 = arith.constant 0 : i32
    %c0_i32_0 = arith.constant 0 : i32
    %c0_i32_1 = arith.constant 0 : i32
    return %c0_i32, %arg0, %c0_i32_0 : i32, i32, i32
  }
  func.func @transform_2(%arg0: i32) -> (i32, i32, i32) {
    %c1_i32 = arith.constant 1 : i32
    %c0_i32 = arith.constant 0 : i32
    %c0_i32_0 = arith.constant 0 : i32
    return %c1_i32, %arg0, %c0_i32 : i32, i32, i32
  }
  func.func @transform_3(%arg0: i32) -> (i32, i32) {
    %c0_i32 = arith.constant 0 : i32
    %c0_i32_0 = arith.constant 0 : i32
    %c0_i32_1 = arith.constant 0 : i32
    return %c0_i32, %c0_i32_0 : i32, i32
  }
  func.func @transform_4(%arg0: i32) -> (i32, i32) {
    %c0_i32 = arith.constant 0 : i32
    %c0_i32_0 = arith.constant 0 : i32
    %c0_i32_1 = arith.constant 0 : i32
    return %c0_i32, %c0_i32_0 : i32, i32
  }
  func.func @transform_5(%arg0: i32) -> (i32, i32, i32) {
    %c0_i32 = arith.constant 0 : i32
    %c0_i32_0 = arith.constant 0 : i32
    %c0_i32_1 = arith.constant 0 : i32
    return %c0_i32, %arg0, %c0_i32_0 : i32, i32, i32
  }
}

module attributes {stable_mosaic.version = 14 : i64} {
  func.func @body(%arg0: i32, %arg1: memref<4x1000x128xf32, #tpu.memory_space<vmem>>, %arg2: memref<4x1000x128xf32, #tpu.memory_space<vmem>>, %arg3: memref<2x1000x128xf32, #tpu.memory_space<vmem>>, %arg4: memref<1024x512xf32, #tpu.memory_space<vmem>>, %arg5: memref<1x512xf32, #tpu.memory_space<vmem>>, %arg6: memref<1x1x1000xi32, #tpu.memory_space<vmem>>, %arg7: memref<512x512xf32, #tpu.memory_space<vmem>>, %arg8: memref<1x512xf32, #tpu.memory_space<vmem>>, %arg9: memref<512x512xf32, #tpu.memory_space<vmem>>, %arg10: memref<1x512xf32, #tpu.memory_space<vmem>>, %arg11: memref<512x16xf32, #tpu.memory_space<vmem>>, %arg12: memref<1x16xf32, #tpu.memory_space<vmem>>, %arg13: memref<64x16xf32, #tpu.memory_space<vmem>>, %arg14: memref<64x512xf32, #tpu.memory_space<vmem>>, %arg15: memref<64x128xf32, #tpu.memory_space<vmem>>) attributes {dimension_semantics = [#tpu.dimension_semantics<arbitrary>], iteration_bounds = array<i64: 10>, scalar_prefetch = 0 : i64, scratch_operands = 2 : i64, tpu.core_type = #tpu.core_type<tc>, window_params = [{transform_indices = @transform_0, window_bounds = array<i64: 4, 1000, 128>}, {transform_indices = @transform_1, window_bounds = array<i64: 4, 1000, 128>}, {transform_indices = @transform_2, window_bounds = array<i64: 2, 1000, 128>}, {pipeline_mode = #tpu.pipeline_mode<synchronous>, transform_indices = @transform_3, window_bounds = array<i64: 1024, 512>}, {pipeline_mode = #tpu.pipeline_mode<synchronous>, transform_indices = @transform_4, window_bounds = array<i64: 1, 512>}, {transform_indices = @transform_5, window_bounds = array<i64: 1, 1, 1000>}, {pipeline_mode = #tpu.pipeline_mode<synchronous>, transform_indices = @transform_6, window_bounds = array<i64: 512, 512>}, {pipeline_mode = #tpu.pipeline_mode<synchronous>, transform_indices = @transform_7, window_bounds = array<i64: 1, 512>}, {pipeline_mode = #tpu.pipeline_mode<synchronous>, transform_indices = @transform_8, window_bounds = array<i64: 512, 512>}, {pipeline_mode = #tpu.pipeline_mode<synchronous>, transform_indices = @transform_9, window_bounds = array<i64: 1, 512>}, {pipeline_mode = #tpu.pipeline_mode<synchronous>, transform_indices = @transform_10, window_bounds = array<i64: 512, 16>}, {pipeline_mode = #tpu.pipeline_mode<synchronous>, transform_indices = @transform_11, window_bounds = array<i64: 1, 16>}, {pipeline_mode = #tpu.pipeline_mode<synchronous>, transform_indices = @transform_12, window_bounds = array<i64: 64, 16>}]} {
    %eq3A = arith.constant 0 : i32
    %eq3A_0 = arith.cmpi eq, %arg0, %eq3A : i32
    %convert_element_type3A = arith.extui %eq3A_0 : i1 to i32
    %cond3A = arith.constant 0 : i32
    %cond3A_1 = arith.cmpi ne, %convert_element_type3A, %cond3A : i32
    scf.if %cond3A_1 {
      %broadcast_in_dim3A_103 = arith.constant 0.000000e+00 : f32
      %broadcast_in_dim3A_104 = vector.broadcast %broadcast_in_dim3A_103 : f32 to vector<64x512xf32>
      %swap3A_105 = arith.constant 0 : index
      %swap3A_106 = arith.constant 0 : index
      %swap3A_107 = vector.load %arg14[%swap3A_105, %swap3A_106] : memref<64x512xf32, #tpu.memory_space<vmem>>, vector<64x512xf32>
      tpu.vector_store %arg14[%swap3A_105, %swap3A_106], %broadcast_in_dim3A_104 {strides = array<i32>} : memref<64x512xf32, #tpu.memory_space<vmem>>, vector<64x512xf32>,
      %broadcast_in_dim3A_108 = arith.constant 0.000000e+00 : f32
      %broadcast_in_dim3A_109 = vector.broadcast %broadcast_in_dim3A_108 : f32 to vector<64x128xf32>
      %swap3A_110 = arith.constant 0 : index
      %swap3A_111 = arith.constant 0 : index
      %swap3A_112 = vector.load %arg15[%swap3A_110, %swap3A_111] : memref<64x128xf32, #tpu.memory_space<vmem>>, vector<64x128xf32>
      tpu.vector_store %arg15[%swap3A_110, %swap3A_111], %broadcast_in_dim3A_109 {strides = array<i32>} : memref<64x128xf32, #tpu.memory_space<vmem>>, vector<64x128xf32>,
    } else {
    }
    %get3A = arith.constant 0 : index
    %get3A_2 = arith.constant 0 : index
    %get3A_3 = arith.constant 0 : index
    %get3A_4 = vector.load %arg3[%get3A, %get3A_2, %get3A_3] : memref<2x1000x128xf32, #tpu.memory_space<vmem>>, vector<1x1000x1xf32>
    %get3A_5 = vector.shape_cast %get3A_4 : vector<1x1000x1xf32> to vector<1000x1xf32>
    %get3A_6 = arith.constant 1 : index
    %get3A_7 = arith.constant 0 : index
    %get3A_8 = arith.constant 0 : index
    %get3A_9 = vector.load %arg3[%get3A_6, %get3A_7, %get3A_8] : memref<2x1000x128xf32, #tpu.memory_space<vmem>>, vector<1x1000x1xf32>
    %get3A_10 = vector.shape_cast %get3A_9 : vector<1x1000x1xf32> to vector<1000x1xf32>
    %add3A = arith.addf %get3A_5, %get3A_10 : vector<1000x1xf32>
    %max3A = arith.constant 1.000000e+00 : f32
    %max3A_11 = vector.broadcast %max3A : f32 to vector<1000x1xf32>
    %max3A_12 = arith.maximumf %add3A, %max3A_11 : vector<1000x1xf32>
    %div3A = arith.constant 1.000000e+00 : f32
    %div3A_13 = vector.broadcast %div3A : f32 to vector<1000x1xf32>
    %div3A_14 = arith.divf %div3A_13, %max3A_12 : vector<1000x1xf32>
    %get3A_15 = arith.constant 0 : index
    %get3A_16 = arith.constant 0 : index
    %get3A_17 = arith.constant 0 : index
    %get3A_18 = vector.load %arg1[%get3A_15, %get3A_16, %get3A_17] : memref<4x1000x128xf32, #tpu.memory_space<vmem>>, vector<1x1000x128xf32>
    %get3A_19 = vector.shape_cast %get3A_18 : vector<1x1000x128xf32> to vector<1000x128xf32>
    %mul3A = vector.broadcast %div3A_14 : vector<1000x1xf32> to vector<1000x128xf32>
    %mul3A_20 = arith.mulf %get3A_19, %mul3A : vector<1000x128xf32>
    %get3A_21 = arith.constant 1 : index
    %get3A_22 = arith.constant 0 : index
    %get3A_23 = arith.constant 0 : index
    %get3A_24 = vector.load %arg1[%get3A_21, %get3A_22, %get3A_23] : memref<4x1000x128xf32, #tpu.memory_space<vmem>>, vector<1x1000x128xf32>
    %get3A_25 = vector.shape_cast %get3A_24 : vector<1x1000x128xf32> to vector<1000x128xf32>
    %mul3A_26 = vector.broadcast %div3A_14 : vector<1000x1xf32> to vector<1000x128xf32>
    %mul3A_27 = arith.mulf %get3A_25, %mul3A_26 : vector<1000x128xf32>
    %get3A_28 = arith.constant 2 : index
    %get3A_29 = arith.constant 0 : index
    %get3A_30 = arith.constant 0 : index
    %get3A_31 = vector.load %arg1[%get3A_28, %get3A_29, %get3A_30] : memref<4x1000x128xf32, #tpu.memory_space<vmem>>, vector<1x1000x128xf32>
    %get3A_32 = vector.shape_cast %get3A_31 : vector<1x1000x128xf32> to vector<1000x128xf32>
    %mul3A_33 = vector.broadcast %div3A_14 : vector<1000x1xf32> to vector<1000x128xf32>
    %mul3A_34 = arith.mulf %get3A_32, %mul3A_33 : vector<1000x128xf32>
    %get3A_35 = arith.constant 3 : index
    %get3A_36 = arith.constant 0 : index
    %get3A_37 = arith.constant 0 : index
    %get3A_38 = vector.load %arg1[%get3A_35, %get3A_36, %get3A_37] : memref<4x1000x128xf32, #tpu.memory_space<vmem>>, vector<1x1000x128xf32>
    %get3A_39 = vector.shape_cast %get3A_38 : vector<1x1000x128xf32> to vector<1000x128xf32>
    %mul3A_40 = vector.broadcast %div3A_14 : vector<1000x1xf32> to vector<1000x128xf32>
    %mul3A_41 = arith.mulf %get3A_39, %mul3A_40 : vector<1000x128xf32>
    %get3A_42 = arith.constant 0 : index
    %get3A_43 = arith.constant 0 : index
    %get3A_44 = arith.constant 0 : index
    %get3A_45 = vector.load %arg2[%get3A_42, %get3A_43, %get3A_44] : memref<4x1000x128xf32, #tpu.memory_space<vmem>>, vector<1x1000x128xf32>
    %get3A_46 = vector.shape_cast %get3A_45 : vector<1x1000x128xf32> to vector<1000x128xf32>
    %get3A_47 = arith.constant 1 : index
    %get3A_48 = arith.constant 0 : index
    %get3A_49 = arith.constant 0 : index
    %get3A_50 = vector.load %arg2[%get3A_47, %get3A_48, %get3A_49] : memref<4x1000x128xf32, #tpu.memory_space<vmem>>, vector<1x1000x128xf32>
    %get3A_51 = vector.shape_cast %get3A_50 : vector<1x1000x128xf32> to vector<1000x128xf32>
    %get3A_52 = arith.constant 2 : index
    %get3A_53 = arith.constant 0 : index
    %get3A_54 = arith.constant 0 : index
    %get3A_55 = vector.load %arg2[%get3A_52, %get3A_53, %get3A_54] : memref<4x1000x128xf32, #tpu.memory_space<vmem>>, vector<1x1000x128xf32>
    %get3A_56 = vector.shape_cast %get3A_55 : vector<1x1000x128xf32> to vector<1000x128xf32>
    %get3A_57 = arith.constant 3 : index
    %get3A_58 = arith.constant 0 : index
    %get3A_59 = arith.constant 0 : index
    %get3A_60 = vector.load %arg2[%get3A_57, %get3A_58, %get3A_59] : memref<4x1000x128xf32, #tpu.memory_space<vmem>>, vector<1x1000x128xf32>
    %get3A_61 = vector.shape_cast %get3A_60 : vector<1x1000x128xf32> to vector<1000x128xf32>
    %concatenate3A = tpu.concatenate %mul3A_20, %mul3A_27, %mul3A_34, %mul3A_41, %get3A_46, %get3A_51, %get3A_56, %get3A_61 in 1 : vector<1000x128xf32>, vector<1000x128xf32>, vector<1000x128xf32>, vector<1000x128xf32>, vector<1000x128xf32>, vector<1000x128xf32>, vector<1000x128xf32>, vector<1000x128xf32> -> vector<1000x1024xf32>
    %get3A_62 = arith.constant 0 : index
    %get3A_63 = arith.constant 0 : index
    %get3A_64 = vector.load %arg4[%get3A_62, %get3A_63] : memref<1024x512xf32, #tpu.memory_space<vmem>>, vector<1024x512xf32>
    %dot_general3A = arith.constant dense<0.000000e+00> : vector<1000x512xf32>
    %dot_general3A_65 = tpu.matmul %concatenate3A, %get3A_64, %dot_general3A {dimension_numbers = #tpu.dot_dimension_numbers<[1], [0], [0], [1], [0, 0, 1, 1], [], []>, transpose_lhs_hint = false} : vector<1000x1024xf32>, vector<1024x512xf32>, vector<1000x512xf32> -> vector<1000x512xf32>
    %get3A_66 = arith.constant 0 : index
    %get3A_67 = arith.constant 0 : index
    %get3A_68 = vector.load %arg5[%get3A_66, %get3A_67] : memref<1x512xf32, #tpu.memory_space<vmem>>, vector<1x512xf32>
    %add3A_69 = vector.broadcast %get3A_68 : vector<1x512xf32> to vector<1000x512xf32>
    %add3A_70 = arith.addf %dot_general3A_65, %add3A_69 : vector<1000x512xf32>
    %get3A_71 = arith.constant 0 : index
    %get3A_72 = arith.constant 0 : index
    %get3A_73 = arith.constant 0 : index
    %get3A_74 = vector.load %arg6[%get3A_71, %get3A_72, %get3A_73] : memref<1x1x1000xi32, #tpu.memory_space<vmem>>, vector<1x1x1000xi32>
    %get3A_75 = vector.shape_cast %get3A_74 : vector<1x1x1000xi32> to vector<1000xi32>
    %broadcast_in_dim3A = vector.shape_cast %get3A_75 : vector<1000xi32> to vector<1x1000xi32>
    %iota3A = tpu.iota {dimensions = array<i32: 0>} : vector<64x1000xi32>
    %eq3A_76 = vector.broadcast %broadcast_in_dim3A : vector<1x1000xi32> to vector<64x1000xi32>
    %eq3A_77 = arith.cmpi eq, %eq3A_76, %iota3A : vector<64x1000xi32>
    %convert_element_type3A_78 = arith.extui %eq3A_77 : vector<64x1000xi1> to vector<64x1000xi32>
    %convert_element_type3A_79 = arith.sitofp %convert_element_type3A_78 : vector<64x1000xi32> to vector<64x1000xf32>
    %get3A_80 = arith.constant 0 : index
    %get3A_81 = arith.constant 0 : index
    %get3A_82 = vector.load %arg14[%get3A_80, %get3A_81] : memref<64x512xf32, #tpu.memory_space<vmem>>, vector<64x512xf32>
    %dot_general3A_83 = arith.constant dense<0.000000e+00> : vector<64x512xf32>
    %dot_general3A_84 = tpu.matmul %convert_element_type3A_79, %add3A_70, %dot_general3A_83 {dimension_numbers = #tpu.dot_dimension_numbers<[1], [0], [0], [1], [0, 0, 1, 1], [], []>, transpose_lhs_hint = false} : vector<64x1000xf32>, vector<1000x512xf32>, vector<64x512xf32> -> vector<64x512xf32>
    %add3A_85 = arith.addf %get3A_82, %dot_general3A_84 : vector<64x512xf32>
    %swap3A = arith.constant 0 : index
    %swap3A_86 = arith.constant 0 : index
    %swap3A_87 = vector.load %arg14[%swap3A, %swap3A_86] : memref<64x512xf32, #tpu.memory_space<vmem>>, vector<64x512xf32>
    tpu.vector_store %arg14[%swap3A, %swap3A_86], %add3A_85 {strides = array<i32>} : memref<64x512xf32, #tpu.memory_space<vmem>>, vector<64x512xf32>,
    %get3A_88 = arith.constant 0 : index
    %get3A_89 = arith.constant 0 : index
    %get3A_90 = vector.load %arg15[%get3A_88, %get3A_89] : memref<64x128xf32, #tpu.memory_space<vmem>>, vector<64x128xf32>
    %reduce_sum3A = arith.constant dense<0.000000e+00> : vector<64xf32>
    %reduce_sum3A_91 = vector.multi_reduction <add>, %convert_element_type3A_79, %reduce_sum3A [1] : vector<64x1000xf32> to vector<64xf32>
    %broadcast_in_dim3A_92 = vector.shape_cast %reduce_sum3A_91 : vector<64xf32> to vector<64x1xf32>
    %add3A_93 = vector.broadcast %broadcast_in_dim3A_92 : vector<64x1xf32> to vector<64x128xf32>
    %add3A_94 = arith.addf %get3A_90, %add3A_93 : vector<64x128xf32>
    %swap3A_95 = arith.constant 0 : index
    %swap3A_96 = arith.constant 0 : index
    %swap3A_97 = vector.load %arg15[%swap3A_95, %swap3A_96] : memref<64x128xf32, #tpu.memory_space<vmem>>, vector<64x128xf32>
    tpu.vector_store %arg15[%swap3A_95, %swap3A_96], %add3A_94 {strides = array<i32>} : memref<64x128xf32, #tpu.memory_space<vmem>>, vector<64x128xf32>,
    %eq3A_98 = arith.constant 9 : i32
    %eq3A_99 = arith.cmpi eq, %arg0, %eq3A_98 : i32
    %convert_element_type3A_100 = arith.extui %eq3A_99 : i1 to i32
    %cond3A_101 = arith.constant 0 : i32
    %cond3A_102 = arith.cmpi ne, %convert_element_type3A_100, %cond3A_101 : i32
    scf.if %cond3A_102 {
      %get3A_103 = arith.constant 0 : index
      %get3A_104 = arith.constant 0 : index
      %get3A_105 = vector.load %arg15[%get3A_103, %get3A_104] : memref<64x128xf32, #tpu.memory_space<vmem>>, vector<64x1xf32>
      %max3A_106 = arith.constant 1.000000e+00 : f32
      %max3A_107 = vector.broadcast %max3A_106 : f32 to vector<64x1xf32>
      %max3A_108 = arith.maximumf %get3A_105, %max3A_107 : vector<64x1xf32>
      %div3A_109 = arith.constant 1.000000e+00 : f32
      %div3A_110 = vector.broadcast %div3A_109 : f32 to vector<64x1xf32>
      %div3A_111 = arith.divf %div3A_110, %max3A_108 : vector<64x1xf32>
      %get3A_112 = arith.constant 0 : index
      %get3A_113 = arith.constant 0 : index
      %get3A_114 = vector.load %arg14[%get3A_112, %get3A_113] : memref<64x512xf32, #tpu.memory_space<vmem>>, vector<64x512xf32>
      %mul3A_115 = vector.broadcast %div3A_111 : vector<64x1xf32> to vector<64x512xf32>
      %mul3A_116 = arith.mulf %get3A_114, %mul3A_115 : vector<64x512xf32>
      %get3A_117 = arith.constant 0 : index
      %get3A_118 = arith.constant 0 : index
      %get3A_119 = vector.load %arg7[%get3A_117, %get3A_118] : memref<512x512xf32, #tpu.memory_space<vmem>>, vector<512x512xf32>
      %dot_general3A_120 = arith.constant dense<0.000000e+00> : vector<64x512xf32>
      %dot_general3A_121 = tpu.matmul %mul3A_116, %get3A_119, %dot_general3A_120 {dimension_numbers = #tpu.dot_dimension_numbers<[1], [0], [0], [1], [0, 0, 1, 1], [], []>, transpose_lhs_hint = false} : vector<64x512xf32>, vector<512x512xf32>, vector<64x512xf32> -> vector<64x512xf32>
      %get3A_122 = arith.constant 0 : index
      %get3A_123 = arith.constant 0 : index
      %get3A_124 = vector.load %arg8[%get3A_122, %get3A_123] : memref<1x512xf32, #tpu.memory_space<vmem>>, vector<1x512xf32>
      %add3A_125 = vector.broadcast %get3A_124 : vector<1x512xf32> to vector<64x512xf32>
      %add3A_126 = arith.addf %dot_general3A_121, %add3A_125 : vector<64x512xf32>
      %max3A_127 = arith.constant 0.000000e+00 : f32
      %max3A_128 = vector.broadcast %max3A_127 : f32 to vector<64x512xf32>
      %max3A_129 = arith.maximumf %add3A_126, %max3A_128 : vector<64x512xf32>
      %get3A_130 = arith.constant 0 : index
      %get3A_131 = arith.constant 0 : index
      %get3A_132 = vector.load %arg9[%get3A_130, %get3A_131] : memref<512x512xf32, #tpu.memory_space<vmem>>, vector<512x512xf32>
      %dot_general3A_133 = arith.constant dense<0.000000e+00> : vector<64x512xf32>
      %dot_general3A_134 = tpu.matmul %max3A_129, %get3A_132, %dot_general3A_133 {dimension_numbers = #tpu.dot_dimension_numbers<[1], [0], [0], [1], [0, 0, 1, 1], [], []>, transpose_lhs_hint = false} : vector<64x512xf32>, vector<512x512xf32>, vector<64x512xf32> -> vector<64x512xf32>
      %get3A_135 = arith.constant 0 : index
      %get3A_136 = arith.constant 0 : index
      %get3A_137 = vector.load %arg10[%get3A_135, %get3A_136] : memref<1x512xf32, #tpu.memory_space<vmem>>, vector<1x512xf32>
      %add3A_138 = vector.broadcast %get3A_137 : vector<1x512xf32> to vector<64x512xf32>
      %add3A_139 = arith.addf %dot_general3A_134, %add3A_138 : vector<64x512xf32>
      %max3A_140 = arith.constant 0.000000e+00 : f32
      %max3A_141 = vector.broadcast %max3A_140 : f32 to vector<64x512xf32>
      %max3A_142 = arith.maximumf %add3A_139, %max3A_141 : vector<64x512xf32>
      %get3A_143 = arith.constant 0 : index
      %get3A_144 = arith.constant 0 : index
      %get3A_145 = vector.load %arg11[%get3A_143, %get3A_144] : memref<512x16xf32, #tpu.memory_space<vmem>>, vector<512x16xf32>
      %dot_general3A_146 = arith.constant dense<0.000000e+00> : vector<64x16xf32>
      %dot_general3A_147 = tpu.matmul %max3A_142, %get3A_145, %dot_general3A_146 {dimension_numbers = #tpu.dot_dimension_numbers<[1], [0], [0], [1], [0, 0, 1, 1], [], []>, transpose_lhs_hint = false} : vector<64x512xf32>, vector<512x16xf32>, vector<64x16xf32> -> vector<64x16xf32>
      %get3A_148 = arith.constant 0 : index
      %get3A_149 = arith.constant 0 : index
      %get3A_150 = vector.load %arg12[%get3A_148, %get3A_149] : memref<1x16xf32, #tpu.memory_space<vmem>>, vector<1x16xf32>
      %add3A_151 = vector.broadcast %get3A_150 : vector<1x16xf32> to vector<64x16xf32>
      %add3A_152 = arith.addf %dot_general3A_147, %add3A_151 : vector<64x16xf32>
      %swap3A_153 = arith.constant 0 : index
      %swap3A_154 = arith.constant 0 : index
      %swap3A_155 = vector.load %arg13[%swap3A_153, %swap3A_154] : memref<64x16xf32, #tpu.memory_space<vmem>>, vector<64x16xf32>
      tpu.vector_store %arg13[%swap3A_153, %swap3A_154], %add3A_152 {strides = array<i32>} : memref<64x16xf32, #tpu.memory_space<vmem>>, vector<64x16xf32>,
    } else {
    }
    return
  }
  func.func @transform_0(%arg0: i32) -> (i32, i32, i32) {
    %c0_i32 = arith.constant 0 : i32
    %c0_i32_0 = arith.constant 0 : i32
    %c0_i32_1 = arith.constant 0 : i32
    return %c0_i32, %arg0, %c0_i32_0 : i32, i32, i32
  }
  func.func @transform_1(%arg0: i32) -> (i32, i32, i32) {
    %c0_i32 = arith.constant 0 : i32
    %c0_i32_0 = arith.constant 0 : i32
    %c0_i32_1 = arith.constant 0 : i32
    return %c0_i32, %arg0, %c0_i32_0 : i32, i32, i32
  }
  func.func @transform_2(%arg0: i32) -> (i32, i32, i32) {
    %c1_i32 = arith.constant 1 : i32
    %c0_i32 = arith.constant 0 : i32
    %c0_i32_0 = arith.constant 0 : i32
    return %c1_i32, %arg0, %c0_i32 : i32, i32, i32
  }
  func.func @transform_3(%arg0: i32) -> (i32, i32) {
    %c0_i32 = arith.constant 0 : i32
    %c0_i32_0 = arith.constant 0 : i32
    %c0_i32_1 = arith.constant 0 : i32
    return %c0_i32, %c0_i32_0 : i32, i32
  }
  func.func @transform_4(%arg0: i32) -> (i32, i32) {
    %c0_i32 = arith.constant 0 : i32
    %c0_i32_0 = arith.constant 0 : i32
    %c0_i32_1 = arith.constant 0 : i32
    return %c0_i32, %c0_i32_0 : i32, i32
  }
  func.func @transform_5(%arg0: i32) -> (i32, i32, i32) {
    %c0_i32 = arith.constant 0 : i32
    %c0_i32_0 = arith.constant 0 : i32
    %c0_i32_1 = arith.constant 0 : i32
    return %arg0, %c0_i32, %c0_i32_0 : i32, i32, i32
  }
  func.func @transform_6(%arg0: i32) -> (i32, i32) {
    %c0_i32 = arith.constant 0 : i32
    %c0_i32_0 = arith.constant 0 : i32
    %c0_i32_1 = arith.constant 0 : i32
    return %c0_i32, %c0_i32_0 : i32, i32
  }
  func.func @transform_7(%arg0: i32) -> (i32, i32) {
    %c0_i32 = arith.constant 0 : i32
    %c0_i32_0 = arith.constant 0 : i32
    %c0_i32_1 = arith.constant 0 : i32
    return %c0_i32, %c0_i32_0 : i32, i32
  }
  func.func @transform_8(%arg0: i32) -> (i32, i32) {
    %c0_i32 = arith.constant 0 : i32
    %c0_i32_0 = arith.constant 0 : i32
    %c0_i32_1 = arith.constant 0 : i32
    return %c0_i32, %c0_i32_0 : i32, i32
  }
  func.func @transform_9(%arg0: i32) -> (i32, i32) {
    %c0_i32 = arith.constant 0 : i32
    %c0_i32_0 = arith.constant 0 : i32
    %c0_i32_1 = arith.constant 0 : i32
    return %c0_i32, %c0_i32_0 : i32, i32
  }
  func.func @transform_10(%arg0: i32) -> (i32, i32) {
    %c0_i32 = arith.constant 0 : i32
    %c0_i32_0 = arith.constant 0 : i32
    %c0_i32_1 = arith.constant 0 : i32
    return %c0_i32, %c0_i32_0 : i32, i32
  }
  func.func @transform_11(%arg0: i32) -> (i32, i32) {
    %c0_i32 = arith.constant 0 : i32
    %c0_i32_0 = arith.constant 0 : i32
    %c0_i32_1 = arith.constant 0 : i32
    return %c0_i32, %c0_i32_0 : i32, i32
  }
  func.func @transform_12(%arg0: i32) -> (i32, i32) {
    %c0_i32 = arith.constant 0 : i32
    %c0_i32_0 = arith.constant 0 : i32
    %c0_i32_1 = arith.constant 0 : i32
    return %c0_i32, %c0_i32_0 : i32, i32
  }
}

</mosaic_0001>

<sc_bundles>
// kernel: kernel.11.cloned.1.call-start
scs
__scs_entry_jumppad:
0x0: {  	(pc) =	sbr.rel $0x88, $3  }
0x1: {  	(tag) =	ssettag $0x0;
	lr =	simm.s32 $0x1  }
0x2: {  	[smem:$0x3F8F] =	sst lr;
	_ =	strace $0xD0000000  }
0x3: {  	_ = 	snop  }
0x4: {  	_ = 	snop  }
0x5: {  	_ = 	snop  }
0x6: {  	_ = 	snop  }
0x7: {  	_ = 	snop  }
__scs_overlays_trampoline_lowered:
0x8: {  	[smem:$0x3F9E] =	sst s0  }
0x9: {  	[smem:$0x3F9F] =	sst s1  }
0xa: {  	[smem:$0x3FA0] =	sst s2  }
0xb: {  	[smem:$0x3FA1] =	sst s3  }
0xc: {  	[smem:$0x3FA2] =	sst s4  }
0xd: {  	[smem:$0x3FA3] =	sst s5  }
0xe: {  	[smem:$0x3FA4] =	sst s6  }
0xf: {  	[smem:$0x3FA5] =	sst s7  }
0x10: {  	[smem:$0x3FA6] =	sst s8  }
0x11: {  	[smem:$0x3FA7] =	sst s9;
	s0 =	simm.s32 @!p0 $0x0  }
0x12: {  	s1 =	sld [smem:$0x3F8D];
	s0 =	simm.s32 @p0 $0x1  }
0x13: {  	[smem:$0x3FA8] =	sst s0;
	s0 =	simm.s32 @!p1 $0x0  }
0x14: {  	s2 =	sld [smem:$0x3F8C];
	s0 =	simm.s32 @p1 $0x1  }
0x15: {  	[smem:$0x3FA9] =	sst s0;
	s0 =	simm.s32 @!p2 $0x0  }
0x16: {  	s3 =	sld [smem:$0x3FDB];
	s0 =	simm.s32 @p2 $0x1  }
0x17: {  	s4 =	simm.s32 $0x1BF5;
	[smem:$0x3FAB] =	sst s0  }
0x18: {  	s0 =	sld [smem:$0x3F8E];
	_ =	swait.ge [sflag:s4], $0x0  }
0x19: {  	s7 =	sld [smem:$0x3F8F]  }
0x1a: {  	s8 =	sadd.s32 $0xFFFFE003, lr  }
0x1b: {  	s9 =	sadd.s32 $0xFFFFFEF7, lr;
	s5 =	simm.s32 $0xFFFFFFFF;
	p2 =	slt.u32 s8, $0xFFFFF086  }
0x1c: {  	p1 =	slt.u32 s9, $0xF7A;
	s5 =	simm.s32 @!p2 $0x0  }
0x1d: {  	s5 =	simm.s32 @p1 $0x1;
	p0 =	seq.s32 s7, s2  }
0x1e: {  	s7 =	smul.u32 @!p0 $0xF7A, s2;
	p2 =	seq.s32 @!p0 s5, $0x0  }
0x1f: {  	s9 =	smul.u32 $0xF7A, s1;
	s8 =	simm.s32 @!p0 $0x1BF5;
	p2 =	por !p2, p0  }
0x20: {  	[sflag:s8] =	ssyncset.s32 @!p0 $0xFFFFF086;
	s6 =	sadd.s32 @!p0 s3, s7;
	s7 =	simm.s32 @!p0 $0x108  }
0x21: {  	s3 =	sadd.s32 s3, s9;
	s6 =	sadd.s32 @!p0 $0x88, s6;
	s7 =	simm.s32 @p2 $0x1082  }
0x22: {  	[simem:s7], [sflag:s8] =	dma.local @!p0 [hbm:s6], $0xF7A  }
0x23: {  	s9 =	sor.u32 $0xD0000000, s2;
	s6 =	simm.s32 $0x108;
	_ =	swait.ge @!p0 [sflag:s8], $0x0  }
0x24: {  	s3 =	sadd.s32 $0x88, s3;
	s6 =	simm.s32 @!p1 $0x1082;
	[sflag:s4] =	ssyncset.s32 $0xFFFFF086  }
0x25: {  	[simem:s6], [sflag:s4] =	dma.local [hbm:s3], $0xF7A  }
0x26: {  	[smem:$0x3F8F] =	sst s1;
	(tag) =	ssettag s2;
	_ =	strace s9  }
0x27: {  	s1 =	sld [smem:$0x3F9F]  }
0x28: {  	s2 =	sld [smem:$0x3FA0]  }
0x29: {  	s4 =	sld [smem:$0x3FA2]  }
0x2a: {  	p0 =	seq.s32 s5, $0x0;
	s5 =	sld [smem:$0x3FA3]  }
0x2b: {  	s6 =	sld [smem:$0x3FA4]  }
0x2c: {  	s7 =	sld [smem:$0x3FA5]  }
0x2d: {  	s3 =	simm.s32 $0x108;
	s8 =	sld [smem:$0x3FA6]  }
0x2e: {  	s3 =	simm.s32 @!p0 $0x1082;
	s9 =	sld [smem:$0x3FA7]  }
0x2f: {  	lr =	sadd.s32 s0, s3;
	s0 =	sld [smem:$0x3F9E]  }
0x30: {  	s3 =	sld [smem:$0x3FA1]  }
0x31: {  	[smem:$0x3FAA] =	sst s10  }
0x32: {  	s10 =	sld [smem:$0x3FA8];
	_ =	sdelay $0x3  }
0x33: {  	p0 =	seq.s32 s10, $0x1;
	s10 =	sld [smem:$0x3FAA];
	_ =	sdelay $0x3  }
0x34: {  	[smem:$0x3FAA] =	sst s10  }
0x35: {  	s10 =	sld [smem:$0x3FA9];
	_ =	sdelay $0x3  }
0x36: {  	p1 =	seq.s32 s10, $0x1;
	s10 =	sld [smem:$0x3FAA];
	_ =	sdelay $0x3  }
0x37: {  	[smem:$0x3FAA] =	sst s10  }
0x38: {  	s10 =	sld [smem:$0x3FAB]  }
0x39: {  	_ = 	snop;
	(pc) =	sbr.ind lr, $3  }
0x3a: {  	_ = 	snop  }
0x3b: {  	_ = 	snop  }
0x3c: {  	p2 =	seq.s32 s10, $0x1;
	s10 =	sld [smem:$0x3FAA]  }
0x3d: {  	_ =	shalt  }
0x3e: {  	_ =	shalt  }
0x3f: {  	_ =	shalt  }
0x40: {  	_ =	shalt  }
0x41: {  	_ =	shalt  }
0x42: {  	_ =	shalt  }
0x43: {  	_ =	shalt  }
0x44: {  	_ =	shalt  }
0x45: {  	_ =	shalt  }
0x46: {  	_ =	shalt  }
0x47: {  	_ =	shalt  }
0x48: {  	_ =	shalt  }
0x49: {  	_ =	shalt  }
0x4a: {  	_ =	shalt  }
0x4b: {  	_ =	shalt  }
0x4c: {  	_ =	shalt  }
0x4d: {  	_ =	shalt  }
0x4e: {  	_ =	shalt  }
0x4f: {  	_ =	shalt  }
0x50: {  	_ =	shalt  }
0x51: {  	_ =	shalt  }
0x52: {  	_ =	shalt  }
0x53: {  	_ =	shalt  }
0x54: {  	_ =	shalt  }
0x55: {  	_ =	shalt  }
0x56: {  	_ =	shalt  }
0x57: {  	_ =	shalt  }
0x58: {  	_ =	shalt  }
0x59: {  	_ =	shalt  }
0x5a: {  	_ =	shalt  }
0x5b: {  	_ =	shalt  }
0x5c: {  	_ =	shalt  }
0x5d: {  	_ =	shalt  }
0x5e: {  	_ =	shalt  }
0x5f: {  	_ =	shalt  }
0x60: {  	_ =	shalt  }
0x61: {  	_ =	shalt  }
0x62: {  	_ =	shalt  }
0x63: {  	_ =	shalt  }
0x64: {  	_ =	shalt  }
0x65: {  	_ =	shalt  }
0x66: {  	_ =	shalt  }
0x67: {  	_ =	shalt  }
0x68: {  	_ =	shalt  }
0x69: {  	_ =	shalt  }
0x6a: {  	_ =	shalt  }
0x6b: {  	_ =	shalt  }
0x6c: {  	_ =	shalt  }
0x6d: {  	_ =	shalt  }
0x6e: {  	_ =	shalt  }
0x6f: {  	_ =	shalt  }
0x70: {  	_ =	shalt  }
0x71: {  	_ =	shalt  }
0x72: {  	_ =	shalt  }
0x73: {  	_ =	shalt  }
0x74: {  	_ =	shalt  }
0x75: {  	_ =	shalt  }
0x76: {  	_ =	shalt  }
0x77: {  	_ =	shalt  }
0x78: {  	_ =	shalt  }
0x79: {  	_ =	shalt  }
0x7a: {  	_ =	shalt  }
0x7b: {  	_ =	shalt  }
0x7c: {  	_ =	shalt  }
0x7d: {  	_ =	shalt  }
0x7e: {  	_ =	shalt  }
0x7f: {  	_ =	shalt  }
0x80: {  	_ =	shalt  }
0x81: {  	_ =	shalt  }
0x82: {  	_ =	shalt  }
0x83: {  	_ =	shalt  }
0x84: {  	_ =	shalt  }
0x85: {  	_ =	shalt  }
0x86: {  	_ =	shalt  }
0x87: {  	_ =	shalt  }
.Lfunc_end0:
.L_simem_size_0:
called_computation.1_lowered:
.L_overlay_start_0:
0x88: {  	s2 =	sld [smem:$0x3FD9]  }
0x89: {  	s3 =	sld [smem:$0x3FFE];
	_ =	sdelay $0x1  }
0x8a: {  	s1 =	srdreg.scid  }
0x8b: {  	s0 =	sand.u32 $0x1, s1  }
0x8c: {  	s16 =	sshll.u32 s0, $0xA;
	s2 =	sadd.s32 s3, s2  }
0x8d: {  	s2 =	sadd.s32 s2, s16  }
0x8e: {  	[smem:$0x3FB6] =	sst s2  }
0x8f: {  	_ = 	snop  }
0x90: {  	(tm) =	ssettm $0x1  }
0x91: {  	s17 =	sld [smem:$0x3FFB];
	_ =	sdelay $0x3  }
0x92: {  	_ =	strace s17  }
0x93: {  	s2 =	sld [smem:$0x3FFC];
	_ =	sdelay $0x3  }
0x94: {  	_ =	strace s2  }
0x95: {  	s2 =	sld [smem:$0x3FFD];
	_ =	sdelay $0x3  }
0x96: {  	_ =	strace s2  }
0x97: {  	_ =	strace $0x8FFFFFFF  }
0x98: {  	s18 =	sld [smem:$0x3FDB];
	_ =	sdelay $0x1  }
0x99: {  	s19 =	simm.s32 $_scs_section_size  }
0x9a: {  	s4 =	simm.s32 $_size__tile_overlayer_lowered;
	s5 =	simm.s32 $_tile_overlayer_lowered  }
0x9b: {  	s22 =	simm.s32 $0x1BFF;
	s21 =	sshll.u32 s5, $0x1;
	s2 =	sadd.s32 s19, s18  }
0x9c: {  	s6 =	simm.s32 $0x0;
	s20 =	sshll.u32 s4, $0x1;
	s4 =	sadd.s32 s21, s2  }
0x9d: {  	[timem:s6], [sflag:s22] =	dma.local [hbm:s4], s20  }
0x9e: {  	_ =	swait.ge [sflag:s22], s20  }
0x9f: {  	s3 =	ssub.s32 $0x0, s20;
	[sflag:s22] =	ssyncset.done $0x0  }
0xa0: {  	[sflag:s22] =	ssyncadd.s32 s3;
	_ =	sdelay $0x1  }
0xa1: {  	s23 =	simm.s32 $0x1B8B  }
0xa2: {  	_ =	swait.ge [sflag:s23], $0x1  }
0xa3: {  	[sflag:s23] =	ssyncset.done $0x0  }
0xa4: {  	s25 =	simm.s32 $0x1B8E;
	s24 =	sld [smem:$0x3FFE];
	[sflag:s23] =	ssyncadd.s32 $0xFFFFFFFF  }
0xa5: {  	s26 =	simm.s32 $execute0_lowered;
	[smem:$0x3FD2] =	sst s25  }
0xa6: {  	s4 =	sshll.u32 s26, $0x1;
	_ =	strace $0x80000049;
	[dreg:$0x1] =	wrdreg $0xFFFFFFFF  }
0xa7: {  	s28 =	simm.s32 $_size_execute0_lowered;
	s2 =	sadd.s32 s2, s4;
	[dreg:$0x0] =	wrdreg $0x0  }
0xa8: {  	s4 =	sshll.u32 s28, $0x1;
	[dreg:$0x2] =	wrdreg s2  }
0xa9: {  	[dreg:$0x3] =	wrdreg s4  }
0xaa: {  	[dreg:$0x4] =	wrdreg $0xC0  }
0xab: {  	_ =	task [dreg:s6], $0x5FFFF  }
0xac: {  	[dreg:$0x1] =	wrdreg $0xFFFFFFFF  }
0xad: {  	[dreg:$0x0] =	wrdreg $0x60  }
0xae: {  	[dreg:$0x2] =	wrdreg s24  }
0xaf: {  	[dreg:$0x3] =	wrdreg $0x8F800  }
0xb0: {  	[dreg:$0x4] =	wrdreg $0x9  }
0xb1: {  	_ =	task.clear_ibuf [dreg:s6], $0x5FFFF;
	_ =	strace $0x90000049  }
0xb2: {  	s29 =	simm.s32 $0x9;
	_ =	strace $0x8000004B  }
0xb3: {  	_ =	swait.ge [sflag:s29], $0x1  }
0xb4: {  	[sflag:s29] =	ssyncadd.s32 $0xFFFFFFFF  }
0xb5: {  	_ =	strace $0x9000004B  }
0xb6: {  	_ =	sfence  }
0xb7: {  	s30 =	sld [smem:$0x0];
	_ =	sdelay $0x2  }
0xb8: {  	s31 =	sshll.u32 s1, $0xD;
	s1 =	sshrl.u32 s1, $0x2  }
0xb9: {  	s3 =	sand.u32 $0x4000, s31;
	s1 =	sadd.s32 s1, s30  }
0xba: {  	s0 =	sor.u32 s3, s0;
	s1 =	sshll.u32 s1, $0x11  }
0xbb: {  	s0 =	sor.u32 s1, s0  }
0xbc: {  	s0 =	sadd.s32 $0x8F2B, s0  }
0xbd: {  	[sflag:s0] =	ssyncadd.remote.s32 $0x1  }
0xbe: {  	_ =	sfence.sel $0xFFFF  }
0xbf: {  	[dreg:$0x0] =	wrdreg $0xFFFFFFFF;
	(pc) =	sbr.abs _section_cstart, $3  }
0xc0: {  	[dreg:$0x1] =	wrdreg $0xFFFFFFFF  }
0xc1: {  	_ =	task.clear_ibuf [dreg:s6], $0x2FFFF;
	_ =	strace $0x9FFFFFFF  }
0xc2: {  	(tm) =	ssettm $0x7FFFFFFF  }
0xc3: {  	_ =	shalt  }
tec
execute0_lowered:
.L_overlay_start_1:
0x0: {  	(tag) =	ssettag $0x1  }
0x1: {  	s14 =	rddreg [dreg:$0x0]  }
0x2: {  	s1 =	rddreg [dreg:$0x1]  }
0x3: {  	s0 =	rddreg [dreg:$0x2];
	s3 =	simm.s32 $0x0;
	s2 =	stileid.u32  }
0x4: {  	s7 =	srdreg.scid;
	s16 =	simm.s32 $0x2;
	s19 =	simm.s32 $0x50  }
0x5: {  	s20 =	simm.s32 $0x6780;
	s21 =	simm.s32 $0x1;
	s6 =	smul.u32 $0x4E2, s2  }
0x6: {  	s23 =	simm.s32 $0x0;
	[smem:$0x7FF] =	sst s3;
	s5 =	smul.u32 $0x2800, s2  }
0x7: {  	s4 =	sadd.s32 $0x109400, s14;
	s8 =	sshll.u32 s2, $0xB;
	s30 =	smul.u32 $0x50000, s2  }
0x8: {  	s9 =	sand.u32 $0x1, s7;
	s22 =	sadd.s32 $0x1F5800, s14;
	s13 =	sadd.s32 $0x17E700, s14  }
0x9: {  	s17 =	sshll.u32 s2, $0x6;
	_ =	strace $0x8000004A;
	s8 =	sadd.s32 s8, s14  }
0xa: {  	s10 =	ssub.s32 $0x2, s9;
	p0 =	seq.s32 s9, $0x1;
	s17 =	sor.u32 $0x1C02, s17  }
0xb: {  	s29 =	sadd.s32 s6, s14;
	s6 =	sadd.s32 $0x66600, s14;
	s11 =	sadd.s32 s5, s14  }
.Ltmp0:
0xc: {  	s12 =	sshrl.u32 s10, $0x1;
	s8 =	sadd.s32 $0x10400, s8;
	(pc) =	sbr.rel .LBB2_1-.Ltmp0, $4  }
0xd: {  	s31 =	sshrl.u32 s30, $0x2;
	s22 =	sadd.s32 s5, s22;
	s7 =	sadd.s32 $0x3400, s29  }
0xe: {  	s15 =	ssub.s32 s10, s12;
	s9 =	sadd.s32 $0x1A5800, s11;
	s10 =	sadd.s32 $0x130500, s14  }
0xf: {  	s11 =	sadd.s32 $0x1CD800, s14;
	s18 =	sadd.s32 s31, s1;
	s12 =	sadd.s32 $0x157600, s14  }
0x10: {  	s14 =	sadd.s32 $0x21D800, s14;
	s15 =	smax.u32 s15, $0x1;
	s18 =	sshrl.u32 s18, $0x3  }
.LBB2_11:
0x11: {  	s25 =	sshra.s32 s25, $0x2;
	[sflag:s16] =	ssyncadd.s32 $0xFFFFD800  }
0x12: {  	[tilespmem:s20], [sflag:$0x1] =	stream.indirect.gather [hbm4b:s13+s19], $0x80, s25, s19, $0xb8;
	[tilespmem:$0x1CF80] =	vst v63  }
0x13: {  	_ =	swait.ge [sflag:s21], $0x2800  }
0x14: {  	[sflag:s21] =	ssyncset.done $0x0  }
0x15: {  	[sflag:s21] =	ssyncadd.s32 $0xFFFFD800  }
0x16: {  	[spmem:s1] =	stream.indirect.scatter.add.f32 [tilespmem:s20], [sflag:$0x2], $0x80, s24, s19, $0xb8;
	[tilespmem:$0x1CF80] =	vst v63  }
0x17: {  	_ =	swait.ge [sflag:s16], $0x2800  }
0x18: {  	[sflag:s16] =	ssyncset.done $0x0  }
0x19: {  	s24 =	smov.u32 s14;
	[sflag:s16] =	ssyncadd.s32 $0xFFFFD800  }
.LBB2_12:
0x1a: {  	[bflag:$0x0] =	sbarrier.arrive $0xFFFF;
	s24 =	sadd.s32 s5, s24;
	s23 =	sadd.s32 $0x1, s23  }
0x1b: {  	[hbm:s24], [sflag:s17] =	dma.local [spmem:s18], $0x2800  }
0x1c: {  	p1 =	sne.s32 s23, s15  }
.Ltmp1:
0x1d: {  	_ =	swait.ge [sflag:s16], $0x2800;
	(pc) =	sbr.rel @!p1 .LBB2_13-.Ltmp1, $3  }
0x1e: {  	[sflag:s16] =	ssyncset.done $0x0  }
0x1f: {  	[sflag:s16] =	ssyncadd.s32 $0xFFFFD800  }
0x20: {  	[bflag:$0x0] =	sbarrier.arrive $0xFFFF;
	_ =	sdelay $0x1  }
.LBB2_1:
0x21: {  	[tilespmem:s3], [sflag:$0x2] =	stream.linear.gather [hbm4b:s7+s3], $0x2710, $0x38;
	[tilespmem:$0x1CF80] =	vst v63  }
0x22: {  	_ =	swait.ge [sflag:s16], $0x2710  }
0x23: {  	[sflag:s16] =	ssyncset.done $0x0  }
0x24: {  	s24 =	simm.s32 $0x2780;
	[sflag:s16] =	ssyncadd.s32 $0xFFFFD8F0  }
0x25: {  	[tilespmem:s24], [sflag:$0x2] =	stream.linear.gather [hbm4b:s8+s3], $0x4000, $0x38;
	[tilespmem:$0x1CF80] =	vst v63  }
0x26: {  	_ =	swait.ge [sflag:s16], $0x4000  }
0x27: {  	[sflag:s16] =	ssyncset.done $0x0  }
0x28: {  	[sflag:s16] =	ssyncadd.s32 $0xFFFFC000  }
0x29: {  	[spmem:s18], [sflag:s17] =	dma.local [hbm:s6], $0x2800  }
.Ltmp2:
0x2a: {  	_ =	swait.ge [sflag:s16], $0x2800;
	(pc) =	sbr.rel @!p0 .LBB2_2-.Ltmp2, $4  }
0x2b: {  	[sflag:s16] =	ssyncset.done $0x0  }
0x2c: {  	[sflag:s16] =	ssyncadd.s32 $0xFFFFD800  }
0x2d: {  	[bflag:$0x0] =	sbarrier.arrive $0xFFFF  }
0x2e: {  	s25 =	simm.s32 $0x0  }
0x2f: {  	[tilespmem:s20], [sflag:$0x1] =	stream.indirect.gather [hbm4b:s12+s19], $0x80, s25, s19, $0xb8;
	[tilespmem:$0x1CF80] =	vst v63  }
0x30: {  	_ =	swait.ge [sflag:s21], $0x2800  }
0x31: {  	[sflag:s21] =	ssyncset.done $0x0  }
0x32: {  	[sflag:s21] =	ssyncadd.s32 $0xFFFFD800  }
0x33: {  	[spmem:s1] =	stream.indirect.scatter.add.f32 [tilespmem:s20], [sflag:$0x2], $0x80, s24, s19, $0xb8;
	[tilespmem:$0x1CF80] =	vst v63  }
0x34: {  	s25 =	simm.s32 $0x140;
	_ =	swait.ge [sflag:s16], $0x2800  }
0x35: {  	s26 =	simm.s32 $0x280;
	s24 =	simm.s32 $0x2800;
	[sflag:s16] =	ssyncset.done $0x0  }
.LBB2_8:
0x36: {  	s28 =	sshra.s32 s25, $0x2  }
0x37: {  	[sflag:s16] =	ssyncadd.s32 $0xFFFFD800;
	s25 =	smov.u32 s26;
	s29 =	sadd.s32 $0x140, s26  }
0x38: {  	[tilespmem:s20], [sflag:$0x1] =	stream.indirect.gather [hbm4b:s12+s19], $0x80, s28, s19, $0xb8;
	[tilespmem:$0x1CF80] =	vst v63  }
0x39: {  	p1 =	sne.s32 s26, $0x9B00;
	_ =	swait.ge [sflag:s21], $0x2800  }
.Ltmp3:
0x3a: {  	[sflag:s21] =	ssyncset.done $0x0;
	(pc) =	sbr.rel @p1 .LBB2_8-.Ltmp3, $4  }
0x3b: {  	[sflag:s21] =	ssyncadd.s32 $0xFFFFD800  }
0x3c: {  	[spmem:s1] =	stream.indirect.scatter.add.f32 [tilespmem:s20], [sflag:$0x2], $0x80, s24, s19, $0xb8;
	[tilespmem:$0x1CF80] =	vst v63  }
0x3d: {  	_ =	swait.ge [sflag:s16], $0x2800  }
0x3e: {  	s26 =	smov.u32 s29;
	s24 =	sadd.s32 $0x80, s24;
	[sflag:s16] =	ssyncset.done $0x0  }
0x3f: {  	s25 =	sshra.s32 s25, $0x2;
	[sflag:s16] =	ssyncadd.s32 $0xFFFFD800  }
0x40: {  	[tilespmem:s20], [sflag:$0x1] =	stream.indirect.gather [hbm4b:s12+s19], $0x80, s25, s19, $0xb8;
	[tilespmem:$0x1CF80] =	vst v63  }
0x41: {  	_ =	swait.ge [sflag:s21], $0x2800  }
0x42: {  	[sflag:s21] =	ssyncset.done $0x0  }
0x43: {  	[sflag:s21] =	ssyncadd.s32 $0xFFFFD800  }
0x44: {  	[spmem:s1] =	stream.indirect.scatter.add.f32 [tilespmem:s20], [sflag:$0x2], $0x80, s24, s19, $0xb8;
	[tilespmem:$0x1CF80] =	vst v63  }
0x45: {  	_ =	swait.ge [sflag:s16], $0x2800  }
0x46: {  	[sflag:s16] =	ssyncset.done $0x0  }
0x47: {  	[sflag:s16] =	ssyncadd.s32 $0xFFFFD800  }
0x48: {  	[bflag:$0x0] =	sbarrier.arrive $0xFFFF  }
0x49: {  	[hbm:s22], [sflag:s17] =	dma.local [spmem:s18], $0x2800  }
0x4a: {  	_ =	swait.ge [sflag:s16], $0x2800  }
0x4b: {  	[sflag:s16] =	ssyncset.done $0x0  }
0x4c: {  	[sflag:s16] =	ssyncadd.s32 $0xFFFFD800  }
0x4d: {  	[bflag:$0x0] =	sbarrier.arrive $0xFFFF  }
0x4e: {  	[spmem:s18], [sflag:s17] =	dma.local [hbm:s6], $0x2800  }
0x4f: {  	_ =	swait.ge [sflag:s16], $0x2800  }
0x50: {  	[sflag:s16] =	ssyncset.done $0x0  }
0x51: {  	[sflag:s16] =	ssyncadd.s32 $0xFFFFD800  }
0x52: {  	s30 =	simm.s32 $0x0;
	[bflag:$0x0] =	sbarrier.arrive $0xFFFF  }
0x53: {  	[tilespmem:s20], [sflag:$0x1] =	stream.indirect.gather [hbm4b:s13+s19], $0x80, s30, s19, $0xb8;
	[tilespmem:$0x1CF80] =	vst v63  }
0x54: {  	_ =	swait.ge [sflag:s21], $0x2800  }
0x55: {  	[sflag:s21] =	ssyncset.done $0x0  }
0x56: {  	s31 =	simm.s32 $0x2780;
	[sflag:s21] =	ssyncadd.s32 $0xFFFFD800  }
0x57: {  	[spmem:s1] =	stream.indirect.scatter.add.f32 [tilespmem:s20], [sflag:$0x2], $0x80, s31, s19, $0xb8;
	[tilespmem:$0x1CF80] =	vst v63  }
0x58: {  	s26 =	simm.s32 $0x280;
	_ =	swait.ge [sflag:s16], $0x2800  }
0x59: {  	s25 =	simm.s32 $0x140;
	s24 =	simm.s32 $0x2800;
	[sflag:s16] =	ssyncset.done $0x0  }
.LBB2_10:
0x5a: {  	s28 =	sshra.s32 s25, $0x2  }
0x5b: {  	[sflag:s16] =	ssyncadd.s32 $0xFFFFD800;
	s25 =	smov.u32 s26;
	s29 =	sadd.s32 $0x140, s26  }
0x5c: {  	[tilespmem:s20], [sflag:$0x1] =	stream.indirect.gather [hbm4b:s13+s19], $0x80, s28, s19, $0xb8;
	[tilespmem:$0x1CF80] =	vst v63  }
0x5d: {  	p1 =	sne.s32 s26, $0x9B00;
	_ =	swait.ge [sflag:s21], $0x2800  }
.Ltmp4:
0x5e: {  	[sflag:s21] =	ssyncset.done $0x0;
	(pc) =	sbr.rel @p1 .LBB2_10-.Ltmp4, $4  }
0x5f: {  	[sflag:s21] =	ssyncadd.s32 $0xFFFFD800  }
0x60: {  	[spmem:s1] =	stream.indirect.scatter.add.f32 [tilespmem:s20], [sflag:$0x2], $0x80, s24, s19, $0xb8;
	[tilespmem:$0x1CF80] =	vst v63  }
0x61: {  	_ =	swait.ge [sflag:s16], $0x2800  }
0x62: {  	s26 =	smov.u32 s29;
	s24 =	sadd.s32 $0x80, s24;
	[sflag:s16] =	ssyncset.done $0x0  }
.Ltmp5:
0x63: {  	_ = 	snop;
	(pc) =	sbr.rel .LBB2_11-.Ltmp5, $1  }
0x64: {  	_ =	sdelay $0x3  }
.LBB2_2:
0x65: {  	[tilespmem:s20], [sflag:$0x1] =	stream.indirect.gather [hbm4b:s4+s19], $0x80, s25, s19, $0xb8;
	[tilespmem:$0x1CF80] =	vst v63  }
0x66: {  	_ =	swait.ge [sflag:s21], $0x2800  }
0x67: {  	[sflag:s21] =	ssyncset.done $0x0  }
0x68: {  	[sflag:s21] =	ssyncadd.s32 $0xFFFFD800  }
0x69: {  	[spmem:s1] =	stream.indirect.scatter.add.f32 [tilespmem:s20], [sflag:$0x2], $0x80, s24, s19, $0xb8;
	[tilespmem:$0x1CF80] =	vst v63  }
0x6a: {  	s25 =	simm.s32 $0x140;
	_ =	swait.ge [sflag:s16], $0x2800  }
0x6b: {  	s26 =	simm.s32 $0x280;
	s24 =	simm.s32 $0x2800;
	[sflag:s16] =	ssyncset.done $0x0  }
.LBB2_3:
0x6c: {  	s28 =	sshra.s32 s25, $0x2  }
0x6d: {  	[sflag:s16] =	ssyncadd.s32 $0xFFFFD800;
	s25 =	smov.u32 s26;
	s29 =	sadd.s32 $0x140, s26  }
0x6e: {  	[tilespmem:s20], [sflag:$0x1] =	stream.indirect.gather [hbm4b:s4+s19], $0x80, s28, s19, $0xb8;
	[tilespmem:$0x1CF80] =	vst v63  }
0x6f: {  	p1 =	sne.s32 s26, $0x9B00;
	_ =	swait.ge [sflag:s21], $0x2800  }
.Ltmp6:
0x70: {  	[sflag:s21] =	ssyncset.done $0x0;
	(pc) =	sbr.rel @p1 .LBB2_3-.Ltmp6, $4  }
0x71: {  	[sflag:s21] =	ssyncadd.s32 $0xFFFFD800  }
0x72: {  	[spmem:s1] =	stream.indirect.scatter.add.f32 [tilespmem:s20], [sflag:$0x2], $0x80, s24, s19, $0xb8;
	[tilespmem:$0x1CF80] =	vst v63  }
0x73: {  	_ =	swait.ge [sflag:s16], $0x2800  }
0x74: {  	s26 =	smov.u32 s29;
	s24 =	sadd.s32 $0x80, s24;
	[sflag:s16] =	ssyncset.done $0x0  }
0x75: {  	s25 =	sshra.s32 s25, $0x2;
	[sflag:s16] =	ssyncadd.s32 $0xFFFFD800  }
0x76: {  	[tilespmem:s20], [sflag:$0x1] =	stream.indirect.gather [hbm4b:s4+s19], $0x80, s25, s19, $0xb8;
	[tilespmem:$0x1CF80] =	vst v63  }
0x77: {  	_ =	swait.ge [sflag:s21], $0x2800  }
0x78: {  	[sflag:s21] =	ssyncset.done $0x0  }
0x79: {  	[sflag:s21] =	ssyncadd.s32 $0xFFFFD800  }
0x7a: {  	[spmem:s1] =	stream.indirect.scatter.add.f32 [tilespmem:s20], [sflag:$0x2], $0x80, s24, s19, $0xb8;
	[tilespmem:$0x1CF80] =	vst v63  }
0x7b: {  	_ =	swait.ge [sflag:s16], $0x2800  }
0x7c: {  	[sflag:s16] =	ssyncset.done $0x0  }
0x7d: {  	[sflag:s16] =	ssyncadd.s32 $0xFFFFD800  }
0x7e: {  	[bflag:$0x0] =	sbarrier.arrive $0xFFFF  }
0x7f: {  	[hbm:s9], [sflag:s17] =	dma.local [spmem:s18], $0x2800  }
0x80: {  	_ =	swait.ge [sflag:s16], $0x2800  }
0x81: {  	[sflag:s16] =	ssyncset.done $0x0  }
0x82: {  	[sflag:s16] =	ssyncadd.s32 $0xFFFFD800  }
0x83: {  	[bflag:$0x0] =	sbarrier.arrive $0xFFFF  }
0x84: {  	[spmem:s18], [sflag:s17] =	dma.local [hbm:s6], $0x2800  }
0x85: {  	_ =	swait.ge [sflag:s16], $0x2800  }
0x86: {  	[sflag:s16] =	ssyncset.done $0x0  }
0x87: {  	[sflag:s16] =	ssyncadd.s32 $0xFFFFD800  }
0x88: {  	s30 =	simm.s32 $0x0;
	[bflag:$0x0] =	sbarrier.arrive $0xFFFF  }
0x89: {  	[tilespmem:s20], [sflag:$0x1] =	stream.indirect.gather [hbm4b:s10+s19], $0x80, s30, s19, $0xb8;
	[tilespmem:$0x1CF80] =	vst v63  }
0x8a: {  	_ =	swait.ge [sflag:s21], $0x2800  }
0x8b: {  	[sflag:s21] =	ssyncset.done $0x0  }
0x8c: {  	s31 =	simm.s32 $0x2780;
	[sflag:s21] =	ssyncadd.s32 $0xFFFFD800  }
0x8d: {  	[spmem:s1] =	stream.indirect.scatter.add.f32 [tilespmem:s20], [sflag:$0x2], $0x80, s31, s19, $0xb8;
	[tilespmem:$0x1CF80] =	vst v63  }
0x8e: {  	s26 =	simm.s32 $0x280;
	_ =	swait.ge [sflag:s16], $0x2800  }
0x8f: {  	s25 =	simm.s32 $0x140;
	s24 =	simm.s32 $0x2800;
	[sflag:s16] =	ssyncset.done $0x0  }
.LBB2_5:
0x90: {  	s28 =	sshra.s32 s25, $0x2  }
0x91: {  	[sflag:s16] =	ssyncadd.s32 $0xFFFFD800;
	s25 =	smov.u32 s26;
	s29 =	sadd.s32 $0x140, s26  }
0x92: {  	[tilespmem:s20], [sflag:$0x1] =	stream.indirect.gather [hbm4b:s10+s19], $0x80, s28, s19, $0xb8;
	[tilespmem:$0x1CF80] =	vst v63  }
0x93: {  	p1 =	seq.s32 s26, $0x9B00;
	_ =	swait.ge [sflag:s21], $0x2800  }
.Ltmp7:
0x94: {  	[sflag:s21] =	ssyncset.done $0x0;
	(pc) =	sbr.rel @!p1 .LBB2_5-.Ltmp7, $4  }
0x95: {  	[sflag:s21] =	ssyncadd.s32 $0xFFFFD800  }
0x96: {  	[spmem:s1] =	stream.indirect.scatter.add.f32 [tilespmem:s20], [sflag:$0x2], $0x80, s24, s19, $0xb8;
	[tilespmem:$0x1CF80] =	vst v63  }
0x97: {  	_ =	swait.ge [sflag:s16], $0x2800  }
0x98: {  	s26 =	smov.u32 s29;
	s24 =	sadd.s32 $0x80, s24;
	[sflag:s16] =	ssyncset.done $0x0  }
0x99: {  	s25 =	sshra.s32 s25, $0x2;
	[sflag:s16] =	ssyncadd.s32 $0xFFFFD800  }
0x9a: {  	[tilespmem:s20], [sflag:$0x1] =	stream.indirect.gather [hbm4b:s10+s19], $0x80, s25, s19, $0xb8;
	[tilespmem:$0x1CF80] =	vst v63  }
0x9b: {  	_ =	swait.ge [sflag:s21], $0x2800  }
0x9c: {  	[sflag:s21] =	ssyncset.done $0x0  }
.Ltmp8:
0x9d: {  	[sflag:s21] =	ssyncadd.s32 $0xFFFFD800;
	(pc) =	sbr.rel .LBB2_12-.Ltmp8, $4  }
0x9e: {  	[spmem:s1] =	stream.indirect.scatter.add.f32 [tilespmem:s20], [sflag:$0x2], $0x80, s24, s19, $0xb8;
	[tilespmem:$0x1CF80] =	vst v63  }
0x9f: {  	_ =	swait.ge [sflag:s16], $0x2800  }
0xa0: {  	[sflag:s16] =	ssyncset.done $0x0  }
0xa1: {  	s24 =	smov.u32 s11;
	[sflag:s16] =	ssyncadd.s32 $0xFFFFD800  }
.LBB2_13:
0xa2: {  	_ =	sfence.sel $0x180000  }
0xa3: {  	[bflag:$0x0] =	sbarrier.arrive $0xFFFF  }
0xa4: {  	p0 =	sne.s32 s2, $0x0;
	_ =	strace $0x9000004A  }
0xa5: {  	s0 =	sadd.s32 @!p0 $0x100000, s0;
	[bflag:$0x2] =	sbarrier.arrive $0xFFFF  }
0xa6: {  	[sflag:s0] =	ssyncadd.tile.s32 @!p0 $0x1;
	_ =	shalt  }
.Lfunc_end2:
_tile_overlayer_lowered:
.L_overlay_start_2:
0xa7: {  	(tag) =	ssettag $0x2  }
0xa8: {  	s0 =	rddreg [dreg:$0x0];
	s2 =	stileid.u32  }
0xa9: {  	s1 =	rddreg [dreg:$0x1];
	p0 =	sne.s32 s2, $0x0  }
0xaa: {  	s3 =	rddreg [dreg:$0x2];
	[bflag:$0x3] =	sbarrier.arrive $0xFFFF;
	s2 =	simm.s32 @!p0 $0x1C02  }
0xab: {  	[timem:s3], [sflag:s2] =	dma.local @!p0 [hbm:s0], s1  }
0xac: {  	s0 =	simm.s32 @!p0 $0x2  }
0xad: {  	_ =	swait.ge @!p0 [sflag:s0], s1  }
0xae: {  	s1 =	ssub.s32 @!p0 $0x0, s1;
	[sflag:s0] =	ssyncset.done @!p0 $0x0  }
0xaf: {  	[sflag:s0] =	ssyncadd.s32 @!p0 s1  }
0xb0: {  	[bflag:$0x3] =	sbarrier.arrive $0xFFFF  }
0xb1: {  	_ =	shalt  }

// kernel: kernel.14.cloned.1.call-start
scs
__scs_entry_jumppad:
0x0: {  	(pc) =	sbr.rel $0x88, $3  }
0x1: {  	(tag) =	ssettag $0x0;
	lr =	simm.s32 $0x1  }
0x2: {  	[smem:$0x3F8F] =	sst lr;
	_ =	strace $0xD0000000  }
0x3: {  	_ = 	snop  }
0x4: {  	_ = 	snop  }
0x5: {  	_ = 	snop  }
0x6: {  	_ = 	snop  }
0x7: {  	_ = 	snop  }
__scs_overlays_trampoline_lowered:
0x8: {  	[smem:$0x3F9E] =	sst s0  }
0x9: {  	[smem:$0x3F9F] =	sst s1  }
0xa: {  	[smem:$0x3FA0] =	sst s2  }
0xb: {  	[smem:$0x3FA1] =	sst s3  }
0xc: {  	[smem:$0x3FA2] =	sst s4  }
0xd: {  	[smem:$0x3FA3] =	sst s5  }
0xe: {  	[smem:$0x3FA4] =	sst s6  }
0xf: {  	[smem:$0x3FA5] =	sst s7  }
0x10: {  	[smem:$0x3FA6] =	sst s8  }
0x11: {  	[smem:$0x3FA7] =	sst s9;
	s0 =	simm.s32 @!p0 $0x0  }
0x12: {  	s1 =	sld [smem:$0x3F8D];
	s0 =	simm.s32 @p0 $0x1  }
0x13: {  	[smem:$0x3FA8] =	sst s0;
	s0 =	simm.s32 @!p1 $0x0  }
0x14: {  	s2 =	sld [smem:$0x3F8C];
	s0 =	simm.s32 @p1 $0x1  }
0x15: {  	[smem:$0x3FA9] =	sst s0;
	s0 =	simm.s32 @!p2 $0x0  }
0x16: {  	s3 =	sld [smem:$0x3FDB];
	s0 =	simm.s32 @p2 $0x1  }
0x17: {  	s4 =	simm.s32 $0x1BF5;
	[smem:$0x3FAB] =	sst s0  }
0x18: {  	s0 =	sld [smem:$0x3F8E];
	_ =	swait.ge [sflag:s4], $0x0  }
0x19: {  	s7 =	sld [smem:$0x3F8F]  }
0x1a: {  	s8 =	sadd.s32 $0xFFFFE003, lr  }
0x1b: {  	s9 =	sadd.s32 $0xFFFFFEF7, lr;
	s5 =	simm.s32 $0xFFFFFFFF;
	p2 =	slt.u32 s8, $0xFFFFF086  }
0x1c: {  	p1 =	slt.u32 s9, $0xF7A;
	s5 =	simm.s32 @!p2 $0x0  }
0x1d: {  	s5 =	simm.s32 @p1 $0x1;
	p0 =	seq.s32 s7, s2  }
0x1e: {  	s7 =	smul.u32 @!p0 $0xF7A, s2;
	p2 =	seq.s32 @!p0 s5, $0x0  }
0x1f: {  	s9 =	smul.u32 $0xF7A, s1;
	s8 =	simm.s32 @!p0 $0x1BF5;
	p2 =	por !p2, p0  }
0x20: {  	[sflag:s8] =	ssyncset.s32 @!p0 $0xFFFFF086;
	s6 =	sadd.s32 @!p0 s3, s7;
	s7 =	simm.s32 @!p0 $0x108  }
0x21: {  	s3 =	sadd.s32 s3, s9;
	s6 =	sadd.s32 @!p0 $0x88, s6;
	s7 =	simm.s32 @p2 $0x1082  }
0x22: {  	[simem:s7], [sflag:s8] =	dma.local @!p0 [hbm:s6], $0xF7A  }
0x23: {  	s9 =	sor.u32 $0xD0000000, s2;
	s6 =	simm.s32 $0x108;
	_ =	swait.ge @!p0 [sflag:s8], $0x0  }
0x24: {  	s3 =	sadd.s32 $0x88, s3;
	s6 =	simm.s32 @!p1 $0x1082;
	[sflag:s4] =	ssyncset.s32 $0xFFFFF086  }
0x25: {  	[simem:s6], [sflag:s4] =	dma.local [hbm:s3], $0xF7A  }
0x26: {  	[smem:$0x3F8F] =	sst s1;
	(tag) =	ssettag s2;
	_ =	strace s9  }
0x27: {  	s1 =	sld [smem:$0x3F9F]  }
0x28: {  	s2 =	sld [smem:$0x3FA0]  }
0x29: {  	s4 =	sld [smem:$0x3FA2]  }
0x2a: {  	p0 =	seq.s32 s5, $0x0;
	s5 =	sld [smem:$0x3FA3]  }
0x2b: {  	s6 =	sld [smem:$0x3FA4]  }
0x2c: {  	s7 =	sld [smem:$0x3FA5]  }
0x2d: {  	s3 =	simm.s32 $0x108;
	s8 =	sld [smem:$0x3FA6]  }
0x2e: {  	s3 =	simm.s32 @!p0 $0x1082;
	s9 =	sld [smem:$0x3FA7]  }
0x2f: {  	lr =	sadd.s32 s0, s3;
	s0 =	sld [smem:$0x3F9E]  }
0x30: {  	s3 =	sld [smem:$0x3FA1]  }
0x31: {  	[smem:$0x3FAA] =	sst s10  }
0x32: {  	s10 =	sld [smem:$0x3FA8];
	_ =	sdelay $0x3  }
0x33: {  	p0 =	seq.s32 s10, $0x1;
	s10 =	sld [smem:$0x3FAA];
	_ =	sdelay $0x3  }
0x34: {  	[smem:$0x3FAA] =	sst s10  }
0x35: {  	s10 =	sld [smem:$0x3FA9];
	_ =	sdelay $0x3  }
0x36: {  	p1 =	seq.s32 s10, $0x1;
	s10 =	sld [smem:$0x3FAA];
	_ =	sdelay $0x3  }
0x37: {  	[smem:$0x3FAA] =	sst s10  }
0x38: {  	s10 =	sld [smem:$0x3FAB]  }
0x39: {  	_ = 	snop;
	(pc) =	sbr.ind lr, $3  }
0x3a: {  	_ = 	snop  }
0x3b: {  	_ = 	snop  }
0x3c: {  	p2 =	seq.s32 s10, $0x1;
	s10 =	sld [smem:$0x3FAA]  }
0x3d: {  	_ =	shalt  }
0x3e: {  	_ =	shalt  }
0x3f: {  	_ =	shalt  }
0x40: {  	_ =	shalt  }
0x41: {  	_ =	shalt  }
0x42: {  	_ =	shalt  }
0x43: {  	_ =	shalt  }
0x44: {  	_ =	shalt  }
0x45: {  	_ =	shalt  }
0x46: {  	_ =	shalt  }
0x47: {  	_ =	shalt  }
0x48: {  	_ =	shalt  }
0x49: {  	_ =	shalt  }
0x4a: {  	_ =	shalt  }
0x4b: {  	_ =	shalt  }
0x4c: {  	_ =	shalt  }
0x4d: {  	_ =	shalt  }
0x4e: {  	_ =	shalt  }
0x4f: {  	_ =	shalt  }
0x50: {  	_ =	shalt  }
0x51: {  	_ =	shalt  }
0x52: {  	_ =	shalt  }
0x53: {  	_ =	shalt  }
0x54: {  	_ =	shalt  }
0x55: {  	_ =	shalt  }
0x56: {  	_ =	shalt  }
0x57: {  	_ =	shalt  }
0x58: {  	_ =	shalt  }
0x59: {  	_ =	shalt  }
0x5a: {  	_ =	shalt  }
0x5b: {  	_ =	shalt  }
0x5c: {  	_ =	shalt  }
0x5d: {  	_ =	shalt  }
0x5e: {  	_ =	shalt  }
0x5f: {  	_ =	shalt  }
0x60: {  	_ =	shalt  }
0x61: {  	_ =	shalt  }
0x62: {  	_ =	shalt  }
0x63: {  	_ =	shalt  }
0x64: {  	_ =	shalt  }
0x65: {  	_ =	shalt  }
0x66: {  	_ =	shalt  }
0x67: {  	_ =	shalt  }
0x68: {  	_ =	shalt  }
0x69: {  	_ =	shalt  }
0x6a: {  	_ =	shalt  }
0x6b: {  	_ =	shalt  }
0x6c: {  	_ =	shalt  }
0x6d: {  	_ =	shalt  }
0x6e: {  	_ =	shalt  }
0x6f: {  	_ =	shalt  }
0x70: {  	_ =	shalt  }
0x71: {  	_ =	shalt  }
0x72: {  	_ =	shalt  }
0x73: {  	_ =	shalt  }
0x74: {  	_ =	shalt  }
0x75: {  	_ =	shalt  }
0x76: {  	_ =	shalt  }
0x77: {  	_ =	shalt  }
0x78: {  	_ =	shalt  }
0x79: {  	_ =	shalt  }
0x7a: {  	_ =	shalt  }
0x7b: {  	_ =	shalt  }
0x7c: {  	_ =	shalt  }
0x7d: {  	_ =	shalt  }
0x7e: {  	_ =	shalt  }
0x7f: {  	_ =	shalt  }
0x80: {  	_ =	shalt  }
0x81: {  	_ =	shalt  }
0x82: {  	_ =	shalt  }
0x83: {  	_ =	shalt  }
0x84: {  	_ =	shalt  }
0x85: {  	_ =	shalt  }
0x86: {  	_ =	shalt  }
0x87: {  	_ =	shalt  }
.Lfunc_end0:
.L_simem_size_0:
called_computation.2_lowered:
.L_overlay_start_0:
0x88: {  	s2 =	sld [smem:$0x3FD9]  }
0x89: {  	s3 =	sld [smem:$0x3FFE];
	_ =	sdelay $0x1  }
0x8a: {  	s1 =	srdreg.scid  }
0x8b: {  	s0 =	sand.u32 $0x1, s1  }
0x8c: {  	s16 =	sshll.u32 s0, $0xA;
	s2 =	sadd.s32 s3, s2  }
0x8d: {  	s2 =	sadd.s32 s2, s16  }
0x8e: {  	[smem:$0x3FB6] =	sst s2  }
0x8f: {  	_ = 	snop  }
0x90: {  	(tm) =	ssettm $0x1  }
0x91: {  	s17 =	sld [smem:$0x3FFB];
	_ =	sdelay $0x3  }
0x92: {  	_ =	strace s17  }
0x93: {  	s2 =	sld [smem:$0x3FFC];
	_ =	sdelay $0x3  }
0x94: {  	_ =	strace s2  }
0x95: {  	s2 =	sld [smem:$0x3FFD];
	_ =	sdelay $0x3  }
0x96: {  	_ =	strace s2  }
0x97: {  	_ =	strace $0x8FFFFFFF  }
0x98: {  	s18 =	sld [smem:$0x3FDB];
	_ =	sdelay $0x1  }
0x99: {  	s19 =	simm.s32 $_scs_section_size  }
0x9a: {  	s4 =	simm.s32 $_size__tile_overlayer_lowered;
	s5 =	simm.s32 $_tile_overlayer_lowered  }
0x9b: {  	s22 =	simm.s32 $0x1BFF;
	s21 =	sshll.u32 s5, $0x1;
	s2 =	sadd.s32 s19, s18  }
0x9c: {  	s6 =	simm.s32 $0x0;
	s20 =	sshll.u32 s4, $0x1;
	s4 =	sadd.s32 s21, s2  }
0x9d: {  	[timem:s6], [sflag:s22] =	dma.local [hbm:s4], s20  }
0x9e: {  	_ =	swait.ge [sflag:s22], s20  }
0x9f: {  	s3 =	ssub.s32 $0x0, s20;
	[sflag:s22] =	ssyncset.done $0x0  }
0xa0: {  	[sflag:s22] =	ssyncadd.s32 s3;
	_ =	sdelay $0x1  }
0xa1: {  	s23 =	simm.s32 $0x1B8B  }
0xa2: {  	_ =	swait.ge [sflag:s23], $0x1  }
0xa3: {  	[sflag:s23] =	ssyncset.done $0x0  }
0xa4: {  	s25 =	simm.s32 $0x1B8E;
	s24 =	sld [smem:$0x3FFE];
	[sflag:s23] =	ssyncadd.s32 $0xFFFFFFFF  }
0xa5: {  	s26 =	simm.s32 $execute0_lowered;
	[smem:$0x3FD2] =	sst s25  }
0xa6: {  	s4 =	sshll.u32 s26, $0x1;
	_ =	strace $0x8000004C;
	[dreg:$0x1] =	wrdreg $0xFFFFFFFF  }
0xa7: {  	s28 =	simm.s32 $_size_execute0_lowered;
	s2 =	sadd.s32 s2, s4;
	[dreg:$0x0] =	wrdreg $0x0  }
0xa8: {  	s4 =	sshll.u32 s28, $0x1;
	[dreg:$0x2] =	wrdreg s2  }
0xa9: {  	[dreg:$0x3] =	wrdreg s4  }
0xaa: {  	[dreg:$0x4] =	wrdreg $0xC0  }
0xab: {  	_ =	task [dreg:s6], $0x5FFFF  }
0xac: {  	[dreg:$0x1] =	wrdreg $0xFFFFFFFF  }
0xad: {  	[dreg:$0x0] =	wrdreg $0x60  }
0xae: {  	[dreg:$0x2] =	wrdreg s24  }
0xaf: {  	[dreg:$0x3] =	wrdreg $0x8F800  }
0xb0: {  	[dreg:$0x4] =	wrdreg $0x9  }
0xb1: {  	_ =	task.clear_ibuf [dreg:s6], $0x5FFFF;
	_ =	strace $0x9000004C  }
0xb2: {  	s29 =	simm.s32 $0x9;
	_ =	strace $0x8000004E  }
0xb3: {  	_ =	swait.ge [sflag:s29], $0x1  }
0xb4: {  	[sflag:s29] =	ssyncadd.s32 $0xFFFFFFFF  }
0xb5: {  	_ =	strace $0x9000004E  }
0xb6: {  	_ =	sfence  }
0xb7: {  	s30 =	sld [smem:$0x0];
	_ =	sdelay $0x2  }
0xb8: {  	s31 =	sshll.u32 s1, $0xD;
	s1 =	sshrl.u32 s1, $0x2  }
0xb9: {  	s3 =	sand.u32 $0x4000, s31;
	s1 =	sadd.s32 s1, s30  }
0xba: {  	s0 =	sor.u32 s3, s0;
	s1 =	sshll.u32 s1, $0x11  }
0xbb: {  	s0 =	sor.u32 s1, s0  }
0xbc: {  	s0 =	sadd.s32 $0x8F2B, s0  }
0xbd: {  	[sflag:s0] =	ssyncadd.remote.s32 $0x1  }
0xbe: {  	_ =	sfence.sel $0xFFFF  }
0xbf: {  	[dreg:$0x0] =	wrdreg $0xFFFFFFFF;
	(pc) =	sbr.abs _section_cstart, $3  }
0xc0: {  	[dreg:$0x1] =	wrdreg $0xFFFFFFFF  }
0xc1: {  	_ =	task.clear_ibuf [dreg:s6], $0x2FFFF;
	_ =	strace $0x9FFFFFFF  }
0xc2: {  	(tm) =	ssettm $0x7FFFFFFF  }
0xc3: {  	_ =	shalt  }
tec
execute0_lowered:
.L_overlay_start_1:
0x0: {  	(tag) =	ssettag $0x1  }
0x1: {  	s14 =	rddreg [dreg:$0x0]  }
0x2: {  	s1 =	rddreg [dreg:$0x1]  }
0x3: {  	s0 =	rddreg [dreg:$0x2];
	s3 =	simm.s32 $0x0;
	s2 =	stileid.u32  }
0x4: {  	s7 =	srdreg.scid;
	s16 =	simm.s32 $0x2;
	s19 =	simm.s32 $0x50  }
0x5: {  	s20 =	simm.s32 $0x6780;
	s21 =	simm.s32 $0x1;
	s6 =	smul.u32 $0x4E2, s2  }
0x6: {  	s23 =	simm.s32 $0x0;
	[smem:$0x7FF] =	sst s3;
	s5 =	smul.u32 $0x2800, s2  }
0x7: {  	s4 =	sadd.s32 $0x109400, s14;
	s8 =	sshll.u32 s2, $0xB;
	s30 =	smul.u32 $0x50000, s2  }
0x8: {  	s9 =	sand.u32 $0x1, s7;
	s22 =	sadd.s32 $0x1F5800, s14;
	s13 =	sadd.s32 $0x17E700, s14  }
0x9: {  	s17 =	sshll.u32 s2, $0x6;
	_ =	strace $0x8000004D;
	s8 =	sadd.s32 s8, s14  }
0xa: {  	s10 =	ssub.s32 $0x2, s9;
	p0 =	seq.s32 s9, $0x1;
	s17 =	sor.u32 $0x1C02, s17  }
0xb: {  	s29 =	sadd.s32 s6, s14;
	s6 =	sadd.s32 $0x66600, s14;
	s11 =	sadd.s32 s5, s14  }
.Ltmp0:
0xc: {  	s12 =	sshrl.u32 s10, $0x1;
	s8 =	sadd.s32 $0x10400, s8;
	(pc) =	sbr.rel .LBB2_1-.Ltmp0, $4  }
0xd: {  	s31 =	sshrl.u32 s30, $0x2;
	s22 =	sadd.s32 s5, s22;
	s7 =	sadd.s32 $0x3400, s29  }
0xe: {  	s15 =	ssub.s32 s10, s12;
	s9 =	sadd.s32 $0x1A5800, s11;
	s10 =	sadd.s32 $0x130500, s14  }
0xf: {  	s11 =	sadd.s32 $0x1CD800, s14;
	s18 =	sadd.s32 s31, s1;
	s12 =	sadd.s32 $0x157600, s14  }
0x10: {  	s14 =	sadd.s32 $0x21D800, s14;
	s15 =	smax.u32 s15, $0x1;
	s18 =	sshrl.u32 s18, $0x3  }
.LBB2_11:
0x11: {  	s25 =	sshra.s32 s25, $0x2;
	[sflag:s16] =	ssyncadd.s32 $0xFFFFD800  }
0x12: {  	[tilespmem:s20], [sflag:$0x1] =	stream.indirect.gather [hbm4b:s13+s19], $0x80, s25, s19, $0xb8;
	[tilespmem:$0x1CF80] =	vst v63  }
0x13: {  	_ =	swait.ge [sflag:s21], $0x2800  }
0x14: {  	[sflag:s21] =	ssyncset.done $0x0  }
0x15: {  	[sflag:s21] =	ssyncadd.s32 $0xFFFFD800  }
0x16: {  	[spmem:s1] =	stream.indirect.scatter.add.f32 [tilespmem:s20], [sflag:$0x2], $0x80, s24, s19, $0xb8;
	[tilespmem:$0x1CF80] =	vst v63  }
0x17: {  	_ =	swait.ge [sflag:s16], $0x2800  }
0x18: {  	[sflag:s16] =	ssyncset.done $0x0  }
0x19: {  	s24 =	smov.u32 s14;
	[sflag:s16] =	ssyncadd.s32 $0xFFFFD800  }
.LBB2_12:
0x1a: {  	[bflag:$0x0] =	sbarrier.arrive $0xFFFF;
	s24 =	sadd.s32 s5, s24;
	s23 =	sadd.s32 $0x1, s23  }
0x1b: {  	[hbm:s24], [sflag:s17] =	dma.local [spmem:s18], $0x2800  }
0x1c: {  	p1 =	sne.s32 s23, s15  }
.Ltmp1:
0x1d: {  	_ =	swait.ge [sflag:s16], $0x2800;
	(pc) =	sbr.rel @!p1 .LBB2_13-.Ltmp1, $3  }
0x1e: {  	[sflag:s16] =	ssyncset.done $0x0  }
0x1f: {  	[sflag:s16] =	ssyncadd.s32 $0xFFFFD800  }
0x20: {  	[bflag:$0x0] =	sbarrier.arrive $0xFFFF;
	_ =	sdelay $0x1  }
.LBB2_1:
0x21: {  	[tilespmem:s3], [sflag:$0x2] =	stream.linear.gather [hbm4b:s7+s3], $0x2710, $0x38;
	[tilespmem:$0x1CF80] =	vst v63  }
0x22: {  	_ =	swait.ge [sflag:s16], $0x2710  }
0x23: {  	[sflag:s16] =	ssyncset.done $0x0  }
0x24: {  	s24 =	simm.s32 $0x2780;
	[sflag:s16] =	ssyncadd.s32 $0xFFFFD8F0  }
0x25: {  	[tilespmem:s24], [sflag:$0x2] =	stream.linear.gather [hbm4b:s8+s3], $0x4000, $0x38;
	[tilespmem:$0x1CF80] =	vst v63  }
0x26: {  	_ =	swait.ge [sflag:s16], $0x4000  }
0x27: {  	[sflag:s16] =	ssyncset.done $0x0  }
0x28: {  	[sflag:s16] =	ssyncadd.s32 $0xFFFFC000  }
0x29: {  	[spmem:s18], [sflag:s17] =	dma.local [hbm:s6], $0x2800  }
.Ltmp2:
0x2a: {  	_ =	swait.ge [sflag:s16], $0x2800;
	(pc) =	sbr.rel @!p0 .LBB2_2-.Ltmp2, $4  }
0x2b: {  	[sflag:s16] =	ssyncset.done $0x0  }
0x2c: {  	[sflag:s16] =	ssyncadd.s32 $0xFFFFD800  }
0x2d: {  	[bflag:$0x0] =	sbarrier.arrive $0xFFFF  }
0x2e: {  	s25 =	simm.s32 $0x0  }
0x2f: {  	[tilespmem:s20], [sflag:$0x1] =	stream.indirect.gather [hbm4b:s12+s19], $0x80, s25, s19, $0xb8;
	[tilespmem:$0x1CF80] =	vst v63  }
0x30: {  	_ =	swait.ge [sflag:s21], $0x2800  }
0x31: {  	[sflag:s21] =	ssyncset.done $0x0  }
0x32: {  	[sflag:s21] =	ssyncadd.s32 $0xFFFFD800  }
0x33: {  	[spmem:s1] =	stream.indirect.scatter.add.f32 [tilespmem:s20], [sflag:$0x2], $0x80, s24, s19, $0xb8;
	[tilespmem:$0x1CF80] =	vst v63  }
0x34: {  	s25 =	simm.s32 $0x140;
	_ =	swait.ge [sflag:s16], $0x2800  }
0x35: {  	s26 =	simm.s32 $0x280;
	s24 =	simm.s32 $0x2800;
	[sflag:s16] =	ssyncset.done $0x0  }
.LBB2_8:
0x36: {  	s28 =	sshra.s32 s25, $0x2  }
0x37: {  	[sflag:s16] =	ssyncadd.s32 $0xFFFFD800;
	s25 =	smov.u32 s26;
	s29 =	sadd.s32 $0x140, s26  }
0x38: {  	[tilespmem:s20], [sflag:$0x1] =	stream.indirect.gather [hbm4b:s12+s19], $0x80, s28, s19, $0xb8;
	[tilespmem:$0x1CF80] =	vst v63  }
0x39: {  	p1 =	sne.s32 s26, $0x9B00;
	_ =	swait.ge [sflag:s21], $0x2800  }
.Ltmp3:
0x3a: {  	[sflag:s21] =	ssyncset.done $0x0;
	(pc) =	sbr.rel @p1 .LBB2_8-.Ltmp3, $4  }
0x3b: {  	[sflag:s21] =	ssyncadd.s32 $0xFFFFD800  }
0x3c: {  	[spmem:s1] =	stream.indirect.scatter.add.f32 [tilespmem:s20], [sflag:$0x2], $0x80, s24, s19, $0xb8;
	[tilespmem:$0x1CF80] =	vst v63  }
0x3d: {  	_ =	swait.ge [sflag:s16], $0x2800  }
0x3e: {  	s26 =	smov.u32 s29;
	s24 =	sadd.s32 $0x80, s24;
	[sflag:s16] =	ssyncset.done $0x0  }
0x3f: {  	s25 =	sshra.s32 s25, $0x2;
	[sflag:s16] =	ssyncadd.s32 $0xFFFFD800  }
0x40: {  	[tilespmem:s20], [sflag:$0x1] =	stream.indirect.gather [hbm4b:s12+s19], $0x80, s25, s19, $0xb8;
	[tilespmem:$0x1CF80] =	vst v63  }
0x41: {  	_ =	swait.ge [sflag:s21], $0x2800  }
0x42: {  	[sflag:s21] =	ssyncset.done $0x0  }
0x43: {  	[sflag:s21] =	ssyncadd.s32 $0xFFFFD800  }
0x44: {  	[spmem:s1] =	stream.indirect.scatter.add.f32 [tilespmem:s20], [sflag:$0x2], $0x80, s24, s19, $0xb8;
	[tilespmem:$0x1CF80] =	vst v63  }
0x45: {  	_ =	swait.ge [sflag:s16], $0x2800  }
0x46: {  	[sflag:s16] =	ssyncset.done $0x0  }
0x47: {  	[sflag:s16] =	ssyncadd.s32 $0xFFFFD800  }
0x48: {  	[bflag:$0x0] =	sbarrier.arrive $0xFFFF  }
0x49: {  	[hbm:s22], [sflag:s17] =	dma.local [spmem:s18], $0x2800  }
0x4a: {  	_ =	swait.ge [sflag:s16], $0x2800  }
0x4b: {  	[sflag:s16] =	ssyncset.done $0x0  }
0x4c: {  	[sflag:s16] =	ssyncadd.s32 $0xFFFFD800  }
0x4d: {  	[bflag:$0x0] =	sbarrier.arrive $0xFFFF  }
0x4e: {  	[spmem:s18], [sflag:s17] =	dma.local [hbm:s6], $0x2800  }
0x4f: {  	_ =	swait.ge [sflag:s16], $0x2800  }
0x50: {  	[sflag:s16] =	ssyncset.done $0x0  }
0x51: {  	[sflag:s16] =	ssyncadd.s32 $0xFFFFD800  }
0x52: {  	s30 =	simm.s32 $0x0;
	[bflag:$0x0] =	sbarrier.arrive $0xFFFF  }
0x53: {  	[tilespmem:s20], [sflag:$0x1] =	stream.indirect.gather [hbm4b:s13+s19], $0x80, s30, s19, $0xb8;
	[tilespmem:$0x1CF80] =	vst v63  }
0x54: {  	_ =	swait.ge [sflag:s21], $0x2800  }
0x55: {  	[sflag:s21] =	ssyncset.done $0x0  }
0x56: {  	s31 =	simm.s32 $0x2780;
	[sflag:s21] =	ssyncadd.s32 $0xFFFFD800  }
0x57: {  	[spmem:s1] =	stream.indirect.scatter.add.f32 [tilespmem:s20], [sflag:$0x2], $0x80, s31, s19, $0xb8;
	[tilespmem:$0x1CF80] =	vst v63  }
0x58: {  	s26 =	simm.s32 $0x280;
	_ =	swait.ge [sflag:s16], $0x2800  }
0x59: {  	s25 =	simm.s32 $0x140;
	s24 =	simm.s32 $0x2800;
	[sflag:s16] =	ssyncset.done $0x0  }
.LBB2_10:
0x5a: {  	s28 =	sshra.s32 s25, $0x2  }
0x5b: {  	[sflag:s16] =	ssyncadd.s32 $0xFFFFD800;
	s25 =	smov.u32 s26;
	s29 =	sadd.s32 $0x140, s26  }
0x5c: {  	[tilespmem:s20], [sflag:$0x1] =	stream.indirect.gather [hbm4b:s13+s19], $0x80, s28, s19, $0xb8;
	[tilespmem:$0x1CF80] =	vst v63  }
0x5d: {  	p1 =	sne.s32 s26, $0x9B00;
	_ =	swait.ge [sflag:s21], $0x2800  }
.Ltmp4:
0x5e: {  	[sflag:s21] =	ssyncset.done $0x0;
	(pc) =	sbr.rel @p1 .LBB2_10-.Ltmp4, $4  }
0x5f: {  	[sflag:s21] =	ssyncadd.s32 $0xFFFFD800  }
0x60: {  	[spmem:s1] =	stream.indirect.scatter.add.f32 [tilespmem:s20], [sflag:$0x2], $0x80, s24, s19, $0xb8;
	[tilespmem:$0x1CF80] =	vst v63  }
0x61: {  	_ =	swait.ge [sflag:s16], $0x2800  }
0x62: {  	s26 =	smov.u32 s29;
	s24 =	sadd.s32 $0x80, s24;
	[sflag:s16] =	ssyncset.done $0x0  }
.Ltmp5:
0x63: {  	_ = 	snop;
	(pc) =	sbr.rel .LBB2_11-.Ltmp5, $1  }
0x64: {  	_ =	sdelay $0x3  }
.LBB2_2:
0x65: {  	[tilespmem:s20], [sflag:$0x1] =	stream.indirect.gather [hbm4b:s4+s19], $0x80, s25, s19, $0xb8;
	[tilespmem:$0x1CF80] =	vst v63  }
0x66: {  	_ =	swait.ge [sflag:s21], $0x2800  }
0x67: {  	[sflag:s21] =	ssyncset.done $0x0  }
0x68: {  	[sflag:s21] =	ssyncadd.s32 $0xFFFFD800  }
0x69: {  	[spmem:s1] =	stream.indirect.scatter.add.f32 [tilespmem:s20], [sflag:$0x2], $0x80, s24, s19, $0xb8;
	[tilespmem:$0x1CF80] =	vst v63  }
0x6a: {  	s25 =	simm.s32 $0x140;
	_ =	swait.ge [sflag:s16], $0x2800  }
0x6b: {  	s26 =	simm.s32 $0x280;
	s24 =	simm.s32 $0x2800;
	[sflag:s16] =	ssyncset.done $0x0  }
.LBB2_3:
0x6c: {  	s28 =	sshra.s32 s25, $0x2  }
0x6d: {  	[sflag:s16] =	ssyncadd.s32 $0xFFFFD800;
	s25 =	smov.u32 s26;
	s29 =	sadd.s32 $0x140, s26  }
0x6e: {  	[tilespmem:s20], [sflag:$0x1] =	stream.indirect.gather [hbm4b:s4+s19], $0x80, s28, s19, $0xb8;
	[tilespmem:$0x1CF80] =	vst v63  }
0x6f: {  	p1 =	sne.s32 s26, $0x9B00;
	_ =	swait.ge [sflag:s21], $0x2800  }
.Ltmp6:
0x70: {  	[sflag:s21] =	ssyncset.done $0x0;
	(pc) =	sbr.rel @p1 .LBB2_3-.Ltmp6, $4  }
0x71: {  	[sflag:s21] =	ssyncadd.s32 $0xFFFFD800  }
0x72: {  	[spmem:s1] =	stream.indirect.scatter.add.f32 [tilespmem:s20], [sflag:$0x2], $0x80, s24, s19, $0xb8;
	[tilespmem:$0x1CF80] =	vst v63  }
0x73: {  	_ =	swait.ge [sflag:s16], $0x2800  }
0x74: {  	s26 =	smov.u32 s29;
	s24 =	sadd.s32 $0x80, s24;
	[sflag:s16] =	ssyncset.done $0x0  }
0x75: {  	s25 =	sshra.s32 s25, $0x2;
	[sflag:s16] =	ssyncadd.s32 $0xFFFFD800  }
0x76: {  	[tilespmem:s20], [sflag:$0x1] =	stream.indirect.gather [hbm4b:s4+s19], $0x80, s25, s19, $0xb8;
	[tilespmem:$0x1CF80] =	vst v63  }
0x77: {  	_ =	swait.ge [sflag:s21], $0x2800  }
0x78: {  	[sflag:s21] =	ssyncset.done $0x0  }
0x79: {  	[sflag:s21] =	ssyncadd.s32 $0xFFFFD800  }
0x7a: {  	[spmem:s1] =	stream.indirect.scatter.add.f32 [tilespmem:s20], [sflag:$0x2], $0x80, s24, s19, $0xb8;
	[tilespmem:$0x1CF80] =	vst v63  }
0x7b: {  	_ =	swait.ge [sflag:s16], $0x2800  }
0x7c: {  	[sflag:s16] =	ssyncset.done $0x0  }
0x7d: {  	[sflag:s16] =	ssyncadd.s32 $0xFFFFD800  }
0x7e: {  	[bflag:$0x0] =	sbarrier.arrive $0xFFFF  }
0x7f: {  	[hbm:s9], [sflag:s17] =	dma.local [spmem:s18], $0x2800  }
0x80: {  	_ =	swait.ge [sflag:s16], $0x2800  }
0x81: {  	[sflag:s16] =	ssyncset.done $0x0  }
0x82: {  	[sflag:s16] =	ssyncadd.s32 $0xFFFFD800  }
0x83: {  	[bflag:$0x0] =	sbarrier.arrive $0xFFFF  }
0x84: {  	[spmem:s18], [sflag:s17] =	dma.local [hbm:s6], $0x2800  }
0x85: {  	_ =	swait.ge [sflag:s16], $0x2800  }
0x86: {  	[sflag:s16] =	ssyncset.done $0x0  }
0x87: {  	[sflag:s16] =	ssyncadd.s32 $0xFFFFD800  }
0x88: {  	s30 =	simm.s32 $0x0;
	[bflag:$0x0] =	sbarrier.arrive $0xFFFF  }
0x89: {  	[tilespmem:s20], [sflag:$0x1] =	stream.indirect.gather [hbm4b:s10+s19], $0x80, s30, s19, $0xb8;
	[tilespmem:$0x1CF80] =	vst v63  }
0x8a: {  	_ =	swait.ge [sflag:s21], $0x2800  }
0x8b: {  	[sflag:s21] =	ssyncset.done $0x0  }
0x8c: {  	s31 =	simm.s32 $0x2780;
	[sflag:s21] =	ssyncadd.s32 $0xFFFFD800  }
0x8d: {  	[spmem:s1] =	stream.indirect.scatter.add.f32 [tilespmem:s20], [sflag:$0x2], $0x80, s31, s19, $0xb8;
	[tilespmem:$0x1CF80] =	vst v63  }
0x8e: {  	s26 =	simm.s32 $0x280;
	_ =	swait.ge [sflag:s16], $0x2800  }
0x8f: {  	s25 =	simm.s32 $0x140;
	s24 =	simm.s32 $0x2800;
	[sflag:s16] =	ssyncset.done $0x0  }
.LBB2_5:
0x90: {  	s28 =	sshra.s32 s25, $0x2  }
0x91: {  	[sflag:s16] =	ssyncadd.s32 $0xFFFFD800;
	s25 =	smov.u32 s26;
	s29 =	sadd.s32 $0x140, s26  }
0x92: {  	[tilespmem:s20], [sflag:$0x1] =	stream.indirect.gather [hbm4b:s10+s19], $0x80, s28, s19, $0xb8;
	[tilespmem:$0x1CF80] =	vst v63  }
0x93: {  	p1 =	seq.s32 s26, $0x9B00;
	_ =	swait.ge [sflag:s21], $0x2800  }
.Ltmp7:
0x94: {  	[sflag:s21] =	ssyncset.done $0x0;
	(pc) =	sbr.rel @!p1 .LBB2_5-.Ltmp7, $4  }
0x95: {  	[sflag:s21] =	ssyncadd.s32 $0xFFFFD800  }
0x96: {  	[spmem:s1] =	stream.indirect.scatter.add.f32 [tilespmem:s20], [sflag:$0x2], $0x80, s24, s19, $0xb8;
	[tilespmem:$0x1CF80] =	vst v63  }
0x97: {  	_ =	swait.ge [sflag:s16], $0x2800  }
0x98: {  	s26 =	smov.u32 s29;
	s24 =	sadd.s32 $0x80, s24;
	[sflag:s16] =	ssyncset.done $0x0  }
0x99: {  	s25 =	sshra.s32 s25, $0x2;
	[sflag:s16] =	ssyncadd.s32 $0xFFFFD800  }
0x9a: {  	[tilespmem:s20], [sflag:$0x1] =	stream.indirect.gather [hbm4b:s10+s19], $0x80, s25, s19, $0xb8;
	[tilespmem:$0x1CF80] =	vst v63  }
0x9b: {  	_ =	swait.ge [sflag:s21], $0x2800  }
0x9c: {  	[sflag:s21] =	ssyncset.done $0x0  }
.Ltmp8:
0x9d: {  	[sflag:s21] =	ssyncadd.s32 $0xFFFFD800;
	(pc) =	sbr.rel .LBB2_12-.Ltmp8, $4  }
0x9e: {  	[spmem:s1] =	stream.indirect.scatter.add.f32 [tilespmem:s20], [sflag:$0x2], $0x80, s24, s19, $0xb8;
	[tilespmem:$0x1CF80] =	vst v63  }
0x9f: {  	_ =	swait.ge [sflag:s16], $0x2800  }
0xa0: {  	[sflag:s16] =	ssyncset.done $0x0  }
0xa1: {  	s24 =	smov.u32 s11;
	[sflag:s16] =	ssyncadd.s32 $0xFFFFD800  }
.LBB2_13:
0xa2: {  	_ =	sfence.sel $0x180000  }
0xa3: {  	[bflag:$0x0] =	sbarrier.arrive $0xFFFF  }
0xa4: {  	p0 =	sne.s32 s2, $0x0;
	_ =	strace $0x9000004D  }
0xa5: {  	s0 =	sadd.s32 @!p0 $0x100000, s0;
	[bflag:$0x2] =	sbarrier.arrive $0xFFFF  }
0xa6: {  	[sflag:s0] =	ssyncadd.tile.s32 @!p0 $0x1;
	_ =	shalt  }
.Lfunc_end2:
_tile_overlayer_lowered:
.L_overlay_start_2:
0xa7: {  	(tag) =	ssettag $0x2  }
0xa8: {  	s0 =	rddreg [dreg:$0x0];
	s2 =	stileid.u32  }
0xa9: {  	s1 =	rddreg [dreg:$0x1];
	p0 =	sne.s32 s2, $0x0  }
0xaa: {  	s3 =	rddreg [dreg:$0x2];
	[bflag:$0x3] =	sbarrier.arrive $0xFFFF;
	s2 =	simm.s32 @!p0 $0x1C02  }
0xab: {  	[timem:s3], [sflag:s2] =	dma.local @!p0 [hbm:s0], s1  }
0xac: {  	s0 =	simm.s32 @!p0 $0x2  }
0xad: {  	_ =	swait.ge @!p0 [sflag:s0], s1  }
0xae: {  	s1 =	ssub.s32 @!p0 $0x0, s1;
	[sflag:s0] =	ssyncset.done @!p0 $0x0  }
0xaf: {  	[sflag:s0] =	ssyncadd.s32 @!p0 s1  }
0xb0: {  	[bflag:$0x3] =	sbarrier.arrive $0xFFFF  }
0xb1: {  	_ =	shalt  }

// kernel: kernel.8.cloned.1.call-start
scs
__scs_entry_jumppad:
0x0: {  	(pc) =	sbr.rel $0x88, $3  }
0x1: {  	(tag) =	ssettag $0x0;
	lr =	simm.s32 $0x1  }
0x2: {  	[smem:$0x3F8F] =	sst lr;
	_ =	strace $0xD0000000  }
0x3: {  	_ = 	snop  }
0x4: {  	_ = 	snop  }
0x5: {  	_ = 	snop  }
0x6: {  	_ = 	snop  }
0x7: {  	_ = 	snop  }
__scs_overlays_trampoline_lowered:
0x8: {  	[smem:$0x3F9E] =	sst s0  }
0x9: {  	[smem:$0x3F9F] =	sst s1  }
0xa: {  	[smem:$0x3FA0] =	sst s2  }
0xb: {  	[smem:$0x3FA1] =	sst s3  }
0xc: {  	[smem:$0x3FA2] =	sst s4  }
0xd: {  	[smem:$0x3FA3] =	sst s5  }
0xe: {  	[smem:$0x3FA4] =	sst s6  }
0xf: {  	[smem:$0x3FA5] =	sst s7  }
0x10: {  	[smem:$0x3FA6] =	sst s8  }
0x11: {  	[smem:$0x3FA7] =	sst s9;
	s0 =	simm.s32 @!p0 $0x0  }
0x12: {  	s1 =	sld [smem:$0x3F8D];
	s0 =	simm.s32 @p0 $0x1  }
0x13: {  	[smem:$0x3FA8] =	sst s0;
	s0 =	simm.s32 @!p1 $0x0  }
0x14: {  	s2 =	sld [smem:$0x3F8C];
	s0 =	simm.s32 @p1 $0x1  }
0x15: {  	[smem:$0x3FA9] =	sst s0;
	s0 =	simm.s32 @!p2 $0x0  }
0x16: {  	s3 =	sld [smem:$0x3FDB];
	s0 =	simm.s32 @p2 $0x1  }
0x17: {  	s4 =	simm.s32 $0x1BF5;
	[smem:$0x3FAB] =	sst s0  }
0x18: {  	s0 =	sld [smem:$0x3F8E];
	_ =	swait.ge [sflag:s4], $0x0  }
0x19: {  	s7 =	sld [smem:$0x3F8F]  }
0x1a: {  	s8 =	sadd.s32 $0xFFFFE003, lr  }
0x1b: {  	s9 =	sadd.s32 $0xFFFFFEF7, lr;
	s5 =	simm.s32 $0xFFFFFFFF;
	p2 =	slt.u32 s8, $0xFFFFF086  }
0x1c: {  	p1 =	slt.u32 s9, $0xF7A;
	s5 =	simm.s32 @!p2 $0x0  }
0x1d: {  	s5 =	simm.s32 @p1 $0x1;
	p0 =	seq.s32 s7, s2  }
0x1e: {  	s7 =	smul.u32 @!p0 $0xF7A, s2;
	p2 =	seq.s32 @!p0 s5, $0x0  }
0x1f: {  	s9 =	smul.u32 $0xF7A, s1;
	s8 =	simm.s32 @!p0 $0x1BF5;
	p2 =	por !p2, p0  }
0x20: {  	[sflag:s8] =	ssyncset.s32 @!p0 $0xFFFFF086;
	s6 =	sadd.s32 @!p0 s3, s7;
	s7 =	simm.s32 @!p0 $0x108  }
0x21: {  	s3 =	sadd.s32 s3, s9;
	s6 =	sadd.s32 @!p0 $0x88, s6;
	s7 =	simm.s32 @p2 $0x1082  }
0x22: {  	[simem:s7], [sflag:s8] =	dma.local @!p0 [hbm:s6], $0xF7A  }
0x23: {  	s9 =	sor.u32 $0xD0000000, s2;
	s6 =	simm.s32 $0x108;
	_ =	swait.ge @!p0 [sflag:s8], $0x0  }
0x24: {  	s3 =	sadd.s32 $0x88, s3;
	s6 =	simm.s32 @!p1 $0x1082;
	[sflag:s4] =	ssyncset.s32 $0xFFFFF086  }
0x25: {  	[simem:s6], [sflag:s4] =	dma.local [hbm:s3], $0xF7A  }
0x26: {  	[smem:$0x3F8F] =	sst s1;
	(tag) =	ssettag s2;
	_ =	strace s9  }
0x27: {  	s1 =	sld [smem:$0x3F9F]  }
0x28: {  	s2 =	sld [smem:$0x3FA0]  }
0x29: {  	s4 =	sld [smem:$0x3FA2]  }
0x2a: {  	p0 =	seq.s32 s5, $0x0;
	s5 =	sld [smem:$0x3FA3]  }
0x2b: {  	s6 =	sld [smem:$0x3FA4]  }
0x2c: {  	s7 =	sld [smem:$0x3FA5]  }
0x2d: {  	s3 =	simm.s32 $0x108;
	s8 =	sld [smem:$0x3FA6]  }
0x2e: {  	s3 =	simm.s32 @!p0 $0x1082;
	s9 =	sld [smem:$0x3FA7]  }
0x2f: {  	lr =	sadd.s32 s0, s3;
	s0 =	sld [smem:$0x3F9E]  }
0x30: {  	s3 =	sld [smem:$0x3FA1]  }
0x31: {  	[smem:$0x3FAA] =	sst s10  }
0x32: {  	s10 =	sld [smem:$0x3FA8];
	_ =	sdelay $0x3  }
0x33: {  	p0 =	seq.s32 s10, $0x1;
	s10 =	sld [smem:$0x3FAA];
	_ =	sdelay $0x3  }
0x34: {  	[smem:$0x3FAA] =	sst s10  }
0x35: {  	s10 =	sld [smem:$0x3FA9];
	_ =	sdelay $0x3  }
0x36: {  	p1 =	seq.s32 s10, $0x1;
	s10 =	sld [smem:$0x3FAA];
	_ =	sdelay $0x3  }
0x37: {  	[smem:$0x3FAA] =	sst s10  }
0x38: {  	s10 =	sld [smem:$0x3FAB]  }
0x39: {  	_ = 	snop;
	(pc) =	sbr.ind lr, $3  }
0x3a: {  	_ = 	snop  }
0x3b: {  	_ = 	snop  }
0x3c: {  	p2 =	seq.s32 s10, $0x1;
	s10 =	sld [smem:$0x3FAA]  }
0x3d: {  	_ =	shalt  }
0x3e: {  	_ =	shalt  }
0x3f: {  	_ =	shalt  }
0x40: {  	_ =	shalt  }
0x41: {  	_ =	shalt  }
0x42: {  	_ =	shalt  }
0x43: {  	_ =	shalt  }
0x44: {  	_ =	shalt  }
0x45: {  	_ =	shalt  }
0x46: {  	_ =	shalt  }
0x47: {  	_ =	shalt  }
0x48: {  	_ =	shalt  }
0x49: {  	_ =	shalt  }
0x4a: {  	_ =	shalt  }
0x4b: {  	_ =	shalt  }
0x4c: {  	_ =	shalt  }
0x4d: {  	_ =	shalt  }
0x4e: {  	_ =	shalt  }
0x4f: {  	_ =	shalt  }
0x50: {  	_ =	shalt  }
0x51: {  	_ =	shalt  }
0x52: {  	_ =	shalt  }
0x53: {  	_ =	shalt  }
0x54: {  	_ =	shalt  }
0x55: {  	_ =	shalt  }
0x56: {  	_ =	shalt  }
0x57: {  	_ =	shalt  }
0x58: {  	_ =	shalt  }
0x59: {  	_ =	shalt  }
0x5a: {  	_ =	shalt  }
0x5b: {  	_ =	shalt  }
0x5c: {  	_ =	shalt  }
0x5d: {  	_ =	shalt  }
0x5e: {  	_ =	shalt  }
0x5f: {  	_ =	shalt  }
0x60: {  	_ =	shalt  }
0x61: {  	_ =	shalt  }
0x62: {  	_ =	shalt  }
0x63: {  	_ =	shalt  }
0x64: {  	_ =	shalt  }
0x65: {  	_ =	shalt  }
0x66: {  	_ =	shalt  }
0x67: {  	_ =	shalt  }
0x68: {  	_ =	shalt  }
0x69: {  	_ =	shalt  }
0x6a: {  	_ =	shalt  }
0x6b: {  	_ =	shalt  }
0x6c: {  	_ =	shalt  }
0x6d: {  	_ =	shalt  }
0x6e: {  	_ =	shalt  }
0x6f: {  	_ =	shalt  }
0x70: {  	_ =	shalt  }
0x71: {  	_ =	shalt  }
0x72: {  	_ =	shalt  }
0x73: {  	_ =	shalt  }
0x74: {  	_ =	shalt  }
0x75: {  	_ =	shalt  }
0x76: {  	_ =	shalt  }
0x77: {  	_ =	shalt  }
0x78: {  	_ =	shalt  }
0x79: {  	_ =	shalt  }
0x7a: {  	_ =	shalt  }
0x7b: {  	_ =	shalt  }
0x7c: {  	_ =	shalt  }
0x7d: {  	_ =	shalt  }
0x7e: {  	_ =	shalt  }
0x7f: {  	_ =	shalt  }
0x80: {  	_ =	shalt  }
0x81: {  	_ =	shalt  }
0x82: {  	_ =	shalt  }
0x83: {  	_ =	shalt  }
0x84: {  	_ =	shalt  }
0x85: {  	_ =	shalt  }
0x86: {  	_ =	shalt  }
0x87: {  	_ =	shalt  }
.Lfunc_end0:
.L_simem_size_0:
called_computation_lowered:
.L_overlay_start_0:
0x88: {  	s2 =	sld [smem:$0x3FD9]  }
0x89: {  	s3 =	sld [smem:$0x3FFE];
	_ =	sdelay $0x1  }
0x8a: {  	s1 =	srdreg.scid  }
0x8b: {  	s0 =	sand.u32 $0x1, s1  }
0x8c: {  	s16 =	sshll.u32 s0, $0xA;
	s2 =	sadd.s32 s3, s2  }
0x8d: {  	s2 =	sadd.s32 s2, s16  }
0x8e: {  	[smem:$0x3FB6] =	sst s2  }
0x8f: {  	_ = 	snop  }
0x90: {  	(tm) =	ssettm $0x1  }
0x91: {  	s17 =	sld [smem:$0x3FFB];
	_ =	sdelay $0x3  }
0x92: {  	_ =	strace s17  }
0x93: {  	s2 =	sld [smem:$0x3FFC];
	_ =	sdelay $0x3  }
0x94: {  	_ =	strace s2  }
0x95: {  	s2 =	sld [smem:$0x3FFD];
	_ =	sdelay $0x3  }
0x96: {  	_ =	strace s2  }
0x97: {  	_ =	strace $0x8FFFFFFF  }
0x98: {  	s18 =	sld [smem:$0x3FDB];
	_ =	sdelay $0x1  }
0x99: {  	s19 =	simm.s32 $_scs_section_size  }
0x9a: {  	s4 =	simm.s32 $_size__tile_overlayer_lowered;
	s5 =	simm.s32 $_tile_overlayer_lowered  }
0x9b: {  	s22 =	simm.s32 $0x1BFF;
	s21 =	sshll.u32 s5, $0x1;
	s2 =	sadd.s32 s19, s18  }
0x9c: {  	s6 =	simm.s32 $0x0;
	s20 =	sshll.u32 s4, $0x1;
	s4 =	sadd.s32 s21, s2  }
0x9d: {  	[timem:s6], [sflag:s22] =	dma.local [hbm:s4], s20  }
0x9e: {  	_ =	swait.ge [sflag:s22], s20  }
0x9f: {  	s3 =	ssub.s32 $0x0, s20;
	[sflag:s22] =	ssyncset.done $0x0  }
0xa0: {  	[sflag:s22] =	ssyncadd.s32 s3;
	_ =	sdelay $0x1  }
0xa1: {  	s23 =	simm.s32 $0x1B8B  }
0xa2: {  	_ =	swait.ge [sflag:s23], $0x1  }
0xa3: {  	[sflag:s23] =	ssyncset.done $0x0  }
0xa4: {  	s25 =	simm.s32 $0x1B8E;
	s24 =	sld [smem:$0x3FFE];
	[sflag:s23] =	ssyncadd.s32 $0xFFFFFFFF  }
0xa5: {  	s26 =	simm.s32 $execute0_lowered;
	[smem:$0x3FD2] =	sst s25  }
0xa6: {  	s4 =	sshll.u32 s26, $0x1;
	_ =	strace $0x80000046;
	[dreg:$0x1] =	wrdreg $0xFFFFFFFF  }
0xa7: {  	s28 =	simm.s32 $_size_execute0_lowered;
	s2 =	sadd.s32 s2, s4;
	[dreg:$0x0] =	wrdreg $0x0  }
0xa8: {  	s4 =	sshll.u32 s28, $0x1;
	[dreg:$0x2] =	wrdreg s2  }
0xa9: {  	[dreg:$0x3] =	wrdreg s4  }
0xaa: {  	[dreg:$0x4] =	wrdreg $0xC0  }
0xab: {  	_ =	task [dreg:s6], $0x5FFFF  }
0xac: {  	[dreg:$0x1] =	wrdreg $0xFFFFFFFF  }
0xad: {  	[dreg:$0x0] =	wrdreg $0x60  }
0xae: {  	[dreg:$0x2] =	wrdreg s24  }
0xaf: {  	[dreg:$0x3] =	wrdreg $0xAF800  }
0xb0: {  	[dreg:$0x4] =	wrdreg $0x9  }
0xb1: {  	_ =	task.clear_ibuf [dreg:s6], $0x5FFFF;
	_ =	strace $0x90000046  }
0xb2: {  	s29 =	simm.s32 $0x9;
	_ =	strace $0x80000048  }
0xb3: {  	_ =	swait.ge [sflag:s29], $0x1  }
0xb4: {  	[sflag:s29] =	ssyncadd.s32 $0xFFFFFFFF  }
0xb5: {  	_ =	strace $0x90000048  }
0xb6: {  	_ =	sfence  }
0xb7: {  	s30 =	sld [smem:$0x0];
	_ =	sdelay $0x2  }
0xb8: {  	s31 =	sshll.u32 s1, $0xD;
	s1 =	sshrl.u32 s1, $0x2  }
0xb9: {  	s3 =	sand.u32 $0x4000, s31;
	s1 =	sadd.s32 s1, s30  }
0xba: {  	s0 =	sor.u32 s3, s0;
	s1 =	sshll.u32 s1, $0x11  }
0xbb: {  	s0 =	sor.u32 s1, s0  }
0xbc: {  	s0 =	sadd.s32 $0x8F2B, s0  }
0xbd: {  	[sflag:s0] =	ssyncadd.remote.s32 $0x1  }
0xbe: {  	_ =	sfence.sel $0xFFFF  }
0xbf: {  	[dreg:$0x0] =	wrdreg $0xFFFFFFFF;
	(pc) =	sbr.abs _section_cstart, $3  }
0xc0: {  	[dreg:$0x1] =	wrdreg $0xFFFFFFFF  }
0xc1: {  	_ =	task.clear_ibuf [dreg:s6], $0x2FFFF;
	_ =	strace $0x9FFFFFFF  }
0xc2: {  	(tm) =	ssettm $0x7FFFFFFF  }
0xc3: {  	_ =	shalt  }
tec
execute0_lowered:
.L_overlay_start_1:
0x0: {  	(tag) =	ssettag $0x1  }
0x1: {  	s11 =	rddreg [dreg:$0x0]  }
0x2: {  	s2 =	rddreg [dreg:$0x1]  }
0x3: {  	s0 =	rddreg [dreg:$0x2]  }
0x4: {  	s3 =	simm.s32 $0x0;
	s1 =	stileid.u32;
	s6 =	srdreg.scid  }
0x5: {  	s18 =	simm.s32 $0x1;
	s20 =	simm.s32 $0x6780;
	[smem:$0x7FF] =	sst s3  }
0x6: {  	s5 =	smul.u32 $0x4E2, s1;
	s4 =	sadd.s32 $0x18400, s11;
	s26 =	sshll.u32 s1, $0xB  }
0x7: {  	s28 =	sshll.u32 s1, $0xA;
	s10 =	sand.u32 $0x1, s6;
	s14 =	smul.u32 $0x50000, s1  }
0x8: {  	s6 =	sadd.s32 $0x66600, s11;
	s15 =	sadd.s32 $0x69400, s11;
	s21 =	smul.u32 $0x2800, s1  }
0x9: {  	s19 =	sadd.s32 $0x91400, s11;
	s31 =	sshll.u32 s1, $0x6;
	_ =	strace $0x80000047  }
0xa: {  	s8 =	sadd.s32 s26, s11;
	s12 =	sadd.s32 s28, s11;
	s9 =	ssub.s32 $0x2, s10  }
0xb: {  	s30 =	smul.u32 $0x140000, s10;
	p0 =	seq.s32 s10, $0x1;
	s17 =	sshll.u32 s10, $0xE  }
0xc: {  	s10 =	sadd.s32 $0x3F500, s11;
	s7 =	sadd.s32 s5, s11;
	s5 =	sadd.s32 $0x68E00, s11  }
0xd: {  	s13 =	sshrl.u32 s9, $0x1;
	s29 =	sshrl.u32 s14, $0x2;
	s8 =	sadd.s32 $0x10400, s8  }
0xe: {  	s12 =	sadd.s32 s17, s12;
	s17 =	simm.s32 $0x8780;
	s19 =	sadd.s32 s21, s19  }
0xf: {  	s13 =	ssub.s32 s9, s13;
	s7 =	sadd.s32 $0x3400, s7;
	s16 =	sadd.s32 s29, s2  }
0x10: {  	s9 =	sadd.s32 s15, s21;
	s14 =	sshrl.u32 s30, $0x3;
	s11 =	sadd.s32 $0x8400, s12  }
0x11: {  	s14 =	sadd.s32 s15, s14;
	s12 =	smax.u32 s13, $0x1;
	s13 =	simm.s32 $0x2  }
0x12: {  	s15 =	sshrl.u32 s16, $0x3;
	s16 =	simm.s32 $0x50;
	s22 =	sadd.s32 $0x50000, s14  }
0x13: {  	s14 =	sor.u32 $0x1C02, s31;
	s21 =	sadd.s32 s21, s22;
	s22 =	simm.s32 $0x0  }
.LBB2_1:
0x14: {  	[tilespmem:s3], [sflag:$0x2] =	stream.linear.gather [hbm4b:s7+s3], $0x2710, $0x38;
	[tilespmem:$0x1EF80] =	vst v63  }
0x15: {  	_ =	swait.ge [sflag:s13], $0x2710  }
0x16: {  	[sflag:s13] =	ssyncset.done $0x0  }
0x17: {  	s23 =	simm.s32 $0x2780;
	[sflag:s13] =	ssyncadd.s32 $0xFFFFD8F0  }
0x18: {  	[tilespmem:s23], [sflag:$0x2] =	stream.linear.gather [hbm4b:s8+s3], $0x4000, $0x38;
	[tilespmem:$0x1EF80] =	vst v63  }
0x19: {  	_ =	swait.ge [sflag:s13], $0x4000  }
0x1a: {  	[sflag:s13] =	ssyncset.done $0x0  }
0x1b: {  	[sflag:s13] =	ssyncadd.s32 $0xFFFFC000  }
0x1c: {  	[spmem:s15], [sflag:s14] =	dma.local [hbm:s6], $0x2800  }
.Ltmp0:
0x1d: {  	_ =	swait.ge [sflag:s13], $0x2800;
	(pc) =	sbr.rel @!p0 .LBB2_2-.Ltmp0, $4  }
0x1e: {  	[sflag:s13] =	ssyncset.done $0x0  }
0x1f: {  	[sflag:s13] =	ssyncadd.s32 $0xFFFFD800  }
0x20: {  	[bflag:$0x0] =	sbarrier.arrive $0xFFFF  }
0x21: {  	s24 =	simm.s32 $0x0  }
0x22: {  	[tilespmem:s17], [sflag:$0x1] =	stream.indirect.gather [hbm4b:s10+s16], $0x80, s24, s16, $0xb8;
	[tilespmem:$0x1EF80] =	vst v63  }
0x23: {  	_ =	swait.ge [sflag:s18], $0x2800  }
0x24: {  	[sflag:s18] =	ssyncset.done $0x0  }
0x25: {  	[sflag:s18] =	ssyncadd.s32 $0xFFFFD800  }
0x26: {  	[spmem:s2] =	stream.indirect.scatter.add.f32 [tilespmem:s17], [sflag:$0x2], $0x80, s23, s16, $0xb8;
	[tilespmem:$0x1EF80] =	vst v63  }
0x27: {  	s24 =	simm.s32 $0x140;
	_ =	swait.ge [sflag:s13], $0x2800  }
0x28: {  	s25 =	simm.s32 $0x280;
	s23 =	simm.s32 $0x2800;
	[sflag:s13] =	ssyncset.done $0x0  }
.LBB2_6:
0x29: {  	s26 =	sshra.s32 s24, $0x2  }
0x2a: {  	[sflag:s13] =	ssyncadd.s32 $0xFFFFD800;
	s24 =	smov.u32 s25;
	s28 =	sadd.s32 $0x140, s25  }
0x2b: {  	[tilespmem:s17], [sflag:$0x1] =	stream.indirect.gather [hbm4b:s10+s16], $0x80, s26, s16, $0xb8;
	[tilespmem:$0x1EF80] =	vst v63  }
0x2c: {  	p1 =	sne.s32 s25, $0x9B00;
	_ =	swait.ge [sflag:s18], $0x2800  }
.Ltmp1:
0x2d: {  	[sflag:s18] =	ssyncset.done $0x0;
	(pc) =	sbr.rel @p1 .LBB2_6-.Ltmp1, $4  }
0x2e: {  	[sflag:s18] =	ssyncadd.s32 $0xFFFFD800  }
0x2f: {  	[spmem:s2] =	stream.indirect.scatter.add.f32 [tilespmem:s17], [sflag:$0x2], $0x80, s23, s16, $0xb8;
	[tilespmem:$0x1EF80] =	vst v63  }
0x30: {  	_ =	swait.ge [sflag:s13], $0x2800  }
0x31: {  	s25 =	smov.u32 s28;
	s23 =	sadd.s32 $0x80, s23;
	[sflag:s13] =	ssyncset.done $0x0  }
0x32: {  	s24 =	sshra.s32 s24, $0x2;
	[sflag:s13] =	ssyncadd.s32 $0xFFFFD800  }
0x33: {  	[tilespmem:s17], [sflag:$0x1] =	stream.indirect.gather [hbm4b:s10+s16], $0x80, s24, s16, $0xb8;
	[tilespmem:$0x1EF80] =	vst v63  }
0x34: {  	_ =	swait.ge [sflag:s18], $0x2800  }
0x35: {  	[sflag:s18] =	ssyncset.done $0x0  }
0x36: {  	[sflag:s18] =	ssyncadd.s32 $0xFFFFD800  }
0x37: {  	[spmem:s2] =	stream.indirect.scatter.add.f32 [tilespmem:s17], [sflag:$0x2], $0x80, s23, s16, $0xb8;
	[tilespmem:$0x1EF80] =	vst v63  }
.Ltmp2:
0x38: {  	_ =	swait.ge [sflag:s13], $0x2800;
	(pc) =	sbr.rel .LBB2_8-.Ltmp2, $4  }
0x39: {  	[sflag:s13] =	ssyncset.done $0x0  }
0x3a: {  	[sflag:s13] =	ssyncadd.s32 $0xFFFFD800  }
0x3b: {  	[bflag:$0x0] =	sbarrier.arrive $0xFFFF  }
0x3c: {  	s23 =	smov.u32 s19  }
.LBB2_2:
0x3d: {  	[tilespmem:s17], [sflag:$0x1] =	stream.indirect.gather [hbm4b:s4+s16], $0x80, s24, s16, $0xb8;
	[tilespmem:$0x1EF80] =	vst v63  }
0x3e: {  	_ =	swait.ge [sflag:s18], $0x2800  }
0x3f: {  	[sflag:s18] =	ssyncset.done $0x0  }
0x40: {  	[sflag:s18] =	ssyncadd.s32 $0xFFFFD800  }
0x41: {  	[spmem:s2] =	stream.indirect.scatter.add.f32 [tilespmem:s17], [sflag:$0x2], $0x80, s23, s16, $0xb8;
	[tilespmem:$0x1EF80] =	vst v63  }
0x42: {  	s24 =	simm.s32 $0x140;
	_ =	swait.ge [sflag:s13], $0x2800  }
0x43: {  	s25 =	simm.s32 $0x280;
	s23 =	simm.s32 $0x2800;
	[sflag:s13] =	ssyncset.done $0x0  }
.LBB2_3:
0x44: {  	s26 =	sshra.s32 s24, $0x2  }
0x45: {  	[sflag:s13] =	ssyncadd.s32 $0xFFFFD800;
	s24 =	smov.u32 s25;
	s28 =	sadd.s32 $0x140, s25  }
0x46: {  	[tilespmem:s17], [sflag:$0x1] =	stream.indirect.gather [hbm4b:s4+s16], $0x80, s26, s16, $0xb8;
	[tilespmem:$0x1EF80] =	vst v63  }
0x47: {  	p1 =	sne.s32 s25, $0x9B00;
	_ =	swait.ge [sflag:s18], $0x2800  }
.Ltmp3:
0x48: {  	[sflag:s18] =	ssyncset.done $0x0;
	(pc) =	sbr.rel @p1 .LBB2_3-.Ltmp3, $4  }
0x49: {  	[sflag:s18] =	ssyncadd.s32 $0xFFFFD800  }
0x4a: {  	[spmem:s2] =	stream.indirect.scatter.add.f32 [tilespmem:s17], [sflag:$0x2], $0x80, s23, s16, $0xb8;
	[tilespmem:$0x1EF80] =	vst v63  }
0x4b: {  	_ =	swait.ge [sflag:s13], $0x2800  }
0x4c: {  	s25 =	smov.u32 s28;
	s23 =	sadd.s32 $0x80, s23;
	[sflag:s13] =	ssyncset.done $0x0  }
0x4d: {  	s24 =	sshra.s32 s24, $0x2;
	[sflag:s13] =	ssyncadd.s32 $0xFFFFD800  }
0x4e: {  	[tilespmem:s17], [sflag:$0x1] =	stream.indirect.gather [hbm4b:s4+s16], $0x80, s24, s16, $0xb8;
	[tilespmem:$0x1EF80] =	vst v63  }
0x4f: {  	_ =	swait.ge [sflag:s18], $0x2800  }
0x50: {  	[sflag:s18] =	ssyncset.done $0x0  }
0x51: {  	[sflag:s18] =	ssyncadd.s32 $0xFFFFD800  }
0x52: {  	[spmem:s2] =	stream.indirect.scatter.add.f32 [tilespmem:s17], [sflag:$0x2], $0x80, s23, s16, $0xb8;
	[tilespmem:$0x1EF80] =	vst v63  }
0x53: {  	_ =	swait.ge [sflag:s13], $0x2800  }
0x54: {  	[sflag:s13] =	ssyncset.done $0x0  }
0x55: {  	[sflag:s13] =	ssyncadd.s32 $0xFFFFD800  }
0x56: {  	s23 =	smov.u32 s9;
	[bflag:$0x0] =	sbarrier.arrive $0xFFFF  }
.LBB2_8:
0x57: {  	[hbm:s23], [sflag:s14] =	dma.local [spmem:s15], $0x2800  }
0x58: {  	_ =	swait.ge [sflag:s13], $0x2800  }
0x59: {  	[sflag:s13] =	ssyncset.done $0x0  }
0x5a: {  	[sflag:s13] =	ssyncadd.s32 $0xFFFFD800  }
0x5b: {  	s30 =	simm.s32 $0x0;
	[bflag:$0x0] =	sbarrier.arrive $0xFFFF  }
0x5c: {  	[tilespmem:s17], [sflag:$0x2] =	stream.linear.gather [hbm4b:s5+s30], $0x2800, $0x38;
	[tilespmem:$0x1EF80] =	vst v63  }
0x5d: {  	_ =	swait.ge [sflag:s13], $0x2800  }
0x5e: {  	[sflag:s13] =	ssyncset.done $0x0  }
0x5f: {  	[sflag:s13] =	ssyncadd.s32 $0xFFFFD800  }
0x60: {  	[tilespmem:s20], [sflag:$0x2] =	stream.linear.gather [hbm4b:s11+s30], $0x2000, $0x38;
	[tilespmem:$0x1EF80] =	vst v63  }
0x61: {  	_ =	swait.ge [sflag:s13], $0x2000  }
0x62: {  	[sflag:s13] =	ssyncset.done $0x0  }
0x63: {  	[sflag:s13] =	ssyncadd.s32 $0xFFFFE000  }
0x64: {  	[spmem:s15], [sflag:s14] =	dma.local [hbm:s6], $0x2800  }
0x65: {  	_ =	swait.ge [sflag:s13], $0x2800  }
0x66: {  	[sflag:s13] =	ssyncset.done $0x0  }
0x67: {  	[sflag:s13] =	ssyncadd.s32 $0xFFFFD800  }
0x68: {  	s31 =	simm.s32 $0x6780;
	[bflag:$0x0] =	sbarrier.arrive $0xFFFF  }
0x69: {  	[spmem:s2] =	stream.indirect.scatter.add.f32 [tilespmem:s17], [sflag:$0x2], $0x80, s31, s16, $0xb8;
	[tilespmem:$0x1EF80] =	vst v63  }
0x6a: {  	s23 =	simm.s32 $0x200;
	_ =	swait.ge [sflag:s13], $0x2800  }
.LBB2_9:
0x6b: {  	s24 =	sshra.s32 s23, $0x2;
	[sflag:s13] =	ssyncset.done $0x0;
	p1 =	sne.s32 s23, $0x7E00  }
.Ltmp4:
0x6c: {  	s24 =	sadd.s32 $0x6780, s24;
	[sflag:s13] =	ssyncadd.s32 $0xFFFFD800;
	(pc) =	sbr.rel @p1 .LBB2_9-.Ltmp4, $3  }
0x6d: {  	[spmem:s2] =	stream.indirect.scatter.add.f32 [tilespmem:s17], [sflag:$0x2], $0x80, s24, s16, $0xb8;
	[tilespmem:$0x1EF80] =	vst v63  }
0x6e: {  	s23 =	sadd.s32 $0x200, s23;
	_ =	sdelay $0x1  }
0x6f: {  	_ =	swait.ge [sflag:s13], $0x2800  }
0x70: {  	[sflag:s13] =	ssyncset.done $0x0;
	s22 =	sadd.s32 $0x1, s22  }
0x71: {  	[sflag:s13] =	ssyncadd.s32 $0xFFFFD800;
	p1 =	sne.s32 s22, s12  }
.Ltmp5:
0x72: {  	[bflag:$0x0] =	sbarrier.arrive $0xFFFF;
	(pc) =	sbr.rel @p1 .LBB2_1-.Ltmp5, $4  }
0x73: {  	[hbm:s21], [sflag:s14] =	dma.local [spmem:s15], $0x2800  }
0x74: {  	_ =	swait.ge [sflag:s13], $0x2800  }
0x75: {  	[sflag:s13] =	ssyncset.done $0x0  }
0x76: {  	[sflag:s13] =	ssyncadd.s32 $0xFFFFD800  }
0x77: {  	_ =	sfence.sel $0x180000  }
0x78: {  	[bflag:$0x0] =	sbarrier.arrive $0xFFFF  }
0x79: {  	p0 =	sne.s32 s1, $0x0;
	_ =	strace $0x90000047  }
0x7a: {  	s0 =	sadd.s32 @!p0 $0x100000, s0;
	[bflag:$0x2] =	sbarrier.arrive $0xFFFF  }
0x7b: {  	[sflag:s0] =	ssyncadd.tile.s32 @!p0 $0x1;
	_ =	shalt  }
.Lfunc_end2:
_tile_overlayer_lowered:
.L_overlay_start_2:
0x7c: {  	(tag) =	ssettag $0x2  }
0x7d: {  	s0 =	rddreg [dreg:$0x0];
	s2 =	stileid.u32  }
0x7e: {  	s1 =	rddreg [dreg:$0x1];
	p0 =	sne.s32 s2, $0x0  }
0x7f: {  	s3 =	rddreg [dreg:$0x2];
	[bflag:$0x3] =	sbarrier.arrive $0xFFFF;
	s2 =	simm.s32 @!p0 $0x1C02  }
0x80: {  	[timem:s3], [sflag:s2] =	dma.local @!p0 [hbm:s0], s1  }
0x81: {  	s0 =	simm.s32 @!p0 $0x2  }
0x82: {  	_ =	swait.ge @!p0 [sflag:s0], s1  }
0x83: {  	s1 =	ssub.s32 @!p0 $0x0, s1;
	[sflag:s0] =	ssyncset.done @!p0 $0x0  }
0x84: {  	[sflag:s0] =	ssyncadd.s32 @!p0 s1  }
0x85: {  	[bflag:$0x3] =	sbarrier.arrive $0xFFFF  }
0x86: {  	_ =	shalt  }

</sc_bundles>
